<compile_context>
chip_gen: v7x
topology: tpu7x:2x2x1
jax: 0.10.2.dev20260603
libtpu: 0.0.44.dev20260713+nightly
codegen_flags: <defaults>
</compile_context>

<pallas_src>
import functools

import jax
import jax.numpy as jnp
from jax import lax
from jax.experimental import pallas as pl
from jax.experimental.pallas import tpu as pltpu
from jax.experimental.pallas import tpu_sc as plsc

N = 10000
NP = 10240
E = 320000
CH = 64
EP = 327680
NCHT = EP // CH
TBIG = 240
TSML = 80
BIGC = 0
RPT = NP // 16
NBUF = 2
TD = NCHT // 32

_MESH_KW = dict(core_axis_name="c", subcore_axis_name="s")


def _make_deg():

    @functools.partial(
        pl.kernel,
        out_type=jax.ShapeDtypeStruct((2, NP, 16), jnp.float32),
        mesh=plsc.VectorSubcoreMesh(**_MESH_KW),
        compiler_params=pltpu.CompilerParams(use_tc_tiling_on_sc=False),
        scratch_types=[
            pltpu.VMEM((TD, CH), jnp.int32),
            pltpu.VMEM((CH, 16), jnp.float32),
            pltpu.VMEM_SHARED((NP, 16), jnp.float32),
        ],
    )
    def deg_kernel(dst_hbm, ones_hbm, zeros_hbm, out_hbm, dst_v, ones_v, acc):
        c = lax.axis_index("c")
        s = lax.axis_index("s")
        wid = c * 16 + s
        pltpu.sync_copy(dst_hbm.at[pl.ds(wid * TD, TD)], dst_v)
        pltpu.sync_copy(ones_hbm, ones_v)
        for r in range(RPT // 128):
            pltpu.sync_copy(zeros_hbm, acc.at[pl.ds(s * RPT + r * 128, 128)])
        plsc.subcore_barrier()

        def body(j, carry):
            pltpu.sync_copy(ones_v, acc.at[dst_v.at[j]], add=True)
            return carry

        lax.fori_loop(0, TD, body, 0)
        plsc.subcore_barrier()
        for r in range(RPT // 128):
            rr = s * RPT + r * 128
            pltpu.sync_copy(acc.at[pl.ds(rr, 128)], out_hbm.at[c, pl.ds(rr, 128)])

    return deg_kernel


def _make_agg(d_feat, nbuf):

    @functools.partial(
        pl.kernel,
        out_type=jax.ShapeDtypeStruct((2, NP, d_feat), jnp.float32),
        mesh=plsc.VectorSubcoreMesh(**_MESH_KW),
        compiler_params=pltpu.CompilerParams(use_tc_tiling_on_sc=False),
        scratch_types=[
            pltpu.VMEM((TBIG, CH), jnp.int32),
            pltpu.VMEM((TBIG, CH), jnp.int32),
            [pltpu.VMEM((CH, d_feat), jnp.float32) for _ in range(nbuf)],
            pltpu.VMEM_SHARED((NP, d_feat), jnp.float32),
            [pltpu.SemaphoreType.DMA for _ in range(nbuf)],
        ],
    )
    def agg_kernel(hs_hbm, src_hbm, dst_hbm, zeros_hbm, out_hbm,
                   src_v, dst_v, gbufs, acc, gsems):
        c = lax.axis_index("c")
        s = lax.axis_index("s")
        for r in range(RPT // 128):
            pltpu.sync_copy(zeros_hbm, acc.at[pl.ds(s * RPT + r * 128, 128)])

        def run(t_chunks, base):
            pltpu.sync_copy(src_hbm.at[pl.ds(base, t_chunks)],
                            src_v.at[pl.ds(0, t_chunks)])
            pltpu.sync_copy(dst_hbm.at[pl.ds(base, t_chunks)],
                            dst_v.at[pl.ds(0, t_chunks)])
            for b in range(nbuf):
                pltpu.async_copy(hs_hbm.at[src_v.at[b]], gbufs[b], gsems[b])
            ngroup = t_chunks // nbuf

            def group(p, carry):
                for b in range(nbuf):
                    j = p * nbuf + b
                    pltpu.make_async_copy(hs_hbm.at[src_v.at[j]], gbufs[b],
                                          gsems[b]).wait()
                    pltpu.sync_copy(gbufs[b], acc.at[dst_v.at[j]], add=True)
                    pltpu.async_copy(hs_hbm.at[src_v.at[j + nbuf]], gbufs[b],
                                     gsems[b])
                return carry

            lax.fori_loop(0, ngroup - 1, group, 0)
            for b in range(nbuf):
                j = (ngroup - 1) * nbuf + b
                pltpu.make_async_copy(hs_hbm.at[src_v.at[j]], gbufs[b],
                                      gsems[b]).wait()
                pltpu.sync_copy(gbufs[b], acc.at[dst_v.at[j]], add=True)

        @pl.when(c == BIGC)
        def _():
            run(TBIG, s * TBIG)

        @pl.when(c == 1 - BIGC)
        def _():
            run(TSML, 16 * TBIG + s * TSML)

        plsc.subcore_barrier()
        for r in range(RPT // 128):
            rr = s * RPT + r * 128
            pltpu.sync_copy(acc.at[pl.ds(rr, 128)], out_hbm.at[c, pl.ds(rr, 128)])

    return agg_kernel


_deg_kernel = _make_deg()
_agg128 = _make_agg(128, NBUF)
_agg64 = _make_agg(64, NBUF)


def _tc_pre(x_ref, w1t_ref, deg_ref, out_ref):
    d = deg_ref[...]
    s = lax.rsqrt(1.0 + d[0, :, 0:1] + d[1, :, 0:1])
    h = jnp.dot(x_ref[...], w1t_ref[...], preferred_element_type=jnp.float32)
    out_ref[...] = h * s


def _tc_mid(acc_ref, hs1_ref, deg_ref, b1_ref, w2t_ref, out_ref):
    d = deg_ref[...]
    s = lax.rsqrt(1.0 + d[0, :, 0:1] + d[1, :, 0:1])
    a = acc_ref[...]
    pre = (a[0] + a[1] + hs1_ref[...]) * s + b1_ref[...]
    h1 = jnp.maximum(pre, 0.0)
    out_ref[...] = jnp.dot(h1, w2t_ref[...], preferred_element_type=jnp.float32) * s


def _tc_post(acc_ref, hs2_ref, deg_ref, b2_ref, out_ref):
    d = deg_ref[...]
    s = lax.rsqrt(1.0 + d[0, :, 0:1] + d[1, :, 0:1])
    a = acc_ref[...]
    out_ref[...] = (a[0] + a[1] + hs2_ref[...]) * s + b2_ref[...]


def kernel(x, edge_index, W1, b1, W2, b2):
    src = edge_index[0]
    dst = edge_index[1]
    pad = jnp.full((EP - E,), N, dtype=jnp.int32)
    src2 = jnp.concatenate([src, pad]).reshape(NCHT, CH)
    dst2 = jnp.concatenate([dst, pad]).reshape(NCHT, CH)
    xp = jnp.pad(x, ((0, NP - N), (0, 0)))
    w1t = W1.T
    w2t = W2.T
    o16 = jnp.ones((CH, 16), jnp.float32)
    z16 = jnp.zeros((128, 16), jnp.float32)
    z128 = jnp.zeros((128, 128), jnp.float32)
    z64 = jnp.zeros((128, 64), jnp.float32)

    deg16 = _deg_kernel(dst2, o16, z16)

    hs1 = pl.pallas_call(
        _tc_pre,
        out_shape=jax.ShapeDtypeStruct((NP, 128), jnp.float32),
    )(xp, w1t, deg16)

    acc1 = _agg128(hs1, src2, dst2, z128)

    hs2 = pl.pallas_call(
        _tc_mid,
        out_shape=jax.ShapeDtypeStruct((NP, 64), jnp.float32),
    )(acc1, hs1, deg16, b1.reshape(1, 128), w2t)

    acc2 = _agg64(hs2, src2, dst2, z64)

    outp = pl.pallas_call(
        _tc_post,
        out_shape=jax.ShapeDtypeStruct((NP, 64), jnp.float32),
    )(acc2, hs2, deg16, b2.reshape(1, 64))

    return outp[:N]

# --- scband reference (transcript-rebuilt; emitter-appended) ---
"""Pipeline reference for scband-skill-graph-gnn-39608188403876 (READ-ONLY COPY).

The authoritative reference and input builder live on the scoring server;
editing this copy changes nothing except your own understanding.
"""

import jax, jax.numpy as jnp
import numpy as np

N = 10000
E = 320000
D_IN = 128
D_HID = 128
D_OUT = 64


def setup_inputs(seed: int = 0) -> dict:
    key = jax.random.key(seed)
    k1, k2, k3, k4, k5, k6 = jax.random.split(key, 6)
    x = jax.random.normal(k1, (N, D_IN), dtype=jnp.float32)
    edge_index = jax.random.randint(k2, (2, E), 0, N, dtype=jnp.int32)
    # GCNConv linear weights (PyG Linear stores weight as [out_dim, in_dim]) + bias
    W1 = jax.random.normal(k3, (D_HID, D_IN), dtype=jnp.float32) * (1.0 / np.sqrt(D_IN))
    b1 = jnp.zeros((D_HID,), dtype=jnp.float32)
    W2 = jax.random.normal(k4, (D_OUT, D_HID), dtype=jnp.float32) * (1.0 / np.sqrt(D_HID))
    b2 = jnp.zeros((D_OUT,), dtype=jnp.float32)
    return {"x": x, "edge_index": edge_index, "W1": W1, "b1": b1, "W2": W2, "b2": b2}


def gcn_conv(x, edge_index, W, b, num_nodes):
    # Faithful PyG GCNConv: add self-loops, symmetric normalization, linear, scatter-add aggregate, bias.
    loop = jnp.arange(num_nodes, dtype=edge_index.dtype)
    src = jnp.concatenate([edge_index[0], loop])
    dst = jnp.concatenate([edge_index[1], loop])
    ones = jnp.ones(src.shape[0], dtype=x.dtype)
    deg = jnp.zeros((num_nodes,), dtype=x.dtype).at[dst].add(ones)
    deg_inv_sqrt = jnp.where(deg > 0, jax.lax.rsqrt(jnp.maximum(deg, 1e-12)), 0.0)
    norm = deg_inv_sqrt[src] * deg_inv_sqrt[dst]
    h = x @ W.T
    msg = h[src] * norm[:, None]
    out = jax.ops.segment_sum(msg, dst, num_segments=num_nodes)
    return out + b


def reference(x, edge_index, W1, b1, W2, b2):
    h = gcn_conv(x, edge_index, W1, b1, N)
    h = jax.nn.relu(h)
    # F.dropout(training=False) is identity at inference
    out = gcn_conv(h, edge_index, W2, b2, N)
    return out

if __name__ == "__main__":
    import jax
    _d = setup_inputs()
    print(jax.jit(kernel)(*tuple(_d.values())))

</pallas_src>

<mosaic_0001>
#map = affine_map<(d0, d1) -> (0, 0)>
#map1 = affine_map<(d0, d1) -> (0, 0, 0)>
module attributes {stable_mosaic.version = 14 : i64} {
  func.func @agg_kernel(%arg0: i32, %arg1: i32, %arg2: memref<10240x128xf32, #tpu.memory_space<hbm>>, %arg3: memref<5120x64xi32, #tpu.memory_space<hbm>>, %arg4: memref<5120x64xi32, #tpu.memory_space<hbm>>, %arg5: memref<128x128xf32, #tpu.memory_space<hbm>>, %arg6: memref<2x10240x128xf32, #tpu.memory_space<hbm>>, %arg7: memref<240x64xi32, #tpu.memory_space<vmem>>, %arg8: memref<240x64xi32, #tpu.memory_space<vmem>>, %arg9: memref<64x128xf32, #tpu.memory_space<vmem>>, %arg10: memref<64x128xf32, #tpu.memory_space<vmem>>, %arg11: memref<10240x128xf32, #tpu.memory_space<vmem_shared>>, %arg12: memref<!tpu.dma_semaphore, #tpu.memory_space<semaphore_mem>>, %arg13: memref<!tpu.dma_semaphore, #tpu.memory_space<semaphore_mem>>) attributes {dimension_semantics = [#tpu.dimension_semantics<core_parallel>, #tpu.dimension_semantics<subcore_parallel>], iteration_bounds = array<i64: 2, 16>, scalar_prefetch = 0 : i64, scratch_operands = 7 : i64, tpu.core_type = #tpu.core_type<sc_vector_subcore>, window_params = [{transform_indices = #map}, {transform_indices = #map}, {transform_indices = #map}, {transform_indices = #map}, {transform_indices = #map1}]} {
    %mul3A = arith.constant 640 : i32
    %mul3A_0 = arith.muli %arg1, %mul3A : i32
    %add3A = arith.constant 0 : i32
    %add3A_1 = arith.addi %mul3A_0, %add3A : i32
    "tpu.region"() ({
      %run_scoped3A = tpu.sem_alloc : memref<!tpu.dma_semaphore, #tpu.memory_space<semaphore_mem>>
      %dma_start3A = arith.constant 0 : i32
      %dma_start3A_45 = tpu.memref_slice %arg11[%add3A_1, %dma_start3A] : memref<10240x128xf32, #tpu.memory_space<vmem_shared>> -> memref<128x128xf32, #tpu.memory_space<vmem_shared>>
      tpu.enqueue_dma source(%arg5 : memref<128x128xf32, #tpu.memory_space<hbm>>) target(%dma_start3A_45 : memref<128x128xf32, #tpu.memory_space<vmem_shared>>) target_semaphore(%run_scoped3A : memref<!tpu.dma_semaphore, #tpu.memory_space<semaphore_mem>>)
      %dma_wait3A = arith.constant 0 : i32
      %dma_wait3A_46 = tpu.memref_slice %arg11[%add3A_1, %dma_wait3A] : memref<10240x128xf32, #tpu.memory_space<vmem_shared>> -> memref<128x128xf32, #tpu.memory_space<vmem_shared>>
      tpu.wait_dma2 semaphore(%run_scoped3A : memref<!tpu.dma_semaphore, #tpu.memory_space<semaphore_mem>>) src(%arg5 : memref<128x128xf32, #tpu.memory_space<hbm>>) dst(%dma_wait3A_46 : memref<128x128xf32, #tpu.memory_space<vmem_shared>>)
      tpu.yield
    }) : () -> ()
    %mul3A_2 = arith.constant 640 : i32
    %mul3A_3 = arith.muli %arg1, %mul3A_2 : i32
    %add3A_4 = arith.constant 128 : i32
    %add3A_5 = arith.addi %mul3A_3, %add3A_4 : i32
    "tpu.region"() ({
      %run_scoped3A = tpu.sem_alloc : memref<!tpu.dma_semaphore, #tpu.memory_space<semaphore_mem>>
      %dma_start3A = arith.constant 0 : i32
      %dma_start3A_45 = tpu.memref_slice %arg11[%add3A_5, %dma_start3A] : memref<10240x128xf32, #tpu.memory_space<vmem_shared>> -> memref<128x128xf32, #tpu.memory_space<vmem_shared>>
      tpu.enqueue_dma source(%arg5 : memref<128x128xf32, #tpu.memory_space<hbm>>) target(%dma_start3A_45 : memref<128x128xf32, #tpu.memory_space<vmem_shared>>) target_semaphore(%run_scoped3A : memref<!tpu.dma_semaphore, #tpu.memory_space<semaphore_mem>>)
      %dma_wait3A = arith.constant 0 : i32
      %dma_wait3A_46 = tpu.memref_slice %arg11[%add3A_5, %dma_wait3A] : memref<10240x128xf32, #tpu.memory_space<vmem_shared>> -> memref<128x128xf32, #tpu.memory_space<vmem_shared>>
      tpu.wait_dma2 semaphore(%run_scoped3A : memref<!tpu.dma_semaphore, #tpu.memory_space<semaphore_mem>>) src(%arg5 : memref<128x128xf32, #tpu.memory_space<hbm>>) dst(%dma_wait3A_46 : memref<128x128xf32, #tpu.memory_space<vmem_shared>>)
      tpu.yield
    }) : () -> ()
    %mul3A_6 = arith.constant 640 : i32
    %mul3A_7 = arith.muli %arg1, %mul3A_6 : i32
    %add3A_8 = arith.constant 256 : i32
    %add3A_9 = arith.addi %mul3A_7, %add3A_8 : i32
    "tpu.region"() ({
      %run_scoped3A = tpu.sem_alloc : memref<!tpu.dma_semaphore, #tpu.memory_space<semaphore_mem>>
      %dma_start3A = arith.constant 0 : i32
      %dma_start3A_45 = tpu.memref_slice %arg11[%add3A_9, %dma_start3A] : memref<10240x128xf32, #tpu.memory_space<vmem_shared>> -> memref<128x128xf32, #tpu.memory_space<vmem_shared>>
      tpu.enqueue_dma source(%arg5 : memref<128x128xf32, #tpu.memory_space<hbm>>) target(%dma_start3A_45 : memref<128x128xf32, #tpu.memory_space<vmem_shared>>) target_semaphore(%run_scoped3A : memref<!tpu.dma_semaphore, #tpu.memory_space<semaphore_mem>>)
      %dma_wait3A = arith.constant 0 : i32
      %dma_wait3A_46 = tpu.memref_slice %arg11[%add3A_9, %dma_wait3A] : memref<10240x128xf32, #tpu.memory_space<vmem_shared>> -> memref<128x128xf32, #tpu.memory_space<vmem_shared>>
      tpu.wait_dma2 semaphore(%run_scoped3A : memref<!tpu.dma_semaphore, #tpu.memory_space<semaphore_mem>>) src(%arg5 : memref<128x128xf32, #tpu.memory_space<hbm>>) dst(%dma_wait3A_46 : memref<128x128xf32, #tpu.memory_space<vmem_shared>>)
      tpu.yield
    }) : () -> ()
    %mul3A_10 = arith.constant 640 : i32
    %mul3A_11 = arith.muli %arg1, %mul3A_10 : i32
    %add3A_12 = arith.constant 384 : i32
    %add3A_13 = arith.addi %mul3A_11, %add3A_12 : i32
    "tpu.region"() ({
      %run_scoped3A = tpu.sem_alloc : memref<!tpu.dma_semaphore, #tpu.memory_space<semaphore_mem>>
      %dma_start3A = arith.constant 0 : i32
      %dma_start3A_45 = tpu.memref_slice %arg11[%add3A_13, %dma_start3A] : memref<10240x128xf32, #tpu.memory_space<vmem_shared>> -> memref<128x128xf32, #tpu.memory_space<vmem_shared>>
      tpu.enqueue_dma source(%arg5 : memref<128x128xf32, #tpu.memory_space<hbm>>) target(%dma_start3A_45 : memref<128x128xf32, #tpu.memory_space<vmem_shared>>) target_semaphore(%run_scoped3A : memref<!tpu.dma_semaphore, #tpu.memory_space<semaphore_mem>>)
      %dma_wait3A = arith.constant 0 : i32
      %dma_wait3A_46 = tpu.memref_slice %arg11[%add3A_13, %dma_wait3A] : memref<10240x128xf32, #tpu.memory_space<vmem_shared>> -> memref<128x128xf32, #tpu.memory_space<vmem_shared>>
      tpu.wait_dma2 semaphore(%run_scoped3A : memref<!tpu.dma_semaphore, #tpu.memory_space<semaphore_mem>>) src(%arg5 : memref<128x128xf32, #tpu.memory_space<hbm>>) dst(%dma_wait3A_46 : memref<128x128xf32, #tpu.memory_space<vmem_shared>>)
      tpu.yield
    }) : () -> ()
    %mul3A_14 = arith.constant 640 : i32
    %mul3A_15 = arith.muli %arg1, %mul3A_14 : i32
    %add3A_16 = arith.constant 512 : i32
    %add3A_17 = arith.addi %mul3A_15, %add3A_16 : i32
    "tpu.region"() ({
      %run_scoped3A = tpu.sem_alloc : memref<!tpu.dma_semaphore, #tpu.memory_space<semaphore_mem>>
      %dma_start3A = arith.constant 0 : i32
      %dma_start3A_45 = tpu.memref_slice %arg11[%add3A_17, %dma_start3A] : memref<10240x128xf32, #tpu.memory_space<vmem_shared>> -> memref<128x128xf32, #tpu.memory_space<vmem_shared>>
      tpu.enqueue_dma source(%arg5 : memref<128x128xf32, #tpu.memory_space<hbm>>) target(%dma_start3A_45 : memref<128x128xf32, #tpu.memory_space<vmem_shared>>) target_semaphore(%run_scoped3A : memref<!tpu.dma_semaphore, #tpu.memory_space<semaphore_mem>>)
      %dma_wait3A = arith.constant 0 : i32
      %dma_wait3A_46 = tpu.memref_slice %arg11[%add3A_17, %dma_wait3A] : memref<10240x128xf32, #tpu.memory_space<vmem_shared>> -> memref<128x128xf32, #tpu.memory_space<vmem_shared>>
      tpu.wait_dma2 semaphore(%run_scoped3A : memref<!tpu.dma_semaphore, #tpu.memory_space<semaphore_mem>>) src(%arg5 : memref<128x128xf32, #tpu.memory_space<hbm>>) dst(%dma_wait3A_46 : memref<128x128xf32, #tpu.memory_space<vmem_shared>>)
      tpu.yield
    }) : () -> ()
    %eq3A = arith.constant 0 : i32
    %eq3A_18 = arith.cmpi eq, %arg0, %eq3A : i32
    %convert_element_type3A = arith.extui %eq3A_18 : i1 to i32
    %cond3A = arith.constant 0 : i32
    %cond3A_19 = arith.cmpi ne, %convert_element_type3A, %cond3A : i32
    scf.if %cond3A_19 {
      %mul3A_45 = arith.constant 240 : i32
      %mul3A_46 = arith.muli %arg1, %mul3A_45 : i32
      "tpu.region"() ({
        %run_scoped3A_79 = tpu.sem_alloc : memref<!tpu.dma_semaphore, #tpu.memory_space<semaphore_mem>>
        %dma_start3A_80 = arith.constant 0 : i32
        %dma_start3A_81 = arith.constant 0 : i32
        %dma_start3A_82 = tpu.memref_slice %arg7[%dma_start3A_80, %dma_start3A_81] : memref<240x64xi32, #tpu.memory_space<vmem>> -> memref<240x64xi32, #tpu.memory_space<vmem>>
        %dma_start3A_83 = arith.constant 0 : i32
        %dma_start3A_84 = tpu.memref_slice %arg3[%mul3A_46, %dma_start3A_83] : memref<5120x64xi32, #tpu.memory_space<hbm>> -> memref<240x64xi32, #tpu.memory_space<hbm>>
        %dma_start3A_85 = arith.constant 0 : i32
        %dma_start3A_86 = arith.constant 0 : i32
        %dma_start3A_87 = tpu.memref_slice %arg7[%dma_start3A_85, %dma_start3A_86] : memref<240x64xi32, #tpu.memory_space<vmem>> -> memref<240x64xi32, #tpu.memory_space<vmem>>
        %dma_start3A_88 = arith.constant 0 : i32
        %dma_start3A_89 = tpu.memref_slice %arg3[%mul3A_46, %dma_start3A_88] : memref<5120x64xi32, #tpu.memory_space<hbm>> -> memref<240x64xi32, #tpu.memory_space<hbm>>
        tpu.enqueue_dma source(%dma_start3A_89 : memref<240x64xi32, #tpu.memory_space<hbm>>) target(%dma_start3A_87 : memref<240x64xi32, #tpu.memory_space<vmem>>) target_semaphore(%run_scoped3A_79 : memref<!tpu.dma_semaphore, #tpu.memory_space<semaphore_mem>>)
        %dma_wait3A_90 = arith.constant 0 : i32
        %dma_wait3A_91 = arith.constant 0 : i32
        %dma_wait3A_92 = tpu.memref_slice %arg7[%dma_wait3A_90, %dma_wait3A_91] : memref<240x64xi32, #tpu.memory_space<vmem>> -> memref<240x64xi32, #tpu.memory_space<vmem>>
        %dma_wait3A_93 = arith.constant 0 : i32
        %dma_wait3A_94 = tpu.memref_slice %arg3[%mul3A_46, %dma_wait3A_93] : memref<5120x64xi32, #tpu.memory_space<hbm>> -> memref<240x64xi32, #tpu.memory_space<hbm>>
        %dma_wait3A_95 = arith.constant 0 : i32
        %dma_wait3A_96 = arith.constant 0 : i32
        %dma_wait3A_97 = tpu.memref_slice %arg7[%dma_wait3A_95, %dma_wait3A_96] : memref<240x64xi32, #tpu.memory_space<vmem>> -> memref<240x64xi32, #tpu.memory_space<vmem>>
        %dma_wait3A_98 = arith.constant 0 : i32
        %dma_wait3A_99 = tpu.memref_slice %arg3[%mul3A_46, %dma_wait3A_98] : memref<5120x64xi32, #tpu.memory_space<hbm>> -> memref<240x64xi32, #tpu.memory_space<hbm>>
        tpu.wait_dma2 semaphore(%run_scoped3A_79 : memref<!tpu.dma_semaphore, #tpu.memory_space<semaphore_mem>>) src(%dma_wait3A_99 : memref<240x64xi32, #tpu.memory_space<hbm>>) dst(%dma_wait3A_97 : memref<240x64xi32, #tpu.memory_space<vmem>>)
        tpu.yield
      }) : () -> ()
      "tpu.region"() ({
        %run_scoped3A_79 = tpu.sem_alloc : memref<!tpu.dma_semaphore, #tpu.memory_space<semaphore_mem>>
        %dma_start3A_80 = arith.constant 0 : i32
        %dma_start3A_81 = arith.constant 0 : i32
        %dma_start3A_82 = tpu.memref_slice %arg8[%dma_start3A_80, %dma_start3A_81] : memref<240x64xi32, #tpu.memory_space<vmem>> -> memref<240x64xi32, #tpu.memory_space<vmem>>
        %dma_start3A_83 = arith.constant 0 : i32
        %dma_start3A_84 = tpu.memref_slice %arg4[%mul3A_46, %dma_start3A_83] : memref<5120x64xi32, #tpu.memory_space<hbm>> -> memref<240x64xi32, #tpu.memory_space<hbm>>
        %dma_start3A_85 = arith.constant 0 : i32
        %dma_start3A_86 = arith.constant 0 : i32
        %dma_start3A_87 = tpu.memref_slice %arg8[%dma_start3A_85, %dma_start3A_86] : memref<240x64xi32, #tpu.memory_space<vmem>> -> memref<240x64xi32, #tpu.memory_space<vmem>>
        %dma_start3A_88 = arith.constant 0 : i32
        %dma_start3A_89 = tpu.memref_slice %arg4[%mul3A_46, %dma_start3A_88] : memref<5120x64xi32, #tpu.memory_space<hbm>> -> memref<240x64xi32, #tpu.memory_space<hbm>>
        tpu.enqueue_dma source(%dma_start3A_89 : memref<240x64xi32, #tpu.memory_space<hbm>>) target(%dma_start3A_87 : memref<240x64xi32, #tpu.memory_space<vmem>>) target_semaphore(%run_scoped3A_79 : memref<!tpu.dma_semaphore, #tpu.memory_space<semaphore_mem>>)
        %dma_wait3A_90 = arith.constant 0 : i32
        %dma_wait3A_91 = arith.constant 0 : i32
        %dma_wait3A_92 = tpu.memref_slice %arg8[%dma_wait3A_90, %dma_wait3A_91] : memref<240x64xi32, #tpu.memory_space<vmem>> -> memref<240x64xi32, #tpu.memory_space<vmem>>
        %dma_wait3A_93 = arith.constant 0 : i32
        %dma_wait3A_94 = tpu.memref_slice %arg4[%mul3A_46, %dma_wait3A_93] : memref<5120x64xi32, #tpu.memory_space<hbm>> -> memref<240x64xi32, #tpu.memory_space<hbm>>
        %dma_wait3A_95 = arith.constant 0 : i32
        %dma_wait3A_96 = arith.constant 0 : i32
        %dma_wait3A_97 = tpu.memref_slice %arg8[%dma_wait3A_95, %dma_wait3A_96] : memref<240x64xi32, #tpu.memory_space<vmem>> -> memref<240x64xi32, #tpu.memory_space<vmem>>
        %dma_wait3A_98 = arith.constant 0 : i32
        %dma_wait3A_99 = tpu.memref_slice %arg4[%mul3A_46, %dma_wait3A_98] : memref<5120x64xi32, #tpu.memory_space<hbm>> -> memref<240x64xi32, #tpu.memory_space<hbm>>
        tpu.wait_dma2 semaphore(%run_scoped3A_79 : memref<!tpu.dma_semaphore, #tpu.memory_space<semaphore_mem>>) src(%dma_wait3A_99 : memref<240x64xi32, #tpu.memory_space<hbm>>) dst(%dma_wait3A_97 : memref<240x64xi32, #tpu.memory_space<vmem>>)
        tpu.yield
      }) : () -> ()
      %dma_start3A = arith.constant 0 : i32
      %dma_start3A_47 = arith.constant 0 : i32
      %dma_start3A_48 = tpu.memref_slice %arg7[%dma_start3A, %dma_start3A_47] : memref<240x64xi32, #tpu.memory_space<vmem>> -> memref<1x64xi32, #tpu.memory_space<vmem>>
      %dma_start3A_49 = tpu.memref_squeeze %dma_start3A_48 : memref<1x64xi32, #tpu.memory_space<vmem>> -> memref<64xi32, #tpu.memory_space<vmem>>
      %dma_start3A_50 = arith.constant 0 : i32
      %dma_start3A_51 = arith.constant 0 : i32
      %dma_start3A_52 = tpu.memref_slice %arg2[%dma_start3A_50, %dma_start3A_51] : memref<10240x128xf32, #tpu.memory_space<hbm>> -> memref<10240x128xf32, #tpu.memory_space<hbm>>
      tpu.enqueue_indirect_dma source(%dma_start3A_52 : memref<10240x128xf32, #tpu.memory_space<hbm>>) target(%arg9 : memref<64x128xf32, #tpu.memory_space<vmem>>) offsets(%dma_start3A_49 : memref<64xi32, #tpu.memory_space<vmem>>) semaphore(%arg12 : memref<!tpu.dma_semaphore, #tpu.memory_space<semaphore_mem>>)
      %dma_start3A_53 = arith.constant 1 : i32
      %dma_start3A_54 = arith.constant 0 : i32
      %dma_start3A_55 = tpu.memref_slice %arg7[%dma_start3A_53, %dma_start3A_54] : memref<240x64xi32, #tpu.memory_space<vmem>> -> memref<1x64xi32, #tpu.memory_space<vmem>>
      %dma_start3A_56 = tpu.memref_squeeze %dma_start3A_55 : memref<1x64xi32, #tpu.memory_space<vmem>> -> memref<64xi32, #tpu.memory_space<vmem>>
      %dma_start3A_57 = arith.constant 0 : i32
      %dma_start3A_58 = arith.constant 0 : i32
      %dma_start3A_59 = tpu.memref_slice %arg2[%dma_start3A_57, %dma_start3A_58] : memref<10240x128xf32, #tpu.memory_space<hbm>> -> memref<10240x128xf32, #tpu.memory_space<hbm>>
      tpu.enqueue_indirect_dma source(%dma_start3A_59 : memref<10240x128xf32, #tpu.memory_space<hbm>>) target(%arg10 : memref<64x128xf32, #tpu.memory_space<vmem>>) offsets(%dma_start3A_56 : memref<64xi32, #tpu.memory_space<vmem>>) semaphore(%arg13 : memref<!tpu.dma_semaphore, #tpu.memory_space<semaphore_mem>>)
      %scan3A = arith.constant 0 : i32
      %scan3A_60 = arith.constant 0 : i32
      %scan3A_61 = arith.constant 119 : i32
      %scan3A_62 = arith.addi %scan3A_60, %scan3A_61 : i32
      %scan3A_63 = arith.constant 1 : i32
      scf.for %scan3A_79 = %scan3A_60 to %scan3A_62 step %scan3A_63  : i32 {
        %mul3A_80 = arith.constant 2 : i32
        %mul3A_81 = arith.muli %scan3A_79, %mul3A_80 : i32
        %add3A_82 = arith.constant 0 : i32
        %add3A_83 = arith.addi %mul3A_81, %add3A_82 : i32
        %dma_wait3A_84 = arith.constant 0 : i32
        %dma_wait3A_85 = tpu.memref_slice %arg7[%add3A_83, %dma_wait3A_84] : memref<240x64xi32, #tpu.memory_space<vmem>> -> memref<1x64xi32, #tpu.memory_space<vmem>>
        %dma_wait3A_86 = tpu.memref_squeeze %dma_wait3A_85 : memref<1x64xi32, #tpu.memory_space<vmem>> -> memref<64xi32, #tpu.memory_space<vmem>>
        %dma_wait3A_87 = arith.constant 0 : i32
        %dma_wait3A_88 = arith.constant 0 : i32
        %dma_wait3A_89 = tpu.memref_slice %arg2[%dma_wait3A_87, %dma_wait3A_88] : memref<10240x128xf32, #tpu.memory_space<hbm>> -> memref<10240x128xf32, #tpu.memory_space<hbm>>
        tpu.wait_indirect_dma semaphore(%arg12 : memref<!tpu.dma_semaphore, #tpu.memory_space<semaphore_mem>>) src(%dma_wait3A_89 : memref<10240x128xf32, #tpu.memory_space<hbm>>) dst(%arg9 : memref<64x128xf32, #tpu.memory_space<vmem>>)
        "tpu.region"() ({
          %run_scoped3A_116 = tpu.sem_alloc : memref<!tpu.dma_semaphore, #tpu.memory_space<semaphore_mem>>
          %dma_start3A_117 = arith.constant 0 : i32
          %dma_start3A_118 = tpu.memref_slice %arg8[%add3A_83, %dma_start3A_117] : memref<240x64xi32, #tpu.memory_space<vmem>> -> memref<1x64xi32, #tpu.memory_space<vmem>>
          %dma_start3A_119 = tpu.memref_squeeze %dma_start3A_118 : memref<1x64xi32, #tpu.memory_space<vmem>> -> memref<64xi32, #tpu.memory_space<vmem>>
          %dma_start3A_120 = arith.constant 0 : i32
          %dma_start3A_121 = arith.constant 0 : i32
          %dma_start3A_122 = tpu.memref_slice %arg11[%dma_start3A_120, %dma_start3A_121] : memref<10240x128xf32, #tpu.memory_space<vmem_shared>> -> memref<10240x128xf32, #tpu.memory_space<vmem_shared>>
          tpu.enqueue_indirect_dma source(%arg9 : memref<64x128xf32, #tpu.memory_space<vmem>>) target(%dma_start3A_122 : memref<10240x128xf32, #tpu.memory_space<vmem_shared>>) offsets(%dma_start3A_119 : memref<64xi32, #tpu.memory_space<vmem>>) semaphore(%run_scoped3A_116 : memref<!tpu.dma_semaphore, #tpu.memory_space<semaphore_mem>>) {add = true}
          %dma_wait3A_123 = arith.constant 0 : i32
          %dma_wait3A_124 = tpu.memref_slice %arg8[%add3A_83, %dma_wait3A_123] : memref<240x64xi32, #tpu.memory_space<vmem>> -> memref<1x64xi32, #tpu.memory_space<vmem>>
          %dma_wait3A_125 = tpu.memref_squeeze %dma_wait3A_124 : memref<1x64xi32, #tpu.memory_space<vmem>> -> memref<64xi32, #tpu.memory_space<vmem>>
          %dma_wait3A_126 = arith.constant 0 : i32
          %dma_wait3A_127 = arith.constant 0 : i32
          %dma_wait3A_128 = tpu.memref_slice %arg11[%dma_wait3A_126, %dma_wait3A_127] : memref<10240x128xf32, #tpu.memory_space<vmem_shared>> -> memref<10240x128xf32, #tpu.memory_space<vmem_shared>>
          tpu.wait_indirect_dma semaphore(%run_scoped3A_116 : memref<!tpu.dma_semaphore, #tpu.memory_space<semaphore_mem>>) src(%arg9 : memref<64x128xf32, #tpu.memory_space<vmem>>) dst(%dma_wait3A_128 : memref<10240x128xf32, #tpu.memory_space<vmem_shared>>)
          tpu.yield
        }) : () -> ()
        %add3A_90 = arith.constant 2 : i32
        %add3A_91 = arith.addi %add3A_83, %add3A_90 : i32
        %dma_start3A_92 = arith.constant 0 : i32
        %dma_start3A_93 = tpu.memref_slice %arg7[%add3A_91, %dma_start3A_92] : memref<240x64xi32, #tpu.memory_space<vmem>> -> memref<1x64xi32, #tpu.memory_space<vmem>>
        %dma_start3A_94 = tpu.memref_squeeze %dma_start3A_93 : memref<1x64xi32, #tpu.memory_space<vmem>> -> memref<64xi32, #tpu.memory_space<vmem>>
        %dma_start3A_95 = arith.constant 0 : i32
        %dma_start3A_96 = arith.constant 0 : i32
        %dma_start3A_97 = tpu.memref_slice %arg2[%dma_start3A_95, %dma_start3A_96] : memref<10240x128xf32, #tpu.memory_space<hbm>> -> memref<10240x128xf32, #tpu.memory_space<hbm>>
        tpu.enqueue_indirect_dma source(%dma_start3A_97 : memref<10240x128xf32, #tpu.memory_space<hbm>>) target(%arg9 : memref<64x128xf32, #tpu.memory_space<vmem>>) offsets(%dma_start3A_94 : memref<64xi32, #tpu.memory_space<vmem>>) semaphore(%arg12 : memref<!tpu.dma_semaphore, #tpu.memory_space<semaphore_mem>>)
        %mul3A_98 = arith.constant 2 : i32
        %mul3A_99 = arith.muli %scan3A_79, %mul3A_98 : i32
        %add3A_100 = arith.constant 1 : i32
        %add3A_101 = arith.addi %mul3A_99, %add3A_100 : i32
        %dma_wait3A_102 = arith.constant 0 : i32
        %dma_wait3A_103 = tpu.memref_slice %arg7[%add3A_101, %dma_wait3A_102] : memref<240x64xi32, #tpu.memory_space<vmem>> -> memref<1x64xi32, #tpu.memory_space<vmem>>
        %dma_wait3A_104 = tpu.memref_squeeze %dma_wait3A_103 : memref<1x64xi32, #tpu.memory_space<vmem>> -> memref<64xi32, #tpu.memory_space<vmem>>
        %dma_wait3A_105 = arith.constant 0 : i32
        %dma_wait3A_106 = arith.constant 0 : i32
        %dma_wait3A_107 = tpu.memref_slice %arg2[%dma_wait3A_105, %dma_wait3A_106] : memref<10240x128xf32, #tpu.memory_space<hbm>> -> memref<10240x128xf32, #tpu.memory_space<hbm>>
        tpu.wait_indirect_dma semaphore(%arg13 : memref<!tpu.dma_semaphore, #tpu.memory_space<semaphore_mem>>) src(%dma_wait3A_107 : memref<10240x128xf32, #tpu.memory_space<hbm>>) dst(%arg10 : memref<64x128xf32, #tpu.memory_space<vmem>>)
        "tpu.region"() ({
          %run_scoped3A_116 = tpu.sem_alloc : memref<!tpu.dma_semaphore, #tpu.memory_space<semaphore_mem>>
          %dma_start3A_117 = arith.constant 0 : i32
          %dma_start3A_118 = tpu.memref_slice %arg8[%add3A_101, %dma_start3A_117] : memref<240x64xi32, #tpu.memory_space<vmem>> -> memref<1x64xi32, #tpu.memory_space<vmem>>
          %dma_start3A_119 = tpu.memref_squeeze %dma_start3A_118 : memref<1x64xi32, #tpu.memory_space<vmem>> -> memref<64xi32, #tpu.memory_space<vmem>>
          %dma_start3A_120 = arith.constant 0 : i32
          %dma_start3A_121 = arith.constant 0 : i32
          %dma_start3A_122 = tpu.memref_slice %arg11[%dma_start3A_120, %dma_start3A_121] : memref<10240x128xf32, #tpu.memory_space<vmem_shared>> -> memref<10240x128xf32, #tpu.memory_space<vmem_shared>>
          tpu.enqueue_indirect_dma source(%arg10 : memref<64x128xf32, #tpu.memory_space<vmem>>) target(%dma_start3A_122 : memref<10240x128xf32, #tpu.memory_space<vmem_shared>>) offsets(%dma_start3A_119 : memref<64xi32, #tpu.memory_space<vmem>>) semaphore(%run_scoped3A_116 : memref<!tpu.dma_semaphore, #tpu.memory_space<semaphore_mem>>) {add = true}
          %dma_wait3A_123 = arith.constant 0 : i32
          %dma_wait3A_124 = tpu.memref_slice %arg8[%add3A_101, %dma_wait3A_123] : memref<240x64xi32, #tpu.memory_space<vmem>> -> memref<1x64xi32, #tpu.memory_space<vmem>>
          %dma_wait3A_125 = tpu.memref_squeeze %dma_wait3A_124 : memref<1x64xi32, #tpu.memory_space<vmem>> -> memref<64xi32, #tpu.memory_space<vmem>>
          %dma_wait3A_126 = arith.constant 0 : i32
          %dma_wait3A_127 = arith.constant 0 : i32
          %dma_wait3A_128 = tpu.memref_slice %arg11[%dma_wait3A_126, %dma_wait3A_127] : memref<10240x128xf32, #tpu.memory_space<vmem_shared>> -> memref<10240x128xf32, #tpu.memory_space<vmem_shared>>
          tpu.wait_indirect_dma semaphore(%run_scoped3A_116 : memref<!tpu.dma_semaphore, #tpu.memory_space<semaphore_mem>>) src(%arg10 : memref<64x128xf32, #tpu.memory_space<vmem>>) dst(%dma_wait3A_128 : memref<10240x128xf32, #tpu.memory_space<vmem_shared>>)
          tpu.yield
        }) : () -> ()
        %add3A_108 = arith.constant 2 : i32
        %add3A_109 = arith.addi %add3A_101, %add3A_108 : i32
        %dma_start3A_110 = arith.constant 0 : i32
        %dma_start3A_111 = tpu.memref_slice %arg7[%add3A_109, %dma_start3A_110] : memref<240x64xi32, #tpu.memory_space<vmem>> -> memref<1x64xi32, #tpu.memory_space<vmem>>
        %dma_start3A_112 = tpu.memref_squeeze %dma_start3A_111 : memref<1x64xi32, #tpu.memory_space<vmem>> -> memref<64xi32, #tpu.memory_space<vmem>>
        %dma_start3A_113 = arith.constant 0 : i32
        %dma_start3A_114 = arith.constant 0 : i32
        %dma_start3A_115 = tpu.memref_slice %arg2[%dma_start3A_113, %dma_start3A_114] : memref<10240x128xf32, #tpu.memory_space<hbm>> -> memref<10240x128xf32, #tpu.memory_space<hbm>>
        tpu.enqueue_indirect_dma source(%dma_start3A_115 : memref<10240x128xf32, #tpu.memory_space<hbm>>) target(%arg10 : memref<64x128xf32, #tpu.memory_space<vmem>>) offsets(%dma_start3A_112 : memref<64xi32, #tpu.memory_space<vmem>>) semaphore(%arg13 : memref<!tpu.dma_semaphore, #tpu.memory_space<semaphore_mem>>)
      }
      %scan3A_64 = arith.constant 119 : i32
      %dma_wait3A = arith.constant 238 : i32
      %dma_wait3A_65 = arith.constant 0 : i32
      %dma_wait3A_66 = tpu.memref_slice %arg7[%dma_wait3A, %dma_wait3A_65] : memref<240x64xi32, #tpu.memory_space<vmem>> -> memref<1x64xi32, #tpu.memory_space<vmem>>
      %dma_wait3A_67 = tpu.memref_squeeze %dma_wait3A_66 : memref<1x64xi32, #tpu.memory_space<vmem>> -> memref<64xi32, #tpu.memory_space<vmem>>
      %dma_wait3A_68 = arith.constant 0 : i32
      %dma_wait3A_69 = arith.constant 0 : i32
      %dma_wait3A_70 = tpu.memref_slice %arg2[%dma_wait3A_68, %dma_wait3A_69] : memref<10240x128xf32, #tpu.memory_space<hbm>> -> memref<10240x128xf32, #tpu.memory_space<hbm>>
      tpu.wait_indirect_dma semaphore(%arg12 : memref<!tpu.dma_semaphore, #tpu.memory_space<semaphore_mem>>) src(%dma_wait3A_70 : memref<10240x128xf32, #tpu.memory_space<hbm>>) dst(%arg9 : memref<64x128xf32, #tpu.memory_space<vmem>>)
      %run_scoped3A = arith.constant 238 : i32
      "tpu.region"() ({
        %run_scoped3A_79 = tpu.sem_alloc : memref<!tpu.dma_semaphore, #tpu.memory_space<semaphore_mem>>
        %dma_start3A_80 = arith.constant 0 : i32
        %dma_start3A_81 = tpu.memref_slice %arg8[%run_scoped3A, %dma_start3A_80] : memref<240x64xi32, #tpu.memory_space<vmem>> -> memref<1x64xi32, #tpu.memory_space<vmem>>
        %dma_start3A_82 = tpu.memref_squeeze %dma_start3A_81 : memref<1x64xi32, #tpu.memory_space<vmem>> -> memref<64xi32, #tpu.memory_space<vmem>>
        %dma_start3A_83 = arith.constant 0 : i32
        %dma_start3A_84 = arith.constant 0 : i32
        %dma_start3A_85 = tpu.memref_slice %arg11[%dma_start3A_83, %dma_start3A_84] : memref<10240x128xf32, #tpu.memory_space<vmem_shared>> -> memref<10240x128xf32, #tpu.memory_space<vmem_shared>>
        tpu.enqueue_indirect_dma source(%arg9 : memref<64x128xf32, #tpu.memory_space<vmem>>) target(%dma_start3A_85 : memref<10240x128xf32, #tpu.memory_space<vmem_shared>>) offsets(%dma_start3A_82 : memref<64xi32, #tpu.memory_space<vmem>>) semaphore(%run_scoped3A_79 : memref<!tpu.dma_semaphore, #tpu.memory_space<semaphore_mem>>) {add = true}
        %dma_wait3A_86 = arith.constant 0 : i32
        %dma_wait3A_87 = tpu.memref_slice %arg8[%run_scoped3A, %dma_wait3A_86] : memref<240x64xi32, #tpu.memory_space<vmem>> -> memref<1x64xi32, #tpu.memory_space<vmem>>
        %dma_wait3A_88 = tpu.memref_squeeze %dma_wait3A_87 : memref<1x64xi32, #tpu.memory_space<vmem>> -> memref<64xi32, #tpu.memory_space<vmem>>
        %dma_wait3A_89 = arith.constant 0 : i32
        %dma_wait3A_90 = arith.constant 0 : i32
        %dma_wait3A_91 = tpu.memref_slice %arg11[%dma_wait3A_89, %dma_wait3A_90] : memref<10240x128xf32, #tpu.memory_space<vmem_shared>> -> memref<10240x128xf32, #tpu.memory_space<vmem_shared>>
        tpu.wait_indirect_dma semaphore(%run_scoped3A_79 : memref<!tpu.dma_semaphore, #tpu.memory_space<semaphore_mem>>) src(%arg9 : memref<64x128xf32, #tpu.memory_space<vmem>>) dst(%dma_wait3A_91 : memref<10240x128xf32, #tpu.memory_space<vmem_shared>>)
        tpu.yield
      }) : () -> ()
      %dma_wait3A_71 = arith.constant 239 : i32
      %dma_wait3A_72 = arith.constant 0 : i32
      %dma_wait3A_73 = tpu.memref_slice %arg7[%dma_wait3A_71, %dma_wait3A_72] : memref<240x64xi32, #tpu.memory_space<vmem>> -> memref<1x64xi32, #tpu.memory_space<vmem>>
      %dma_wait3A_74 = tpu.memref_squeeze %dma_wait3A_73 : memref<1x64xi32, #tpu.memory_space<vmem>> -> memref<64xi32, #tpu.memory_space<vmem>>
      %dma_wait3A_75 = arith.constant 0 : i32
      %dma_wait3A_76 = arith.constant 0 : i32
      %dma_wait3A_77 = tpu.memref_slice %arg2[%dma_wait3A_75, %dma_wait3A_76] : memref<10240x128xf32, #tpu.memory_space<hbm>> -> memref<10240x128xf32, #tpu.memory_space<hbm>>
      tpu.wait_indirect_dma semaphore(%arg13 : memref<!tpu.dma_semaphore, #tpu.memory_space<semaphore_mem>>) src(%dma_wait3A_77 : memref<10240x128xf32, #tpu.memory_space<hbm>>) dst(%arg10 : memref<64x128xf32, #tpu.memory_space<vmem>>)
      %run_scoped3A_78 = arith.constant 239 : i32
      "tpu.region"() ({
        %run_scoped3A_79 = tpu.sem_alloc : memref<!tpu.dma_semaphore, #tpu.memory_space<semaphore_mem>>
        %dma_start3A_80 = arith.constant 0 : i32
        %dma_start3A_81 = tpu.memref_slice %arg8[%run_scoped3A_78, %dma_start3A_80] : memref<240x64xi32, #tpu.memory_space<vmem>> -> memref<1x64xi32, #tpu.memory_space<vmem>>
        %dma_start3A_82 = tpu.memref_squeeze %dma_start3A_81 : memref<1x64xi32, #tpu.memory_space<vmem>> -> memref<64xi32, #tpu.memory_space<vmem>>
        %dma_start3A_83 = arith.constant 0 : i32
        %dma_start3A_84 = arith.constant 0 : i32
        %dma_start3A_85 = tpu.memref_slice %arg11[%dma_start3A_83, %dma_start3A_84] : memref<10240x128xf32, #tpu.memory_space<vmem_shared>> -> memref<10240x128xf32, #tpu.memory_space<vmem_shared>>
        tpu.enqueue_indirect_dma source(%arg10 : memref<64x128xf32, #tpu.memory_space<vmem>>) target(%dma_start3A_85 : memref<10240x128xf32, #tpu.memory_space<vmem_shared>>) offsets(%dma_start3A_82 : memref<64xi32, #tpu.memory_space<vmem>>) semaphore(%run_scoped3A_79 : memref<!tpu.dma_semaphore, #tpu.memory_space<semaphore_mem>>) {add = true}
        %dma_wait3A_86 = arith.constant 0 : i32
        %dma_wait3A_87 = tpu.memref_slice %arg8[%run_scoped3A_78, %dma_wait3A_86] : memref<240x64xi32, #tpu.memory_space<vmem>> -> memref<1x64xi32, #tpu.memory_space<vmem>>
        %dma_wait3A_88 = tpu.memref_squeeze %dma_wait3A_87 : memref<1x64xi32, #tpu.memory_space<vmem>> -> memref<64xi32, #tpu.memory_space<vmem>>
        %dma_wait3A_89 = arith.constant 0 : i32
        %dma_wait3A_90 = arith.constant 0 : i32
        %dma_wait3A_91 = tpu.memref_slice %arg11[%dma_wait3A_89, %dma_wait3A_90] : memref<10240x128xf32, #tpu.memory_space<vmem_shared>> -> memref<10240x128xf32, #tpu.memory_space<vmem_shared>>
        tpu.wait_indirect_dma semaphore(%run_scoped3A_79 : memref<!tpu.dma_semaphore, #tpu.memory_space<semaphore_mem>>) src(%arg10 : memref<64x128xf32, #tpu.memory_space<vmem>>) dst(%dma_wait3A_91 : memref<10240x128xf32, #tpu.memory_space<vmem_shared>>)
        tpu.yield
      }) : () -> ()
    } else {
    }
    %eq3A_20 = arith.constant 1 : i32
    %eq3A_21 = arith.cmpi eq, %arg0, %eq3A_20 : i32
    %convert_element_type3A_22 = arith.extui %eq3A_21 : i1 to i32
    %cond3A_23 = arith.constant 0 : i32
    %cond3A_24 = arith.cmpi ne, %convert_element_type3A_22, %cond3A_23 : i32
    scf.if %cond3A_24 {
      %mul3A_45 = arith.constant 80 : i32
      %mul3A_46 = arith.muli %arg1, %mul3A_45 : i32
      %add3A_47 = arith.constant 3840 : i32
      %add3A_48 = arith.addi %add3A_47, %mul3A_46 : i32
      "tpu.region"() ({
        %run_scoped3A_81 = tpu.sem_alloc : memref<!tpu.dma_semaphore, #tpu.memory_space<semaphore_mem>>
        %dma_start3A_82 = arith.constant 0 : i32
        %dma_start3A_83 = arith.constant 0 : i32
        %dma_start3A_84 = tpu.memref_slice %arg7[%dma_start3A_82, %dma_start3A_83] : memref<240x64xi32, #tpu.memory_space<vmem>> -> memref<80x64xi32, #tpu.memory_space<vmem>>
        %dma_start3A_85 = arith.constant 0 : i32
        %dma_start3A_86 = tpu.memref_slice %arg3[%add3A_48, %dma_start3A_85] : memref<5120x64xi32, #tpu.memory_space<hbm>> -> memref<80x64xi32, #tpu.memory_space<hbm>>
        %dma_start3A_87 = arith.constant 0 : i32
        %dma_start3A_88 = arith.constant 0 : i32
        %dma_start3A_89 = tpu.memref_slice %arg7[%dma_start3A_87, %dma_start3A_88] : memref<240x64xi32, #tpu.memory_space<vmem>> -> memref<80x64xi32, #tpu.memory_space<vmem>>
        %dma_start3A_90 = arith.constant 0 : i32
        %dma_start3A_91 = tpu.memref_slice %arg3[%add3A_48, %dma_start3A_90] : memref<5120x64xi32, #tpu.memory_space<hbm>> -> memref<80x64xi32, #tpu.memory_space<hbm>>
        tpu.enqueue_dma source(%dma_start3A_91 : memref<80x64xi32, #tpu.memory_space<hbm>>) target(%dma_start3A_89 : memref<80x64xi32, #tpu.memory_space<vmem>>) target_semaphore(%run_scoped3A_81 : memref<!tpu.dma_semaphore, #tpu.memory_space<semaphore_mem>>)
        %dma_wait3A_92 = arith.constant 0 : i32
        %dma_wait3A_93 = arith.constant 0 : i32
        %dma_wait3A_94 = tpu.memref_slice %arg7[%dma_wait3A_92, %dma_wait3A_93] : memref<240x64xi32, #tpu.memory_space<vmem>> -> memref<80x64xi32, #tpu.memory_space<vmem>>
        %dma_wait3A_95 = arith.constant 0 : i32
        %dma_wait3A_96 = tpu.memref_slice %arg3[%add3A_48, %dma_wait3A_95] : memref<5120x64xi32, #tpu.memory_space<hbm>> -> memref<80x64xi32, #tpu.memory_space<hbm>>
        %dma_wait3A_97 = arith.constant 0 : i32
        %dma_wait3A_98 = arith.constant 0 : i32
        %dma_wait3A_99 = tpu.memref_slice %arg7[%dma_wait3A_97, %dma_wait3A_98] : memref<240x64xi32, #tpu.memory_space<vmem>> -> memref<80x64xi32, #tpu.memory_space<vmem>>
        %dma_wait3A_100 = arith.constant 0 : i32
        %dma_wait3A_101 = tpu.memref_slice %arg3[%add3A_48, %dma_wait3A_100] : memref<5120x64xi32, #tpu.memory_space<hbm>> -> memref<80x64xi32, #tpu.memory_space<hbm>>
        tpu.wait_dma2 semaphore(%run_scoped3A_81 : memref<!tpu.dma_semaphore, #tpu.memory_space<semaphore_mem>>) src(%dma_wait3A_101 : memref<80x64xi32, #tpu.memory_space<hbm>>) dst(%dma_wait3A_99 : memref<80x64xi32, #tpu.memory_space<vmem>>)
        tpu.yield
      }) : () -> ()
      "tpu.region"() ({
        %run_scoped3A_81 = tpu.sem_alloc : memref<!tpu.dma_semaphore, #tpu.memory_space<semaphore_mem>>
        %dma_start3A_82 = arith.constant 0 : i32
        %dma_start3A_83 = arith.constant 0 : i32
        %dma_start3A_84 = tpu.memref_slice %arg8[%dma_start3A_82, %dma_start3A_83] : memref<240x64xi32, #tpu.memory_space<vmem>> -> memref<80x64xi32, #tpu.memory_space<vmem>>
        %dma_start3A_85 = arith.constant 0 : i32
        %dma_start3A_86 = tpu.memref_slice %arg4[%add3A_48, %dma_start3A_85] : memref<5120x64xi32, #tpu.memory_space<hbm>> -> memref<80x64xi32, #tpu.memory_space<hbm>>
        %dma_start3A_87 = arith.constant 0 : i32
        %dma_start3A_88 = arith.constant 0 : i32
        %dma_start3A_89 = tpu.memref_slice %arg8[%dma_start3A_87, %dma_start3A_88] : memref<240x64xi32, #tpu.memory_space<vmem>> -> memref<80x64xi32, #tpu.memory_space<vmem>>
        %dma_start3A_90 = arith.constant 0 : i32
        %dma_start3A_91 = tpu.memref_slice %arg4[%add3A_48, %dma_start3A_90] : memref<5120x64xi32, #tpu.memory_space<hbm>> -> memref<80x64xi32, #tpu.memory_space<hbm>>
        tpu.enqueue_dma source(%dma_start3A_91 : memref<80x64xi32, #tpu.memory_space<hbm>>) target(%dma_start3A_89 : memref<80x64xi32, #tpu.memory_space<vmem>>) target_semaphore(%run_scoped3A_81 : memref<!tpu.dma_semaphore, #tpu.memory_space<semaphore_mem>>)
        %dma_wait3A_92 = arith.constant 0 : i32
        %dma_wait3A_93 = arith.constant 0 : i32
        %dma_wait3A_94 = tpu.memref_slice %arg8[%dma_wait3A_92, %dma_wait3A_93] : memref<240x64xi32, #tpu.memory_space<vmem>> -> memref<80x64xi32, #tpu.memory_space<vmem>>
        %dma_wait3A_95 = arith.constant 0 : i32
        %dma_wait3A_96 = tpu.memref_slice %arg4[%add3A_48, %dma_wait3A_95] : memref<5120x64xi32, #tpu.memory_space<hbm>> -> memref<80x64xi32, #tpu.memory_space<hbm>>
        %dma_wait3A_97 = arith.constant 0 : i32
        %dma_wait3A_98 = arith.constant 0 : i32
        %dma_wait3A_99 = tpu.memref_slice %arg8[%dma_wait3A_97, %dma_wait3A_98] : memref<240x64xi32, #tpu.memory_space<vmem>> -> memref<80x64xi32, #tpu.memory_space<vmem>>
        %dma_wait3A_100 = arith.constant 0 : i32
        %dma_wait3A_101 = tpu.memref_slice %arg4[%add3A_48, %dma_wait3A_100] : memref<5120x64xi32, #tpu.memory_space<hbm>> -> memref<80x64xi32, #tpu.memory_space<hbm>>
        tpu.wait_dma2 semaphore(%run_scoped3A_81 : memref<!tpu.dma_semaphore, #tpu.memory_space<semaphore_mem>>) src(%dma_wait3A_101 : memref<80x64xi32, #tpu.memory_space<hbm>>) dst(%dma_wait3A_99 : memref<80x64xi32, #tpu.memory_space<vmem>>)
        tpu.yield
      }) : () -> ()
      %dma_start3A = arith.constant 0 : i32
      %dma_start3A_49 = arith.constant 0 : i32
      %dma_start3A_50 = tpu.memref_slice %arg7[%dma_start3A, %dma_start3A_49] : memref<240x64xi32, #tpu.memory_space<vmem>> -> memref<1x64xi32, #tpu.memory_space<vmem>>
      %dma_start3A_51 = tpu.memref_squeeze %dma_start3A_50 : memref<1x64xi32, #tpu.memory_space<vmem>> -> memref<64xi32, #tpu.memory_space<vmem>>
      %dma_start3A_52 = arith.constant 0 : i32
      %dma_start3A_53 = arith.constant 0 : i32
      %dma_start3A_54 = tpu.memref_slice %arg2[%dma_start3A_52, %dma_start3A_53] : memref<10240x128xf32, #tpu.memory_space<hbm>> -> memref<10240x128xf32, #tpu.memory_space<hbm>>
      tpu.enqueue_indirect_dma source(%dma_start3A_54 : memref<10240x128xf32, #tpu.memory_space<hbm>>) target(%arg9 : memref<64x128xf32, #tpu.memory_space<vmem>>) offsets(%dma_start3A_51 : memref<64xi32, #tpu.memory_space<vmem>>) semaphore(%arg12 : memref<!tpu.dma_semaphore, #tpu.memory_space<semaphore_mem>>)
      %dma_start3A_55 = arith.constant 1 : i32
      %dma_start3A_56 = arith.constant 0 : i32
      %dma_start3A_57 = tpu.memref_slice %arg7[%dma_start3A_55, %dma_start3A_56] : memref<240x64xi32, #tpu.memory_space<vmem>> -> memref<1x64xi32, #tpu.memory_space<vmem>>
      %dma_start3A_58 = tpu.memref_squeeze %dma_start3A_57 : memref<1x64xi32, #tpu.memory_space<vmem>> -> memref<64xi32, #tpu.memory_space<vmem>>
      %dma_start3A_59 = arith.constant 0 : i32
      %dma_start3A_60 = arith.constant 0 : i32
      %dma_start3A_61 = tpu.memref_slice %arg2[%dma_start3A_59, %dma_start3A_60] : memref<10240x128xf32, #tpu.memory_space<hbm>> -> memref<10240x128xf32, #tpu.memory_space<hbm>>
      tpu.enqueue_indirect_dma source(%dma_start3A_61 : memref<10240x128xf32, #tpu.memory_space<hbm>>) target(%arg10 : memref<64x128xf32, #tpu.memory_space<vmem>>) offsets(%dma_start3A_58 : memref<64xi32, #tpu.memory_space<vmem>>) semaphore(%arg13 : memref<!tpu.dma_semaphore, #tpu.memory_space<semaphore_mem>>)
      %scan3A = arith.constant 0 : i32
      %scan3A_62 = arith.constant 0 : i32
      %scan3A_63 = arith.constant 39 : i32
      %scan3A_64 = arith.addi %scan3A_62, %scan3A_63 : i32
      %scan3A_65 = arith.constant 1 : i32
      scf.for %scan3A_81 = %scan3A_62 to %scan3A_64 step %scan3A_65  : i32 {
        %mul3A_82 = arith.constant 2 : i32
        %mul3A_83 = arith.muli %scan3A_81, %mul3A_82 : i32
        %add3A_84 = arith.constant 0 : i32
        %add3A_85 = arith.addi %mul3A_83, %add3A_84 : i32
        %dma_wait3A_86 = arith.constant 0 : i32
        %dma_wait3A_87 = tpu.memref_slice %arg7[%add3A_85, %dma_wait3A_86] : memref<240x64xi32, #tpu.memory_space<vmem>> -> memref<1x64xi32, #tpu.memory_space<vmem>>
        %dma_wait3A_88 = tpu.memref_squeeze %dma_wait3A_87 : memref<1x64xi32, #tpu.memory_space<vmem>> -> memref<64xi32, #tpu.memory_space<vmem>>
        %dma_wait3A_89 = arith.constant 0 : i32
        %dma_wait3A_90 = arith.constant 0 : i32
        %dma_wait3A_91 = tpu.memref_slice %arg2[%dma_wait3A_89, %dma_wait3A_90] : memref<10240x128xf32, #tpu.memory_space<hbm>> -> memref<10240x128xf32, #tpu.memory_space<hbm>>
        tpu.wait_indirect_dma semaphore(%arg12 : memref<!tpu.dma_semaphore, #tpu.memory_space<semaphore_mem>>) src(%dma_wait3A_91 : memref<10240x128xf32, #tpu.memory_space<hbm>>) dst(%arg9 : memref<64x128xf32, #tpu.memory_space<vmem>>)
        "tpu.region"() ({
          %run_scoped3A_118 = tpu.sem_alloc : memref<!tpu.dma_semaphore, #tpu.memory_space<semaphore_mem>>
          %dma_start3A_119 = arith.constant 0 : i32
          %dma_start3A_120 = tpu.memref_slice %arg8[%add3A_85, %dma_start3A_119] : memref<240x64xi32, #tpu.memory_space<vmem>> -> memref<1x64xi32, #tpu.memory_space<vmem>>
          %dma_start3A_121 = tpu.memref_squeeze %dma_start3A_120 : memref<1x64xi32, #tpu.memory_space<vmem>> -> memref<64xi32, #tpu.memory_space<vmem>>
          %dma_start3A_122 = arith.constant 0 : i32
          %dma_start3A_123 = arith.constant 0 : i32
          %dma_start3A_124 = tpu.memref_slice %arg11[%dma_start3A_122, %dma_start3A_123] : memref<10240x128xf32, #tpu.memory_space<vmem_shared>> -> memref<10240x128xf32, #tpu.memory_space<vmem_shared>>
          tpu.enqueue_indirect_dma source(%arg9 : memref<64x128xf32, #tpu.memory_space<vmem>>) target(%dma_start3A_124 : memref<10240x128xf32, #tpu.memory_space<vmem_shared>>) offsets(%dma_start3A_121 : memref<64xi32, #tpu.memory_space<vmem>>) semaphore(%run_scoped3A_118 : memref<!tpu.dma_semaphore, #tpu.memory_space<semaphore_mem>>) {add = true}
          %dma_wait3A_125 = arith.constant 0 : i32
          %dma_wait3A_126 = tpu.memref_slice %arg8[%add3A_85, %dma_wait3A_125] : memref<240x64xi32, #tpu.memory_space<vmem>> -> memref<1x64xi32, #tpu.memory_space<vmem>>
          %dma_wait3A_127 = tpu.memref_squeeze %dma_wait3A_126 : memref<1x64xi32, #tpu.memory_space<vmem>> -> memref<64xi32, #tpu.memory_space<vmem>>
          %dma_wait3A_128 = arith.constant 0 : i32
          %dma_wait3A_129 = arith.constant 0 : i32
          %dma_wait3A_130 = tpu.memref_slice %arg11[%dma_wait3A_128, %dma_wait3A_129] : memref<10240x128xf32, #tpu.memory_space<vmem_shared>> -> memref<10240x128xf32, #tpu.memory_space<vmem_shared>>
          tpu.wait_indirect_dma semaphore(%run_scoped3A_118 : memref<!tpu.dma_semaphore, #tpu.memory_space<semaphore_mem>>) src(%arg9 : memref<64x128xf32, #tpu.memory_space<vmem>>) dst(%dma_wait3A_130 : memref<10240x128xf32, #tpu.memory_space<vmem_shared>>)
          tpu.yield
        }) : () -> ()
        %add3A_92 = arith.constant 2 : i32
        %add3A_93 = arith.addi %add3A_85, %add3A_92 : i32
        %dma_start3A_94 = arith.constant 0 : i32
        %dma_start3A_95 = tpu.memref_slice %arg7[%add3A_93, %dma_start3A_94] : memref<240x64xi32, #tpu.memory_space<vmem>> -> memref<1x64xi32, #tpu.memory_space<vmem>>
        %dma_start3A_96 = tpu.memref_squeeze %dma_start3A_95 : memref<1x64xi32, #tpu.memory_space<vmem>> -> memref<64xi32, #tpu.memory_space<vmem>>
        %dma_start3A_97 = arith.constant 0 : i32
        %dma_start3A_98 = arith.constant 0 : i32
        %dma_start3A_99 = tpu.memref_slice %arg2[%dma_start3A_97, %dma_start3A_98] : memref<10240x128xf32, #tpu.memory_space<hbm>> -> memref<10240x128xf32, #tpu.memory_space<hbm>>
        tpu.enqueue_indirect_dma source(%dma_start3A_99 : memref<10240x128xf32, #tpu.memory_space<hbm>>) target(%arg9 : memref<64x128xf32, #tpu.memory_space<vmem>>) offsets(%dma_start3A_96 : memref<64xi32, #tpu.memory_space<vmem>>) semaphore(%arg12 : memref<!tpu.dma_semaphore, #tpu.memory_space<semaphore_mem>>)
        %mul3A_100 = arith.constant 2 : i32
        %mul3A_101 = arith.muli %scan3A_81, %mul3A_100 : i32
        %add3A_102 = arith.constant 1 : i32
        %add3A_103 = arith.addi %mul3A_101, %add3A_102 : i32
        %dma_wait3A_104 = arith.constant 0 : i32
        %dma_wait3A_105 = tpu.memref_slice %arg7[%add3A_103, %dma_wait3A_104] : memref<240x64xi32, #tpu.memory_space<vmem>> -> memref<1x64xi32, #tpu.memory_space<vmem>>
        %dma_wait3A_106 = tpu.memref_squeeze %dma_wait3A_105 : memref<1x64xi32, #tpu.memory_space<vmem>> -> memref<64xi32, #tpu.memory_space<vmem>>
        %dma_wait3A_107 = arith.constant 0 : i32
        %dma_wait3A_108 = arith.constant 0 : i32
        %dma_wait3A_109 = tpu.memref_slice %arg2[%dma_wait3A_107, %dma_wait3A_108] : memref<10240x128xf32, #tpu.memory_space<hbm>> -> memref<10240x128xf32, #tpu.memory_space<hbm>>
        tpu.wait_indirect_dma semaphore(%arg13 : memref<!tpu.dma_semaphore, #tpu.memory_space<semaphore_mem>>) src(%dma_wait3A_109 : memref<10240x128xf32, #tpu.memory_space<hbm>>) dst(%arg10 : memref<64x128xf32, #tpu.memory_space<vmem>>)
        "tpu.region"() ({
          %run_scoped3A_118 = tpu.sem_alloc : memref<!tpu.dma_semaphore, #tpu.memory_space<semaphore_mem>>
          %dma_start3A_119 = arith.constant 0 : i32
          %dma_start3A_120 = tpu.memref_slice %arg8[%add3A_103, %dma_start3A_119] : memref<240x64xi32, #tpu.memory_space<vmem>> -> memref<1x64xi32, #tpu.memory_space<vmem>>
          %dma_start3A_121 = tpu.memref_squeeze %dma_start3A_120 : memref<1x64xi32, #tpu.memory_space<vmem>> -> memref<64xi32, #tpu.memory_space<vmem>>
          %dma_start3A_122 = arith.constant 0 : i32
          %dma_start3A_123 = arith.constant 0 : i32
          %dma_start3A_124 = tpu.memref_slice %arg11[%dma_start3A_122, %dma_start3A_123] : memref<10240x128xf32, #tpu.memory_space<vmem_shared>> -> memref<10240x128xf32, #tpu.memory_space<vmem_shared>>
          tpu.enqueue_indirect_dma source(%arg10 : memref<64x128xf32, #tpu.memory_space<vmem>>) target(%dma_start3A_124 : memref<10240x128xf32, #tpu.memory_space<vmem_shared>>) offsets(%dma_start3A_121 : memref<64xi32, #tpu.memory_space<vmem>>) semaphore(%run_scoped3A_118 : memref<!tpu.dma_semaphore, #tpu.memory_space<semaphore_mem>>) {add = true}
          %dma_wait3A_125 = arith.constant 0 : i32
          %dma_wait3A_126 = tpu.memref_slice %arg8[%add3A_103, %dma_wait3A_125] : memref<240x64xi32, #tpu.memory_space<vmem>> -> memref<1x64xi32, #tpu.memory_space<vmem>>
          %dma_wait3A_127 = tpu.memref_squeeze %dma_wait3A_126 : memref<1x64xi32, #tpu.memory_space<vmem>> -> memref<64xi32, #tpu.memory_space<vmem>>
          %dma_wait3A_128 = arith.constant 0 : i32
          %dma_wait3A_129 = arith.constant 0 : i32
          %dma_wait3A_130 = tpu.memref_slice %arg11[%dma_wait3A_128, %dma_wait3A_129] : memref<10240x128xf32, #tpu.memory_space<vmem_shared>> -> memref<10240x128xf32, #tpu.memory_space<vmem_shared>>
          tpu.wait_indirect_dma semaphore(%run_scoped3A_118 : memref<!tpu.dma_semaphore, #tpu.memory_space<semaphore_mem>>) src(%arg10 : memref<64x128xf32, #tpu.memory_space<vmem>>) dst(%dma_wait3A_130 : memref<10240x128xf32, #tpu.memory_space<vmem_shared>>)
          tpu.yield
        }) : () -> ()
        %add3A_110 = arith.constant 2 : i32
        %add3A_111 = arith.addi %add3A_103, %add3A_110 : i32
        %dma_start3A_112 = arith.constant 0 : i32
        %dma_start3A_113 = tpu.memref_slice %arg7[%add3A_111, %dma_start3A_112] : memref<240x64xi32, #tpu.memory_space<vmem>> -> memref<1x64xi32, #tpu.memory_space<vmem>>
        %dma_start3A_114 = tpu.memref_squeeze %dma_start3A_113 : memref<1x64xi32, #tpu.memory_space<vmem>> -> memref<64xi32, #tpu.memory_space<vmem>>
        %dma_start3A_115 = arith.constant 0 : i32
        %dma_start3A_116 = arith.constant 0 : i32
        %dma_start3A_117 = tpu.memref_slice %arg2[%dma_start3A_115, %dma_start3A_116] : memref<10240x128xf32, #tpu.memory_space<hbm>> -> memref<10240x128xf32, #tpu.memory_space<hbm>>
        tpu.enqueue_indirect_dma source(%dma_start3A_117 : memref<10240x128xf32, #tpu.memory_space<hbm>>) target(%arg10 : memref<64x128xf32, #tpu.memory_space<vmem>>) offsets(%dma_start3A_114 : memref<64xi32, #tpu.memory_space<vmem>>) semaphore(%arg13 : memref<!tpu.dma_semaphore, #tpu.memory_space<semaphore_mem>>)
      }
      %scan3A_66 = arith.constant 39 : i32
      %dma_wait3A = arith.constant 78 : i32
      %dma_wait3A_67 = arith.constant 0 : i32
      %dma_wait3A_68 = tpu.memref_slice %arg7[%dma_wait3A, %dma_wait3A_67] : memref<240x64xi32, #tpu.memory_space<vmem>> -> memref<1x64xi32, #tpu.memory_space<vmem>>
      %dma_wait3A_69 = tpu.memref_squeeze %dma_wait3A_68 : memref<1x64xi32, #tpu.memory_space<vmem>> -> memref<64xi32, #tpu.memory_space<vmem>>
      %dma_wait3A_70 = arith.constant 0 : i32
      %dma_wait3A_71 = arith.constant 0 : i32
      %dma_wait3A_72 = tpu.memref_slice %arg2[%dma_wait3A_70, %dma_wait3A_71] : memref<10240x128xf32, #tpu.memory_space<hbm>> -> memref<10240x128xf32, #tpu.memory_space<hbm>>
      tpu.wait_indirect_dma semaphore(%arg12 : memref<!tpu.dma_semaphore, #tpu.memory_space<semaphore_mem>>) src(%dma_wait3A_72 : memref<10240x128xf32, #tpu.memory_space<hbm>>) dst(%arg9 : memref<64x128xf32, #tpu.memory_space<vmem>>)
      %run_scoped3A = arith.constant 78 : i32
      "tpu.region"() ({
        %run_scoped3A_81 = tpu.sem_alloc : memref<!tpu.dma_semaphore, #tpu.memory_space<semaphore_mem>>
        %dma_start3A_82 = arith.constant 0 : i32
        %dma_start3A_83 = tpu.memref_slice %arg8[%run_scoped3A, %dma_start3A_82] : memref<240x64xi32, #tpu.memory_space<vmem>> -> memref<1x64xi32, #tpu.memory_space<vmem>>
        %dma_start3A_84 = tpu.memref_squeeze %dma_start3A_83 : memref<1x64xi32, #tpu.memory_space<vmem>> -> memref<64xi32, #tpu.memory_space<vmem>>
        %dma_start3A_85 = arith.constant 0 : i32
        %dma_start3A_86 = arith.constant 0 : i32
        %dma_start3A_87 = tpu.memref_slice %arg11[%dma_start3A_85, %dma_start3A_86] : memref<10240x128xf32, #tpu.memory_space<vmem_shared>> -> memref<10240x128xf32, #tpu.memory_space<vmem_shared>>
        tpu.enqueue_indirect_dma source(%arg9 : memref<64x128xf32, #tpu.memory_space<vmem>>) target(%dma_start3A_87 : memref<10240x128xf32, #tpu.memory_space<vmem_shared>>) offsets(%dma_start3A_84 : memref<64xi32, #tpu.memory_space<vmem>>) semaphore(%run_scoped3A_81 : memref<!tpu.dma_semaphore, #tpu.memory_space<semaphore_mem>>) {add = true}
        %dma_wait3A_88 = arith.constant 0 : i32
        %dma_wait3A_89 = tpu.memref_slice %arg8[%run_scoped3A, %dma_wait3A_88] : memref<240x64xi32, #tpu.memory_space<vmem>> -> memref<1x64xi32, #tpu.memory_space<vmem>>
        %dma_wait3A_90 = tpu.memref_squeeze %dma_wait3A_89 : memref<1x64xi32, #tpu.memory_space<vmem>> -> memref<64xi32, #tpu.memory_space<vmem>>
        %dma_wait3A_91 = arith.constant 0 : i32
        %dma_wait3A_92 = arith.constant 0 : i32
        %dma_wait3A_93 = tpu.memref_slice %arg11[%dma_wait3A_91, %dma_wait3A_92] : memref<10240x128xf32, #tpu.memory_space<vmem_shared>> -> memref<10240x128xf32, #tpu.memory_space<vmem_shared>>
        tpu.wait_indirect_dma semaphore(%run_scoped3A_81 : memref<!tpu.dma_semaphore, #tpu.memory_space<semaphore_mem>>) src(%arg9 : memref<64x128xf32, #tpu.memory_space<vmem>>) dst(%dma_wait3A_93 : memref<10240x128xf32, #tpu.memory_space<vmem_shared>>)
        tpu.yield
      }) : () -> ()
      %dma_wait3A_73 = arith.constant 79 : i32
      %dma_wait3A_74 = arith.constant 0 : i32
      %dma_wait3A_75 = tpu.memref_slice %arg7[%dma_wait3A_73, %dma_wait3A_74] : memref<240x64xi32, #tpu.memory_space<vmem>> -> memref<1x64xi32, #tpu.memory_space<vmem>>
      %dma_wait3A_76 = tpu.memref_squeeze %dma_wait3A_75 : memref<1x64xi32, #tpu.memory_space<vmem>> -> memref<64xi32, #tpu.memory_space<vmem>>
      %dma_wait3A_77 = arith.constant 0 : i32
      %dma_wait3A_78 = arith.constant 0 : i32
      %dma_wait3A_79 = tpu.memref_slice %arg2[%dma_wait3A_77, %dma_wait3A_78] : memref<10240x128xf32, #tpu.memory_space<hbm>> -> memref<10240x128xf32, #tpu.memory_space<hbm>>
      tpu.wait_indirect_dma semaphore(%arg13 : memref<!tpu.dma_semaphore, #tpu.memory_space<semaphore_mem>>) src(%dma_wait3A_79 : memref<10240x128xf32, #tpu.memory_space<hbm>>) dst(%arg10 : memref<64x128xf32, #tpu.memory_space<vmem>>)
      %run_scoped3A_80 = arith.constant 79 : i32
      "tpu.region"() ({
        %run_scoped3A_81 = tpu.sem_alloc : memref<!tpu.dma_semaphore, #tpu.memory_space<semaphore_mem>>
        %dma_start3A_82 = arith.constant 0 : i32
        %dma_start3A_83 = tpu.memref_slice %arg8[%run_scoped3A_80, %dma_start3A_82] : memref<240x64xi32, #tpu.memory_space<vmem>> -> memref<1x64xi32, #tpu.memory_space<vmem>>
        %dma_start3A_84 = tpu.memref_squeeze %dma_start3A_83 : memref<1x64xi32, #tpu.memory_space<vmem>> -> memref<64xi32, #tpu.memory_space<vmem>>
        %dma_start3A_85 = arith.constant 0 : i32
        %dma_start3A_86 = arith.constant 0 : i32
        %dma_start3A_87 = tpu.memref_slice %arg11[%dma_start3A_85, %dma_start3A_86] : memref<10240x128xf32, #tpu.memory_space<vmem_shared>> -> memref<10240x128xf32, #tpu.memory_space<vmem_shared>>
        tpu.enqueue_indirect_dma source(%arg10 : memref<64x128xf32, #tpu.memory_space<vmem>>) target(%dma_start3A_87 : memref<10240x128xf32, #tpu.memory_space<vmem_shared>>) offsets(%dma_start3A_84 : memref<64xi32, #tpu.memory_space<vmem>>) semaphore(%run_scoped3A_81 : memref<!tpu.dma_semaphore, #tpu.memory_space<semaphore_mem>>) {add = true}
        %dma_wait3A_88 = arith.constant 0 : i32
        %dma_wait3A_89 = tpu.memref_slice %arg8[%run_scoped3A_80, %dma_wait3A_88] : memref<240x64xi32, #tpu.memory_space<vmem>> -> memref<1x64xi32, #tpu.memory_space<vmem>>
        %dma_wait3A_90 = tpu.memref_squeeze %dma_wait3A_89 : memref<1x64xi32, #tpu.memory_space<vmem>> -> memref<64xi32, #tpu.memory_space<vmem>>
        %dma_wait3A_91 = arith.constant 0 : i32
        %dma_wait3A_92 = arith.constant 0 : i32
        %dma_wait3A_93 = tpu.memref_slice %arg11[%dma_wait3A_91, %dma_wait3A_92] : memref<10240x128xf32, #tpu.memory_space<vmem_shared>> -> memref<10240x128xf32, #tpu.memory_space<vmem_shared>>
        tpu.wait_indirect_dma semaphore(%run_scoped3A_81 : memref<!tpu.dma_semaphore, #tpu.memory_space<semaphore_mem>>) src(%arg10 : memref<64x128xf32, #tpu.memory_space<vmem>>) dst(%dma_wait3A_93 : memref<10240x128xf32, #tpu.memory_space<vmem_shared>>)
        tpu.yield
      }) : () -> ()
    } else {
    }
    %barrier3A = arith.constant 0 : index
    tpu.barrier barrier_id(%barrier3A)
    %mul3A_25 = arith.constant 640 : i32
    %mul3A_26 = arith.muli %arg1, %mul3A_25 : i32
    %add3A_27 = arith.constant 0 : i32
    %add3A_28 = arith.addi %mul3A_26, %add3A_27 : i32
    "tpu.region"() ({
      %run_scoped3A = tpu.sem_alloc : memref<!tpu.dma_semaphore, #tpu.memory_space<semaphore_mem>>
      %dma_start3A = arith.constant 0 : i32
      %dma_start3A_45 = tpu.memref_slice %arg6[%arg0, %add3A_28, %dma_start3A] : memref<2x10240x128xf32, #tpu.memory_space<hbm>> -> memref<1x128x128xf32, #tpu.memory_space<hbm>>
      %dma_start3A_46 = tpu.memref_squeeze %dma_start3A_45 : memref<1x128x128xf32, #tpu.memory_space<hbm>> -> memref<128x128xf32, #tpu.memory_space<hbm>>
      %dma_start3A_47 = arith.constant 0 : i32
      %dma_start3A_48 = tpu.memref_slice %arg11[%add3A_28, %dma_start3A_47] : memref<10240x128xf32, #tpu.memory_space<vmem_shared>> -> memref<128x128xf32, #tpu.memory_space<vmem_shared>>
      tpu.enqueue_dma source(%dma_start3A_48 : memref<128x128xf32, #tpu.memory_space<vmem_shared>>) target(%dma_start3A_46 : memref<128x128xf32, #tpu.memory_space<hbm>>) target_semaphore(%run_scoped3A : memref<!tpu.dma_semaphore, #tpu.memory_space<semaphore_mem>>)
      %dma_wait3A = arith.constant 0 : i32
      %dma_wait3A_49 = tpu.memref_slice %arg6[%arg0, %add3A_28, %dma_wait3A] : memref<2x10240x128xf32, #tpu.memory_space<hbm>> -> memref<1x128x128xf32, #tpu.memory_space<hbm>>
      %dma_wait3A_50 = tpu.memref_squeeze %dma_wait3A_49 : memref<1x128x128xf32, #tpu.memory_space<hbm>> -> memref<128x128xf32, #tpu.memory_space<hbm>>
      %dma_wait3A_51 = arith.constant 0 : i32
      %dma_wait3A_52 = tpu.memref_slice %arg11[%add3A_28, %dma_wait3A_51] : memref<10240x128xf32, #tpu.memory_space<vmem_shared>> -> memref<128x128xf32, #tpu.memory_space<vmem_shared>>
      tpu.wait_dma2 semaphore(%run_scoped3A : memref<!tpu.dma_semaphore, #tpu.memory_space<semaphore_mem>>) src(%dma_wait3A_52 : memref<128x128xf32, #tpu.memory_space<vmem_shared>>) dst(%dma_wait3A_50 : memref<128x128xf32, #tpu.memory_space<hbm>>)
      tpu.yield
    }) : () -> ()
    %mul3A_29 = arith.constant 640 : i32
    %mul3A_30 = arith.muli %arg1, %mul3A_29 : i32
    %add3A_31 = arith.constant 128 : i32
    %add3A_32 = arith.addi %mul3A_30, %add3A_31 : i32
    "tpu.region"() ({
      %run_scoped3A = tpu.sem_alloc : memref<!tpu.dma_semaphore, #tpu.memory_space<semaphore_mem>>
      %dma_start3A = arith.constant 0 : i32
      %dma_start3A_45 = tpu.memref_slice %arg6[%arg0, %add3A_32, %dma_start3A] : memref<2x10240x128xf32, #tpu.memory_space<hbm>> -> memref<1x128x128xf32, #tpu.memory_space<hbm>>
      %dma_start3A_46 = tpu.memref_squeeze %dma_start3A_45 : memref<1x128x128xf32, #tpu.memory_space<hbm>> -> memref<128x128xf32, #tpu.memory_space<hbm>>
      %dma_start3A_47 = arith.constant 0 : i32
      %dma_start3A_48 = tpu.memref_slice %arg11[%add3A_32, %dma_start3A_47] : memref<10240x128xf32, #tpu.memory_space<vmem_shared>> -> memref<128x128xf32, #tpu.memory_space<vmem_shared>>
      tpu.enqueue_dma source(%dma_start3A_48 : memref<128x128xf32, #tpu.memory_space<vmem_shared>>) target(%dma_start3A_46 : memref<128x128xf32, #tpu.memory_space<hbm>>) target_semaphore(%run_scoped3A : memref<!tpu.dma_semaphore, #tpu.memory_space<semaphore_mem>>)
      %dma_wait3A = arith.constant 0 : i32
      %dma_wait3A_49 = tpu.memref_slice %arg6[%arg0, %add3A_32, %dma_wait3A] : memref<2x10240x128xf32, #tpu.memory_space<hbm>> -> memref<1x128x128xf32, #tpu.memory_space<hbm>>
      %dma_wait3A_50 = tpu.memref_squeeze %dma_wait3A_49 : memref<1x128x128xf32, #tpu.memory_space<hbm>> -> memref<128x128xf32, #tpu.memory_space<hbm>>
      %dma_wait3A_51 = arith.constant 0 : i32
      %dma_wait3A_52 = tpu.memref_slice %arg11[%add3A_32, %dma_wait3A_51] : memref<10240x128xf32, #tpu.memory_space<vmem_shared>> -> memref<128x128xf32, #tpu.memory_space<vmem_shared>>
      tpu.wait_dma2 semaphore(%run_scoped3A : memref<!tpu.dma_semaphore, #tpu.memory_space<semaphore_mem>>) src(%dma_wait3A_52 : memref<128x128xf32, #tpu.memory_space<vmem_shared>>) dst(%dma_wait3A_50 : memref<128x128xf32, #tpu.memory_space<hbm>>)
      tpu.yield
    }) : () -> ()
    %mul3A_33 = arith.constant 640 : i32
    %mul3A_34 = arith.muli %arg1, %mul3A_33 : i32
    %add3A_35 = arith.constant 256 : i32
    %add3A_36 = arith.addi %mul3A_34, %add3A_35 : i32
    "tpu.region"() ({
      %run_scoped3A = tpu.sem_alloc : memref<!tpu.dma_semaphore, #tpu.memory_space<semaphore_mem>>
      %dma_start3A = arith.constant 0 : i32
      %dma_start3A_45 = tpu.memref_slice %arg6[%arg0, %add3A_36, %dma_start3A] : memref<2x10240x128xf32, #tpu.memory_space<hbm>> -> memref<1x128x128xf32, #tpu.memory_space<hbm>>
      %dma_start3A_46 = tpu.memref_squeeze %dma_start3A_45 : memref<1x128x128xf32, #tpu.memory_space<hbm>> -> memref<128x128xf32, #tpu.memory_space<hbm>>
      %dma_start3A_47 = arith.constant 0 : i32
      %dma_start3A_48 = tpu.memref_slice %arg11[%add3A_36, %dma_start3A_47] : memref<10240x128xf32, #tpu.memory_space<vmem_shared>> -> memref<128x128xf32, #tpu.memory_space<vmem_shared>>
      tpu.enqueue_dma source(%dma_start3A_48 : memref<128x128xf32, #tpu.memory_space<vmem_shared>>) target(%dma_start3A_46 : memref<128x128xf32, #tpu.memory_space<hbm>>) target_semaphore(%run_scoped3A : memref<!tpu.dma_semaphore, #tpu.memory_space<semaphore_mem>>)
      %dma_wait3A = arith.constant 0 : i32
      %dma_wait3A_49 = tpu.memref_slice %arg6[%arg0, %add3A_36, %dma_wait3A] : memref<2x10240x128xf32, #tpu.memory_space<hbm>> -> memref<1x128x128xf32, #tpu.memory_space<hbm>>
      %dma_wait3A_50 = tpu.memref_squeeze %dma_wait3A_49 : memref<1x128x128xf32, #tpu.memory_space<hbm>> -> memref<128x128xf32, #tpu.memory_space<hbm>>
      %dma_wait3A_51 = arith.constant 0 : i32
      %dma_wait3A_52 = tpu.memref_slice %arg11[%add3A_36, %dma_wait3A_51] : memref<10240x128xf32, #tpu.memory_space<vmem_shared>> -> memref<128x128xf32, #tpu.memory_space<vmem_shared>>
      tpu.wait_dma2 semaphore(%run_scoped3A : memref<!tpu.dma_semaphore, #tpu.memory_space<semaphore_mem>>) src(%dma_wait3A_52 : memref<128x128xf32, #tpu.memory_space<vmem_shared>>) dst(%dma_wait3A_50 : memref<128x128xf32, #tpu.memory_space<hbm>>)
      tpu.yield
    }) : () -> ()
    %mul3A_37 = arith.constant 640 : i32
    %mul3A_38 = arith.muli %arg1, %mul3A_37 : i32
    %add3A_39 = arith.constant 384 : i32
    %add3A_40 = arith.addi %mul3A_38, %add3A_39 : i32
    "tpu.region"() ({
      %run_scoped3A = tpu.sem_alloc : memref<!tpu.dma_semaphore, #tpu.memory_space<semaphore_mem>>
      %dma_start3A = arith.constant 0 : i32
      %dma_start3A_45 = tpu.memref_slice %arg6[%arg0, %add3A_40, %dma_start3A] : memref<2x10240x128xf32, #tpu.memory_space<hbm>> -> memref<1x128x128xf32, #tpu.memory_space<hbm>>
      %dma_start3A_46 = tpu.memref_squeeze %dma_start3A_45 : memref<1x128x128xf32, #tpu.memory_space<hbm>> -> memref<128x128xf32, #tpu.memory_space<hbm>>
      %dma_start3A_47 = arith.constant 0 : i32
      %dma_start3A_48 = tpu.memref_slice %arg11[%add3A_40, %dma_start3A_47] : memref<10240x128xf32, #tpu.memory_space<vmem_shared>> -> memref<128x128xf32, #tpu.memory_space<vmem_shared>>
      tpu.enqueue_dma source(%dma_start3A_48 : memref<128x128xf32, #tpu.memory_space<vmem_shared>>) target(%dma_start3A_46 : memref<128x128xf32, #tpu.memory_space<hbm>>) target_semaphore(%run_scoped3A : memref<!tpu.dma_semaphore, #tpu.memory_space<semaphore_mem>>)
      %dma_wait3A = arith.constant 0 : i32
      %dma_wait3A_49 = tpu.memref_slice %arg6[%arg0, %add3A_40, %dma_wait3A] : memref<2x10240x128xf32, #tpu.memory_space<hbm>> -> memref<1x128x128xf32, #tpu.memory_space<hbm>>
      %dma_wait3A_50 = tpu.memref_squeeze %dma_wait3A_49 : memref<1x128x128xf32, #tpu.memory_space<hbm>> -> memref<128x128xf32, #tpu.memory_space<hbm>>
      %dma_wait3A_51 = arith.constant 0 : i32
      %dma_wait3A_52 = tpu.memref_slice %arg11[%add3A_40, %dma_wait3A_51] : memref<10240x128xf32, #tpu.memory_space<vmem_shared>> -> memref<128x128xf32, #tpu.memory_space<vmem_shared>>
      tpu.wait_dma2 semaphore(%run_scoped3A : memref<!tpu.dma_semaphore, #tpu.memory_space<semaphore_mem>>) src(%dma_wait3A_52 : memref<128x128xf32, #tpu.memory_space<vmem_shared>>) dst(%dma_wait3A_50 : memref<128x128xf32, #tpu.memory_space<hbm>>)
      tpu.yield
    }) : () -> ()
    %mul3A_41 = arith.constant 640 : i32
    %mul3A_42 = arith.muli %arg1, %mul3A_41 : i32
    %add3A_43 = arith.constant 512 : i32
    %add3A_44 = arith.addi %mul3A_42, %add3A_43 : i32
    "tpu.region"() ({
      %run_scoped3A = tpu.sem_alloc : memref<!tpu.dma_semaphore, #tpu.memory_space<semaphore_mem>>
      %dma_start3A = arith.constant 0 : i32
      %dma_start3A_45 = tpu.memref_slice %arg6[%arg0, %add3A_44, %dma_start3A] : memref<2x10240x128xf32, #tpu.memory_space<hbm>> -> memref<1x128x128xf32, #tpu.memory_space<hbm>>
      %dma_start3A_46 = tpu.memref_squeeze %dma_start3A_45 : memref<1x128x128xf32, #tpu.memory_space<hbm>> -> memref<128x128xf32, #tpu.memory_space<hbm>>
      %dma_start3A_47 = arith.constant 0 : i32
      %dma_start3A_48 = tpu.memref_slice %arg11[%add3A_44, %dma_start3A_47] : memref<10240x128xf32, #tpu.memory_space<vmem_shared>> -> memref<128x128xf32, #tpu.memory_space<vmem_shared>>
      tpu.enqueue_dma source(%dma_start3A_48 : memref<128x128xf32, #tpu.memory_space<vmem_shared>>) target(%dma_start3A_46 : memref<128x128xf32, #tpu.memory_space<hbm>>) target_semaphore(%run_scoped3A : memref<!tpu.dma_semaphore, #tpu.memory_space<semaphore_mem>>)
      %dma_wait3A = arith.constant 0 : i32
      %dma_wait3A_49 = tpu.memref_slice %arg6[%arg0, %add3A_44, %dma_wait3A] : memref<2x10240x128xf32, #tpu.memory_space<hbm>> -> memref<1x128x128xf32, #tpu.memory_space<hbm>>
      %dma_wait3A_50 = tpu.memref_squeeze %dma_wait3A_49 : memref<1x128x128xf32, #tpu.memory_space<hbm>> -> memref<128x128xf32, #tpu.memory_space<hbm>>
      %dma_wait3A_51 = arith.constant 0 : i32
      %dma_wait3A_52 = tpu.memref_slice %arg11[%add3A_44, %dma_wait3A_51] : memref<10240x128xf32, #tpu.memory_space<vmem_shared>> -> memref<128x128xf32, #tpu.memory_space<vmem_shared>>
      tpu.wait_dma2 semaphore(%run_scoped3A : memref<!tpu.dma_semaphore, #tpu.memory_space<semaphore_mem>>) src(%dma_wait3A_52 : memref<128x128xf32, #tpu.memory_space<vmem_shared>>) dst(%dma_wait3A_50 : memref<128x128xf32, #tpu.memory_space<hbm>>)
      tpu.yield
    }) : () -> ()
    return
  }
}

#map = affine_map<(d0, d1) -> (0, 0)>
#map1 = affine_map<(d0, d1) -> (0, 0, 0)>
module attributes {stable_mosaic.version = 14 : i64} {
  func.func @deg_kernel(%arg0: i32, %arg1: i32, %arg2: memref<5120x64xi32, #tpu.memory_space<hbm>>, %arg3: memref<64x16xf32, #tpu.memory_space<hbm>>, %arg4: memref<128x16xf32, #tpu.memory_space<hbm>>, %arg5: memref<2x10240x16xf32, #tpu.memory_space<hbm>>, %arg6: memref<160x64xi32, #tpu.memory_space<vmem>>, %arg7: memref<64x16xf32, #tpu.memory_space<vmem>>, %arg8: memref<10240x16xf32, #tpu.memory_space<vmem_shared>>) attributes {dimension_semantics = [#tpu.dimension_semantics<core_parallel>, #tpu.dimension_semantics<subcore_parallel>], iteration_bounds = array<i64: 2, 16>, scalar_prefetch = 0 : i64, scratch_operands = 3 : i64, tpu.core_type = #tpu.core_type<sc_vector_subcore>, window_params = [{transform_indices = #map}, {transform_indices = #map}, {transform_indices = #map}, {transform_indices = #map1}]} {
    %mul3A = arith.constant 16 : i32
    %mul3A_0 = arith.muli %arg0, %mul3A : i32
    %add3A = arith.addi %mul3A_0, %arg1 : i32
    %mul3A_1 = arith.constant 160 : i32
    %mul3A_2 = arith.muli %add3A, %mul3A_1 : i32
    "tpu.region"() ({
      %run_scoped3A = tpu.sem_alloc : memref<!tpu.dma_semaphore, #tpu.memory_space<semaphore_mem>>
      %dma_start3A = arith.constant 0 : i32
      %dma_start3A_49 = tpu.memref_slice %arg2[%mul3A_2, %dma_start3A] : memref<5120x64xi32, #tpu.memory_space<hbm>> -> memref<160x64xi32, #tpu.memory_space<hbm>>
      %dma_start3A_50 = arith.constant 0 : i32
      %dma_start3A_51 = tpu.memref_slice %arg2[%mul3A_2, %dma_start3A_50] : memref<5120x64xi32, #tpu.memory_space<hbm>> -> memref<160x64xi32, #tpu.memory_space<hbm>>
      tpu.enqueue_dma source(%dma_start3A_51 : memref<160x64xi32, #tpu.memory_space<hbm>>) target(%arg6 : memref<160x64xi32, #tpu.memory_space<vmem>>) target_semaphore(%run_scoped3A : memref<!tpu.dma_semaphore, #tpu.memory_space<semaphore_mem>>)
      %dma_wait3A = arith.constant 0 : i32
      %dma_wait3A_52 = tpu.memref_slice %arg2[%mul3A_2, %dma_wait3A] : memref<5120x64xi32, #tpu.memory_space<hbm>> -> memref<160x64xi32, #tpu.memory_space<hbm>>
      %dma_wait3A_53 = arith.constant 0 : i32
      %dma_wait3A_54 = tpu.memref_slice %arg2[%mul3A_2, %dma_wait3A_53] : memref<5120x64xi32, #tpu.memory_space<hbm>> -> memref<160x64xi32, #tpu.memory_space<hbm>>
      tpu.wait_dma2 semaphore(%run_scoped3A : memref<!tpu.dma_semaphore, #tpu.memory_space<semaphore_mem>>) src(%dma_wait3A_54 : memref<160x64xi32, #tpu.memory_space<hbm>>) dst(%arg6 : memref<160x64xi32, #tpu.memory_space<vmem>>)
      tpu.yield
    }) : () -> ()
    "tpu.region"() ({
      %run_scoped3A = tpu.sem_alloc : memref<!tpu.dma_semaphore, #tpu.memory_space<semaphore_mem>>
      tpu.enqueue_dma source(%arg3 : memref<64x16xf32, #tpu.memory_space<hbm>>) target(%arg7 : memref<64x16xf32, #tpu.memory_space<vmem>>) target_semaphore(%run_scoped3A : memref<!tpu.dma_semaphore, #tpu.memory_space<semaphore_mem>>)
      tpu.wait_dma2 semaphore(%run_scoped3A : memref<!tpu.dma_semaphore, #tpu.memory_space<semaphore_mem>>) src(%arg3 : memref<64x16xf32, #tpu.memory_space<hbm>>) dst(%arg7 : memref<64x16xf32, #tpu.memory_space<vmem>>)
      tpu.yield
    }) : () -> ()
    %mul3A_3 = arith.constant 640 : i32
    %mul3A_4 = arith.muli %arg1, %mul3A_3 : i32
    %add3A_5 = arith.constant 0 : i32
    %add3A_6 = arith.addi %mul3A_4, %add3A_5 : i32
    "tpu.region"() ({
      %run_scoped3A = tpu.sem_alloc : memref<!tpu.dma_semaphore, #tpu.memory_space<semaphore_mem>>
      %dma_start3A = arith.constant 0 : i32
      %dma_start3A_49 = tpu.memref_slice %arg8[%add3A_6, %dma_start3A] : memref<10240x16xf32, #tpu.memory_space<vmem_shared>> -> memref<128x16xf32, #tpu.memory_space<vmem_shared>>
      tpu.enqueue_dma source(%arg4 : memref<128x16xf32, #tpu.memory_space<hbm>>) target(%dma_start3A_49 : memref<128x16xf32, #tpu.memory_space<vmem_shared>>) target_semaphore(%run_scoped3A : memref<!tpu.dma_semaphore, #tpu.memory_space<semaphore_mem>>)
      %dma_wait3A = arith.constant 0 : i32
      %dma_wait3A_50 = tpu.memref_slice %arg8[%add3A_6, %dma_wait3A] : memref<10240x16xf32, #tpu.memory_space<vmem_shared>> -> memref<128x16xf32, #tpu.memory_space<vmem_shared>>
      tpu.wait_dma2 semaphore(%run_scoped3A : memref<!tpu.dma_semaphore, #tpu.memory_space<semaphore_mem>>) src(%arg4 : memref<128x16xf32, #tpu.memory_space<hbm>>) dst(%dma_wait3A_50 : memref<128x16xf32, #tpu.memory_space<vmem_shared>>)
      tpu.yield
    }) : () -> ()
    %mul3A_7 = arith.constant 640 : i32
    %mul3A_8 = arith.muli %arg1, %mul3A_7 : i32
    %add3A_9 = arith.constant 128 : i32
    %add3A_10 = arith.addi %mul3A_8, %add3A_9 : i32
    "tpu.region"() ({
      %run_scoped3A = tpu.sem_alloc : memref<!tpu.dma_semaphore, #tpu.memory_space<semaphore_mem>>
      %dma_start3A = arith.constant 0 : i32
      %dma_start3A_49 = tpu.memref_slice %arg8[%add3A_10, %dma_start3A] : memref<10240x16xf32, #tpu.memory_space<vmem_shared>> -> memref<128x16xf32, #tpu.memory_space<vmem_shared>>
      tpu.enqueue_dma source(%arg4 : memref<128x16xf32, #tpu.memory_space<hbm>>) target(%dma_start3A_49 : memref<128x16xf32, #tpu.memory_space<vmem_shared>>) target_semaphore(%run_scoped3A : memref<!tpu.dma_semaphore, #tpu.memory_space<semaphore_mem>>)
      %dma_wait3A = arith.constant 0 : i32
      %dma_wait3A_50 = tpu.memref_slice %arg8[%add3A_10, %dma_wait3A] : memref<10240x16xf32, #tpu.memory_space<vmem_shared>> -> memref<128x16xf32, #tpu.memory_space<vmem_shared>>
      tpu.wait_dma2 semaphore(%run_scoped3A : memref<!tpu.dma_semaphore, #tpu.memory_space<semaphore_mem>>) src(%arg4 : memref<128x16xf32, #tpu.memory_space<hbm>>) dst(%dma_wait3A_50 : memref<128x16xf32, #tpu.memory_space<vmem_shared>>)
      tpu.yield
    }) : () -> ()
    %mul3A_11 = arith.constant 640 : i32
    %mul3A_12 = arith.muli %arg1, %mul3A_11 : i32
    %add3A_13 = arith.constant 256 : i32
    %add3A_14 = arith.addi %mul3A_12, %add3A_13 : i32
    "tpu.region"() ({
      %run_scoped3A = tpu.sem_alloc : memref<!tpu.dma_semaphore, #tpu.memory_space<semaphore_mem>>
      %dma_start3A = arith.constant 0 : i32
      %dma_start3A_49 = tpu.memref_slice %arg8[%add3A_14, %dma_start3A] : memref<10240x16xf32, #tpu.memory_space<vmem_shared>> -> memref<128x16xf32, #tpu.memory_space<vmem_shared>>
      tpu.enqueue_dma source(%arg4 : memref<128x16xf32, #tpu.memory_space<hbm>>) target(%dma_start3A_49 : memref<128x16xf32, #tpu.memory_space<vmem_shared>>) target_semaphore(%run_scoped3A : memref<!tpu.dma_semaphore, #tpu.memory_space<semaphore_mem>>)
      %dma_wait3A = arith.constant 0 : i32
      %dma_wait3A_50 = tpu.memref_slice %arg8[%add3A_14, %dma_wait3A] : memref<10240x16xf32, #tpu.memory_space<vmem_shared>> -> memref<128x16xf32, #tpu.memory_space<vmem_shared>>
      tpu.wait_dma2 semaphore(%run_scoped3A : memref<!tpu.dma_semaphore, #tpu.memory_space<semaphore_mem>>) src(%arg4 : memref<128x16xf32, #tpu.memory_space<hbm>>) dst(%dma_wait3A_50 : memref<128x16xf32, #tpu.memory_space<vmem_shared>>)
      tpu.yield
    }) : () -> ()
    %mul3A_15 = arith.constant 640 : i32
    %mul3A_16 = arith.muli %arg1, %mul3A_15 : i32
    %add3A_17 = arith.constant 384 : i32
    %add3A_18 = arith.addi %mul3A_16, %add3A_17 : i32
    "tpu.region"() ({
      %run_scoped3A = tpu.sem_alloc : memref<!tpu.dma_semaphore, #tpu.memory_space<semaphore_mem>>
      %dma_start3A = arith.constant 0 : i32
      %dma_start3A_49 = tpu.memref_slice %arg8[%add3A_18, %dma_start3A] : memref<10240x16xf32, #tpu.memory_space<vmem_shared>> -> memref<128x16xf32, #tpu.memory_space<vmem_shared>>
      tpu.enqueue_dma source(%arg4 : memref<128x16xf32, #tpu.memory_space<hbm>>) target(%dma_start3A_49 : memref<128x16xf32, #tpu.memory_space<vmem_shared>>) target_semaphore(%run_scoped3A : memref<!tpu.dma_semaphore, #tpu.memory_space<semaphore_mem>>)
      %dma_wait3A = arith.constant 0 : i32
      %dma_wait3A_50 = tpu.memref_slice %arg8[%add3A_18, %dma_wait3A] : memref<10240x16xf32, #tpu.memory_space<vmem_shared>> -> memref<128x16xf32, #tpu.memory_space<vmem_shared>>
      tpu.wait_dma2 semaphore(%run_scoped3A : memref<!tpu.dma_semaphore, #tpu.memory_space<semaphore_mem>>) src(%arg4 : memref<128x16xf32, #tpu.memory_space<hbm>>) dst(%dma_wait3A_50 : memref<128x16xf32, #tpu.memory_space<vmem_shared>>)
      tpu.yield
    }) : () -> ()
    %mul3A_19 = arith.constant 640 : i32
    %mul3A_20 = arith.muli %arg1, %mul3A_19 : i32
    %add3A_21 = arith.constant 512 : i32
    %add3A_22 = arith.addi %mul3A_20, %add3A_21 : i32
    "tpu.region"() ({
      %run_scoped3A = tpu.sem_alloc : memref<!tpu.dma_semaphore, #tpu.memory_space<semaphore_mem>>
      %dma_start3A = arith.constant 0 : i32
      %dma_start3A_49 = tpu.memref_slice %arg8[%add3A_22, %dma_start3A] : memref<10240x16xf32, #tpu.memory_space<vmem_shared>> -> memref<128x16xf32, #tpu.memory_space<vmem_shared>>
      tpu.enqueue_dma source(%arg4 : memref<128x16xf32, #tpu.memory_space<hbm>>) target(%dma_start3A_49 : memref<128x16xf32, #tpu.memory_space<vmem_shared>>) target_semaphore(%run_scoped3A : memref<!tpu.dma_semaphore, #tpu.memory_space<semaphore_mem>>)
      %dma_wait3A = arith.constant 0 : i32
      %dma_wait3A_50 = tpu.memref_slice %arg8[%add3A_22, %dma_wait3A] : memref<10240x16xf32, #tpu.memory_space<vmem_shared>> -> memref<128x16xf32, #tpu.memory_space<vmem_shared>>
      tpu.wait_dma2 semaphore(%run_scoped3A : memref<!tpu.dma_semaphore, #tpu.memory_space<semaphore_mem>>) src(%arg4 : memref<128x16xf32, #tpu.memory_space<hbm>>) dst(%dma_wait3A_50 : memref<128x16xf32, #tpu.memory_space<vmem_shared>>)
      tpu.yield
    }) : () -> ()
    %barrier3A = arith.constant 0 : index
    tpu.barrier barrier_id(%barrier3A)
    %scan3A = arith.constant 0 : i32
    %scan3A_23 = arith.constant 0 : i32
    %scan3A_24 = arith.constant 160 : i32
    %scan3A_25 = arith.addi %scan3A_23, %scan3A_24 : i32
    %scan3A_26 = arith.constant 1 : i32
    scf.for %scan3A_49 = %scan3A_23 to %scan3A_25 step %scan3A_26  : i32 {
      "tpu.region"() ({
        %run_scoped3A = tpu.sem_alloc : memref<!tpu.dma_semaphore, #tpu.memory_space<semaphore_mem>>
        %dma_start3A = arith.constant 0 : i32
        %dma_start3A_50 = tpu.memref_slice %arg6[%scan3A_49, %dma_start3A] : memref<160x64xi32, #tpu.memory_space<vmem>> -> memref<1x64xi32, #tpu.memory_space<vmem>>
        %dma_start3A_51 = tpu.memref_squeeze %dma_start3A_50 : memref<1x64xi32, #tpu.memory_space<vmem>> -> memref<64xi32, #tpu.memory_space<vmem>>
        %dma_start3A_52 = arith.constant 0 : i32
        %dma_start3A_53 = arith.constant 0 : i32
        %dma_start3A_54 = tpu.memref_slice %arg8[%dma_start3A_52, %dma_start3A_53] : memref<10240x16xf32, #tpu.memory_space<vmem_shared>> -> memref<10240x16xf32, #tpu.memory_space<vmem_shared>>
        tpu.enqueue_indirect_dma source(%arg7 : memref<64x16xf32, #tpu.memory_space<vmem>>) target(%dma_start3A_54 : memref<10240x16xf32, #tpu.memory_space<vmem_shared>>) offsets(%dma_start3A_51 : memref<64xi32, #tpu.memory_space<vmem>>) semaphore(%run_scoped3A : memref<!tpu.dma_semaphore, #tpu.memory_space<semaphore_mem>>) {add = true}
        %dma_wait3A = arith.constant 0 : i32
        %dma_wait3A_55 = tpu.memref_slice %arg6[%scan3A_49, %dma_wait3A] : memref<160x64xi32, #tpu.memory_space<vmem>> -> memref<1x64xi32, #tpu.memory_space<vmem>>
        %dma_wait3A_56 = tpu.memref_squeeze %dma_wait3A_55 : memref<1x64xi32, #tpu.memory_space<vmem>> -> memref<64xi32, #tpu.memory_space<vmem>>
        %dma_wait3A_57 = arith.constant 0 : i32
        %dma_wait3A_58 = arith.constant 0 : i32
        %dma_wait3A_59 = tpu.memref_slice %arg8[%dma_wait3A_57, %dma_wait3A_58] : memref<10240x16xf32, #tpu.memory_space<vmem_shared>> -> memref<10240x16xf32, #tpu.memory_space<vmem_shared>>
        tpu.wait_indirect_dma semaphore(%run_scoped3A : memref<!tpu.dma_semaphore, #tpu.memory_space<semaphore_mem>>) src(%arg7 : memref<64x16xf32, #tpu.memory_space<vmem>>) dst(%dma_wait3A_59 : memref<10240x16xf32, #tpu.memory_space<vmem_shared>>)
        tpu.yield
      }) : () -> ()
    }
    %scan3A_27 = arith.constant 160 : i32
    %barrier3A_28 = arith.constant 0 : index
    tpu.barrier barrier_id(%barrier3A_28)
    %mul3A_29 = arith.constant 640 : i32
    %mul3A_30 = arith.muli %arg1, %mul3A_29 : i32
    %add3A_31 = arith.constant 0 : i32
    %add3A_32 = arith.addi %mul3A_30, %add3A_31 : i32
    "tpu.region"() ({
      %run_scoped3A = tpu.sem_alloc : memref<!tpu.dma_semaphore, #tpu.memory_space<semaphore_mem>>
      %dma_start3A = arith.constant 0 : i32
      %dma_start3A_49 = tpu.memref_slice %arg5[%arg0, %add3A_32, %dma_start3A] : memref<2x10240x16xf32, #tpu.memory_space<hbm>> -> memref<1x128x16xf32, #tpu.memory_space<hbm>>
      %dma_start3A_50 = tpu.memref_squeeze %dma_start3A_49 : memref<1x128x16xf32, #tpu.memory_space<hbm>> -> memref<128x16xf32, #tpu.memory_space<hbm>>
      %dma_start3A_51 = arith.constant 0 : i32
      %dma_start3A_52 = tpu.memref_slice %arg8[%add3A_32, %dma_start3A_51] : memref<10240x16xf32, #tpu.memory_space<vmem_shared>> -> memref<128x16xf32, #tpu.memory_space<vmem_shared>>
      tpu.enqueue_dma source(%dma_start3A_52 : memref<128x16xf32, #tpu.memory_space<vmem_shared>>) target(%dma_start3A_50 : memref<128x16xf32, #tpu.memory_space<hbm>>) target_semaphore(%run_scoped3A : memref<!tpu.dma_semaphore, #tpu.memory_space<semaphore_mem>>)
      %dma_wait3A = arith.constant 0 : i32
      %dma_wait3A_53 = tpu.memref_slice %arg5[%arg0, %add3A_32, %dma_wait3A] : memref<2x10240x16xf32, #tpu.memory_space<hbm>> -> memref<1x128x16xf32, #tpu.memory_space<hbm>>
      %dma_wait3A_54 = tpu.memref_squeeze %dma_wait3A_53 : memref<1x128x16xf32, #tpu.memory_space<hbm>> -> memref<128x16xf32, #tpu.memory_space<hbm>>
      %dma_wait3A_55 = arith.constant 0 : i32
      %dma_wait3A_56 = tpu.memref_slice %arg8[%add3A_32, %dma_wait3A_55] : memref<10240x16xf32, #tpu.memory_space<vmem_shared>> -> memref<128x16xf32, #tpu.memory_space<vmem_shared>>
      tpu.wait_dma2 semaphore(%run_scoped3A : memref<!tpu.dma_semaphore, #tpu.memory_space<semaphore_mem>>) src(%dma_wait3A_56 : memref<128x16xf32, #tpu.memory_space<vmem_shared>>) dst(%dma_wait3A_54 : memref<128x16xf32, #tpu.memory_space<hbm>>)
      tpu.yield
    }) : () -> ()
    %mul3A_33 = arith.constant 640 : i32
    %mul3A_34 = arith.muli %arg1, %mul3A_33 : i32
    %add3A_35 = arith.constant 128 : i32
    %add3A_36 = arith.addi %mul3A_34, %add3A_35 : i32
    "tpu.region"() ({
      %run_scoped3A = tpu.sem_alloc : memref<!tpu.dma_semaphore, #tpu.memory_space<semaphore_mem>>
      %dma_start3A = arith.constant 0 : i32
      %dma_start3A_49 = tpu.memref_slice %arg5[%arg0, %add3A_36, %dma_start3A] : memref<2x10240x16xf32, #tpu.memory_space<hbm>> -> memref<1x128x16xf32, #tpu.memory_space<hbm>>
      %dma_start3A_50 = tpu.memref_squeeze %dma_start3A_49 : memref<1x128x16xf32, #tpu.memory_space<hbm>> -> memref<128x16xf32, #tpu.memory_space<hbm>>
      %dma_start3A_51 = arith.constant 0 : i32
      %dma_start3A_52 = tpu.memref_slice %arg8[%add3A_36, %dma_start3A_51] : memref<10240x16xf32, #tpu.memory_space<vmem_shared>> -> memref<128x16xf32, #tpu.memory_space<vmem_shared>>
      tpu.enqueue_dma source(%dma_start3A_52 : memref<128x16xf32, #tpu.memory_space<vmem_shared>>) target(%dma_start3A_50 : memref<128x16xf32, #tpu.memory_space<hbm>>) target_semaphore(%run_scoped3A : memref<!tpu.dma_semaphore, #tpu.memory_space<semaphore_mem>>)
      %dma_wait3A = arith.constant 0 : i32
      %dma_wait3A_53 = tpu.memref_slice %arg5[%arg0, %add3A_36, %dma_wait3A] : memref<2x10240x16xf32, #tpu.memory_space<hbm>> -> memref<1x128x16xf32, #tpu.memory_space<hbm>>
      %dma_wait3A_54 = tpu.memref_squeeze %dma_wait3A_53 : memref<1x128x16xf32, #tpu.memory_space<hbm>> -> memref<128x16xf32, #tpu.memory_space<hbm>>
      %dma_wait3A_55 = arith.constant 0 : i32
      %dma_wait3A_56 = tpu.memref_slice %arg8[%add3A_36, %dma_wait3A_55] : memref<10240x16xf32, #tpu.memory_space<vmem_shared>> -> memref<128x16xf32, #tpu.memory_space<vmem_shared>>
      tpu.wait_dma2 semaphore(%run_scoped3A : memref<!tpu.dma_semaphore, #tpu.memory_space<semaphore_mem>>) src(%dma_wait3A_56 : memref<128x16xf32, #tpu.memory_space<vmem_shared>>) dst(%dma_wait3A_54 : memref<128x16xf32, #tpu.memory_space<hbm>>)
      tpu.yield
    }) : () -> ()
    %mul3A_37 = arith.constant 640 : i32
    %mul3A_38 = arith.muli %arg1, %mul3A_37 : i32
    %add3A_39 = arith.constant 256 : i32
    %add3A_40 = arith.addi %mul3A_38, %add3A_39 : i32
    "tpu.region"() ({
      %run_scoped3A = tpu.sem_alloc : memref<!tpu.dma_semaphore, #tpu.memory_space<semaphore_mem>>
      %dma_start3A = arith.constant 0 : i32
      %dma_start3A_49 = tpu.memref_slice %arg5[%arg0, %add3A_40, %dma_start3A] : memref<2x10240x16xf32, #tpu.memory_space<hbm>> -> memref<1x128x16xf32, #tpu.memory_space<hbm>>
      %dma_start3A_50 = tpu.memref_squeeze %dma_start3A_49 : memref<1x128x16xf32, #tpu.memory_space<hbm>> -> memref<128x16xf32, #tpu.memory_space<hbm>>
      %dma_start3A_51 = arith.constant 0 : i32
      %dma_start3A_52 = tpu.memref_slice %arg8[%add3A_40, %dma_start3A_51] : memref<10240x16xf32, #tpu.memory_space<vmem_shared>> -> memref<128x16xf32, #tpu.memory_space<vmem_shared>>
      tpu.enqueue_dma source(%dma_start3A_52 : memref<128x16xf32, #tpu.memory_space<vmem_shared>>) target(%dma_start3A_50 : memref<128x16xf32, #tpu.memory_space<hbm>>) target_semaphore(%run_scoped3A : memref<!tpu.dma_semaphore, #tpu.memory_space<semaphore_mem>>)
      %dma_wait3A = arith.constant 0 : i32
      %dma_wait3A_53 = tpu.memref_slice %arg5[%arg0, %add3A_40, %dma_wait3A] : memref<2x10240x16xf32, #tpu.memory_space<hbm>> -> memref<1x128x16xf32, #tpu.memory_space<hbm>>
      %dma_wait3A_54 = tpu.memref_squeeze %dma_wait3A_53 : memref<1x128x16xf32, #tpu.memory_space<hbm>> -> memref<128x16xf32, #tpu.memory_space<hbm>>
      %dma_wait3A_55 = arith.constant 0 : i32
      %dma_wait3A_56 = tpu.memref_slice %arg8[%add3A_40, %dma_wait3A_55] : memref<10240x16xf32, #tpu.memory_space<vmem_shared>> -> memref<128x16xf32, #tpu.memory_space<vmem_shared>>
      tpu.wait_dma2 semaphore(%run_scoped3A : memref<!tpu.dma_semaphore, #tpu.memory_space<semaphore_mem>>) src(%dma_wait3A_56 : memref<128x16xf32, #tpu.memory_space<vmem_shared>>) dst(%dma_wait3A_54 : memref<128x16xf32, #tpu.memory_space<hbm>>)
      tpu.yield
    }) : () -> ()
    %mul3A_41 = arith.constant 640 : i32
    %mul3A_42 = arith.muli %arg1, %mul3A_41 : i32
    %add3A_43 = arith.constant 384 : i32
    %add3A_44 = arith.addi %mul3A_42, %add3A_43 : i32
    "tpu.region"() ({
      %run_scoped3A = tpu.sem_alloc : memref<!tpu.dma_semaphore, #tpu.memory_space<semaphore_mem>>
      %dma_start3A = arith.constant 0 : i32
      %dma_start3A_49 = tpu.memref_slice %arg5[%arg0, %add3A_44, %dma_start3A] : memref<2x10240x16xf32, #tpu.memory_space<hbm>> -> memref<1x128x16xf32, #tpu.memory_space<hbm>>
      %dma_start3A_50 = tpu.memref_squeeze %dma_start3A_49 : memref<1x128x16xf32, #tpu.memory_space<hbm>> -> memref<128x16xf32, #tpu.memory_space<hbm>>
      %dma_start3A_51 = arith.constant 0 : i32
      %dma_start3A_52 = tpu.memref_slice %arg8[%add3A_44, %dma_start3A_51] : memref<10240x16xf32, #tpu.memory_space<vmem_shared>> -> memref<128x16xf32, #tpu.memory_space<vmem_shared>>
      tpu.enqueue_dma source(%dma_start3A_52 : memref<128x16xf32, #tpu.memory_space<vmem_shared>>) target(%dma_start3A_50 : memref<128x16xf32, #tpu.memory_space<hbm>>) target_semaphore(%run_scoped3A : memref<!tpu.dma_semaphore, #tpu.memory_space<semaphore_mem>>)
      %dma_wait3A = arith.constant 0 : i32
      %dma_wait3A_53 = tpu.memref_slice %arg5[%arg0, %add3A_44, %dma_wait3A] : memref<2x10240x16xf32, #tpu.memory_space<hbm>> -> memref<1x128x16xf32, #tpu.memory_space<hbm>>
      %dma_wait3A_54 = tpu.memref_squeeze %dma_wait3A_53 : memref<1x128x16xf32, #tpu.memory_space<hbm>> -> memref<128x16xf32, #tpu.memory_space<hbm>>
      %dma_wait3A_55 = arith.constant 0 : i32
      %dma_wait3A_56 = tpu.memref_slice %arg8[%add3A_44, %dma_wait3A_55] : memref<10240x16xf32, #tpu.memory_space<vmem_shared>> -> memref<128x16xf32, #tpu.memory_space<vmem_shared>>
      tpu.wait_dma2 semaphore(%run_scoped3A : memref<!tpu.dma_semaphore, #tpu.memory_space<semaphore_mem>>) src(%dma_wait3A_56 : memref<128x16xf32, #tpu.memory_space<vmem_shared>>) dst(%dma_wait3A_54 : memref<128x16xf32, #tpu.memory_space<hbm>>)
      tpu.yield
    }) : () -> ()
    %mul3A_45 = arith.constant 640 : i32
    %mul3A_46 = arith.muli %arg1, %mul3A_45 : i32
    %add3A_47 = arith.constant 512 : i32
    %add3A_48 = arith.addi %mul3A_46, %add3A_47 : i32
    "tpu.region"() ({
      %run_scoped3A = tpu.sem_alloc : memref<!tpu.dma_semaphore, #tpu.memory_space<semaphore_mem>>
      %dma_start3A = arith.constant 0 : i32
      %dma_start3A_49 = tpu.memref_slice %arg5[%arg0, %add3A_48, %dma_start3A] : memref<2x10240x16xf32, #tpu.memory_space<hbm>> -> memref<1x128x16xf32, #tpu.memory_space<hbm>>
      %dma_start3A_50 = tpu.memref_squeeze %dma_start3A_49 : memref<1x128x16xf32, #tpu.memory_space<hbm>> -> memref<128x16xf32, #tpu.memory_space<hbm>>
      %dma_start3A_51 = arith.constant 0 : i32
      %dma_start3A_52 = tpu.memref_slice %arg8[%add3A_48, %dma_start3A_51] : memref<10240x16xf32, #tpu.memory_space<vmem_shared>> -> memref<128x16xf32, #tpu.memory_space<vmem_shared>>
      tpu.enqueue_dma source(%dma_start3A_52 : memref<128x16xf32, #tpu.memory_space<vmem_shared>>) target(%dma_start3A_50 : memref<128x16xf32, #tpu.memory_space<hbm>>) target_semaphore(%run_scoped3A : memref<!tpu.dma_semaphore, #tpu.memory_space<semaphore_mem>>)
      %dma_wait3A = arith.constant 0 : i32
      %dma_wait3A_53 = tpu.memref_slice %arg5[%arg0, %add3A_48, %dma_wait3A] : memref<2x10240x16xf32, #tpu.memory_space<hbm>> -> memref<1x128x16xf32, #tpu.memory_space<hbm>>
      %dma_wait3A_54 = tpu.memref_squeeze %dma_wait3A_53 : memref<1x128x16xf32, #tpu.memory_space<hbm>> -> memref<128x16xf32, #tpu.memory_space<hbm>>
      %dma_wait3A_55 = arith.constant 0 : i32
      %dma_wait3A_56 = tpu.memref_slice %arg8[%add3A_48, %dma_wait3A_55] : memref<10240x16xf32, #tpu.memory_space<vmem_shared>> -> memref<128x16xf32, #tpu.memory_space<vmem_shared>>
      tpu.wait_dma2 semaphore(%run_scoped3A : memref<!tpu.dma_semaphore, #tpu.memory_space<semaphore_mem>>) src(%dma_wait3A_56 : memref<128x16xf32, #tpu.memory_space<vmem_shared>>) dst(%dma_wait3A_54 : memref<128x16xf32, #tpu.memory_space<hbm>>)
      tpu.yield
    }) : () -> ()
    return
  }
}

#map = affine_map<(d0, d1) -> (0, 0)>
#map1 = affine_map<(d0, d1) -> (0, 0, 0)>
module attributes {stable_mosaic.version = 14 : i64} {
  func.func @agg_kernel(%arg0: i32, %arg1: i32, %arg2: memref<10240x64xf32, #tpu.memory_space<hbm>>, %arg3: memref<5120x64xi32, #tpu.memory_space<hbm>>, %arg4: memref<5120x64xi32, #tpu.memory_space<hbm>>, %arg5: memref<128x64xf32, #tpu.memory_space<hbm>>, %arg6: memref<2x10240x64xf32, #tpu.memory_space<hbm>>, %arg7: memref<240x64xi32, #tpu.memory_space<vmem>>, %arg8: memref<240x64xi32, #tpu.memory_space<vmem>>, %arg9: memref<64x64xf32, #tpu.memory_space<vmem>>, %arg10: memref<64x64xf32, #tpu.memory_space<vmem>>, %arg11: memref<10240x64xf32, #tpu.memory_space<vmem_shared>>, %arg12: memref<!tpu.dma_semaphore, #tpu.memory_space<semaphore_mem>>, %arg13: memref<!tpu.dma_semaphore, #tpu.memory_space<semaphore_mem>>) attributes {dimension_semantics = [#tpu.dimension_semantics<core_parallel>, #tpu.dimension_semantics<subcore_parallel>], iteration_bounds = array<i64: 2, 16>, scalar_prefetch = 0 : i64, scratch_operands = 7 : i64, tpu.core_type = #tpu.core_type<sc_vector_subcore>, window_params = [{transform_indices = #map}, {transform_indices = #map}, {transform_indices = #map}, {transform_indices = #map}, {transform_indices = #map1}]} {
    %mul3A = arith.constant 640 : i32
    %mul3A_0 = arith.muli %arg1, %mul3A : i32
    %add3A = arith.constant 0 : i32
    %add3A_1 = arith.addi %mul3A_0, %add3A : i32
    "tpu.region"() ({
      %run_scoped3A = tpu.sem_alloc : memref<!tpu.dma_semaphore, #tpu.memory_space<semaphore_mem>>
      %dma_start3A = arith.constant 0 : i32
      %dma_start3A_45 = tpu.memref_slice %arg11[%add3A_1, %dma_start3A] : memref<10240x64xf32, #tpu.memory_space<vmem_shared>> -> memref<128x64xf32, #tpu.memory_space<vmem_shared>>
      tpu.enqueue_dma source(%arg5 : memref<128x64xf32, #tpu.memory_space<hbm>>) target(%dma_start3A_45 : memref<128x64xf32, #tpu.memory_space<vmem_shared>>) target_semaphore(%run_scoped3A : memref<!tpu.dma_semaphore, #tpu.memory_space<semaphore_mem>>)
      %dma_wait3A = arith.constant 0 : i32
      %dma_wait3A_46 = tpu.memref_slice %arg11[%add3A_1, %dma_wait3A] : memref<10240x64xf32, #tpu.memory_space<vmem_shared>> -> memref<128x64xf32, #tpu.memory_space<vmem_shared>>
      tpu.wait_dma2 semaphore(%run_scoped3A : memref<!tpu.dma_semaphore, #tpu.memory_space<semaphore_mem>>) src(%arg5 : memref<128x64xf32, #tpu.memory_space<hbm>>) dst(%dma_wait3A_46 : memref<128x64xf32, #tpu.memory_space<vmem_shared>>)
      tpu.yield
    }) : () -> ()
    %mul3A_2 = arith.constant 640 : i32
    %mul3A_3 = arith.muli %arg1, %mul3A_2 : i32
    %add3A_4 = arith.constant 128 : i32
    %add3A_5 = arith.addi %mul3A_3, %add3A_4 : i32
    "tpu.region"() ({
      %run_scoped3A = tpu.sem_alloc : memref<!tpu.dma_semaphore, #tpu.memory_space<semaphore_mem>>
      %dma_start3A = arith.constant 0 : i32
      %dma_start3A_45 = tpu.memref_slice %arg11[%add3A_5, %dma_start3A] : memref<10240x64xf32, #tpu.memory_space<vmem_shared>> -> memref<128x64xf32, #tpu.memory_space<vmem_shared>>
      tpu.enqueue_dma source(%arg5 : memref<128x64xf32, #tpu.memory_space<hbm>>) target(%dma_start3A_45 : memref<128x64xf32, #tpu.memory_space<vmem_shared>>) target_semaphore(%run_scoped3A : memref<!tpu.dma_semaphore, #tpu.memory_space<semaphore_mem>>)
      %dma_wait3A = arith.constant 0 : i32
      %dma_wait3A_46 = tpu.memref_slice %arg11[%add3A_5, %dma_wait3A] : memref<10240x64xf32, #tpu.memory_space<vmem_shared>> -> memref<128x64xf32, #tpu.memory_space<vmem_shared>>
      tpu.wait_dma2 semaphore(%run_scoped3A : memref<!tpu.dma_semaphore, #tpu.memory_space<semaphore_mem>>) src(%arg5 : memref<128x64xf32, #tpu.memory_space<hbm>>) dst(%dma_wait3A_46 : memref<128x64xf32, #tpu.memory_space<vmem_shared>>)
      tpu.yield
    }) : () -> ()
    %mul3A_6 = arith.constant 640 : i32
    %mul3A_7 = arith.muli %arg1, %mul3A_6 : i32
    %add3A_8 = arith.constant 256 : i32
    %add3A_9 = arith.addi %mul3A_7, %add3A_8 : i32
    "tpu.region"() ({
      %run_scoped3A = tpu.sem_alloc : memref<!tpu.dma_semaphore, #tpu.memory_space<semaphore_mem>>
      %dma_start3A = arith.constant 0 : i32
      %dma_start3A_45 = tpu.memref_slice %arg11[%add3A_9, %dma_start3A] : memref<10240x64xf32, #tpu.memory_space<vmem_shared>> -> memref<128x64xf32, #tpu.memory_space<vmem_shared>>
      tpu.enqueue_dma source(%arg5 : memref<128x64xf32, #tpu.memory_space<hbm>>) target(%dma_start3A_45 : memref<128x64xf32, #tpu.memory_space<vmem_shared>>) target_semaphore(%run_scoped3A : memref<!tpu.dma_semaphore, #tpu.memory_space<semaphore_mem>>)
      %dma_wait3A = arith.constant 0 : i32
      %dma_wait3A_46 = tpu.memref_slice %arg11[%add3A_9, %dma_wait3A] : memref<10240x64xf32, #tpu.memory_space<vmem_shared>> -> memref<128x64xf32, #tpu.memory_space<vmem_shared>>
      tpu.wait_dma2 semaphore(%run_scoped3A : memref<!tpu.dma_semaphore, #tpu.memory_space<semaphore_mem>>) src(%arg5 : memref<128x64xf32, #tpu.memory_space<hbm>>) dst(%dma_wait3A_46 : memref<128x64xf32, #tpu.memory_space<vmem_shared>>)
      tpu.yield
    }) : () -> ()
    %mul3A_10 = arith.constant 640 : i32
    %mul3A_11 = arith.muli %arg1, %mul3A_10 : i32
    %add3A_12 = arith.constant 384 : i32
    %add3A_13 = arith.addi %mul3A_11, %add3A_12 : i32
    "tpu.region"() ({
      %run_scoped3A = tpu.sem_alloc : memref<!tpu.dma_semaphore, #tpu.memory_space<semaphore_mem>>
      %dma_start3A = arith.constant 0 : i32
      %dma_start3A_45 = tpu.memref_slice %arg11[%add3A_13, %dma_start3A] : memref<10240x64xf32, #tpu.memory_space<vmem_shared>> -> memref<128x64xf32, #tpu.memory_space<vmem_shared>>
      tpu.enqueue_dma source(%arg5 : memref<128x64xf32, #tpu.memory_space<hbm>>) target(%dma_start3A_45 : memref<128x64xf32, #tpu.memory_space<vmem_shared>>) target_semaphore(%run_scoped3A : memref<!tpu.dma_semaphore, #tpu.memory_space<semaphore_mem>>)
      %dma_wait3A = arith.constant 0 : i32
      %dma_wait3A_46 = tpu.memref_slice %arg11[%add3A_13, %dma_wait3A] : memref<10240x64xf32, #tpu.memory_space<vmem_shared>> -> memref<128x64xf32, #tpu.memory_space<vmem_shared>>
      tpu.wait_dma2 semaphore(%run_scoped3A : memref<!tpu.dma_semaphore, #tpu.memory_space<semaphore_mem>>) src(%arg5 : memref<128x64xf32, #tpu.memory_space<hbm>>) dst(%dma_wait3A_46 : memref<128x64xf32, #tpu.memory_space<vmem_shared>>)
      tpu.yield
    }) : () -> ()
    %mul3A_14 = arith.constant 640 : i32
    %mul3A_15 = arith.muli %arg1, %mul3A_14 : i32
    %add3A_16 = arith.constant 512 : i32
    %add3A_17 = arith.addi %mul3A_15, %add3A_16 : i32
    "tpu.region"() ({
      %run_scoped3A = tpu.sem_alloc : memref<!tpu.dma_semaphore, #tpu.memory_space<semaphore_mem>>
      %dma_start3A = arith.constant 0 : i32
      %dma_start3A_45 = tpu.memref_slice %arg11[%add3A_17, %dma_start3A] : memref<10240x64xf32, #tpu.memory_space<vmem_shared>> -> memref<128x64xf32, #tpu.memory_space<vmem_shared>>
      tpu.enqueue_dma source(%arg5 : memref<128x64xf32, #tpu.memory_space<hbm>>) target(%dma_start3A_45 : memref<128x64xf32, #tpu.memory_space<vmem_shared>>) target_semaphore(%run_scoped3A : memref<!tpu.dma_semaphore, #tpu.memory_space<semaphore_mem>>)
      %dma_wait3A = arith.constant 0 : i32
      %dma_wait3A_46 = tpu.memref_slice %arg11[%add3A_17, %dma_wait3A] : memref<10240x64xf32, #tpu.memory_space<vmem_shared>> -> memref<128x64xf32, #tpu.memory_space<vmem_shared>>
      tpu.wait_dma2 semaphore(%run_scoped3A : memref<!tpu.dma_semaphore, #tpu.memory_space<semaphore_mem>>) src(%arg5 : memref<128x64xf32, #tpu.memory_space<hbm>>) dst(%dma_wait3A_46 : memref<128x64xf32, #tpu.memory_space<vmem_shared>>)
      tpu.yield
    }) : () -> ()
    %eq3A = arith.constant 0 : i32
    %eq3A_18 = arith.cmpi eq, %arg0, %eq3A : i32
    %convert_element_type3A = arith.extui %eq3A_18 : i1 to i32
    %cond3A = arith.constant 0 : i32
    %cond3A_19 = arith.cmpi ne, %convert_element_type3A, %cond3A : i32
    scf.if %cond3A_19 {
      %mul3A_45 = arith.constant 240 : i32
      %mul3A_46 = arith.muli %arg1, %mul3A_45 : i32
      "tpu.region"() ({
        %run_scoped3A_79 = tpu.sem_alloc : memref<!tpu.dma_semaphore, #tpu.memory_space<semaphore_mem>>
        %dma_start3A_80 = arith.constant 0 : i32
        %dma_start3A_81 = arith.constant 0 : i32
        %dma_start3A_82 = tpu.memref_slice %arg7[%dma_start3A_80, %dma_start3A_81] : memref<240x64xi32, #tpu.memory_space<vmem>> -> memref<240x64xi32, #tpu.memory_space<vmem>>
        %dma_start3A_83 = arith.constant 0 : i32
        %dma_start3A_84 = tpu.memref_slice %arg3[%mul3A_46, %dma_start3A_83] : memref<5120x64xi32, #tpu.memory_space<hbm>> -> memref<240x64xi32, #tpu.memory_space<hbm>>
        %dma_start3A_85 = arith.constant 0 : i32
        %dma_start3A_86 = arith.constant 0 : i32
        %dma_start3A_87 = tpu.memref_slice %arg7[%dma_start3A_85, %dma_start3A_86] : memref<240x64xi32, #tpu.memory_space<vmem>> -> memref<240x64xi32, #tpu.memory_space<vmem>>
        %dma_start3A_88 = arith.constant 0 : i32
        %dma_start3A_89 = tpu.memref_slice %arg3[%mul3A_46, %dma_start3A_88] : memref<5120x64xi32, #tpu.memory_space<hbm>> -> memref<240x64xi32, #tpu.memory_space<hbm>>
        tpu.enqueue_dma source(%dma_start3A_89 : memref<240x64xi32, #tpu.memory_space<hbm>>) target(%dma_start3A_87 : memref<240x64xi32, #tpu.memory_space<vmem>>) target_semaphore(%run_scoped3A_79 : memref<!tpu.dma_semaphore, #tpu.memory_space<semaphore_mem>>)
        %dma_wait3A_90 = arith.constant 0 : i32
        %dma_wait3A_91 = arith.constant 0 : i32
        %dma_wait3A_92 = tpu.memref_slice %arg7[%dma_wait3A_90, %dma_wait3A_91] : memref<240x64xi32, #tpu.memory_space<vmem>> -> memref<240x64xi32, #tpu.memory_space<vmem>>
        %dma_wait3A_93 = arith.constant 0 : i32
        %dma_wait3A_94 = tpu.memref_slice %arg3[%mul3A_46, %dma_wait3A_93] : memref<5120x64xi32, #tpu.memory_space<hbm>> -> memref<240x64xi32, #tpu.memory_space<hbm>>
        %dma_wait3A_95 = arith.constant 0 : i32
        %dma_wait3A_96 = arith.constant 0 : i32
        %dma_wait3A_97 = tpu.memref_slice %arg7[%dma_wait3A_95, %dma_wait3A_96] : memref<240x64xi32, #tpu.memory_space<vmem>> -> memref<240x64xi32, #tpu.memory_space<vmem>>
        %dma_wait3A_98 = arith.constant 0 : i32
        %dma_wait3A_99 = tpu.memref_slice %arg3[%mul3A_46, %dma_wait3A_98] : memref<5120x64xi32, #tpu.memory_space<hbm>> -> memref<240x64xi32, #tpu.memory_space<hbm>>
        tpu.wait_dma2 semaphore(%run_scoped3A_79 : memref<!tpu.dma_semaphore, #tpu.memory_space<semaphore_mem>>) src(%dma_wait3A_99 : memref<240x64xi32, #tpu.memory_space<hbm>>) dst(%dma_wait3A_97 : memref<240x64xi32, #tpu.memory_space<vmem>>)
        tpu.yield
      }) : () -> ()
      "tpu.region"() ({
        %run_scoped3A_79 = tpu.sem_alloc : memref<!tpu.dma_semaphore, #tpu.memory_space<semaphore_mem>>
        %dma_start3A_80 = arith.constant 0 : i32
        %dma_start3A_81 = arith.constant 0 : i32
        %dma_start3A_82 = tpu.memref_slice %arg8[%dma_start3A_80, %dma_start3A_81] : memref<240x64xi32, #tpu.memory_space<vmem>> -> memref<240x64xi32, #tpu.memory_space<vmem>>
        %dma_start3A_83 = arith.constant 0 : i32
        %dma_start3A_84 = tpu.memref_slice %arg4[%mul3A_46, %dma_start3A_83] : memref<5120x64xi32, #tpu.memory_space<hbm>> -> memref<240x64xi32, #tpu.memory_space<hbm>>
        %dma_start3A_85 = arith.constant 0 : i32
        %dma_start3A_86 = arith.constant 0 : i32
        %dma_start3A_87 = tpu.memref_slice %arg8[%dma_start3A_85, %dma_start3A_86] : memref<240x64xi32, #tpu.memory_space<vmem>> -> memref<240x64xi32, #tpu.memory_space<vmem>>
        %dma_start3A_88 = arith.constant 0 : i32
        %dma_start3A_89 = tpu.memref_slice %arg4[%mul3A_46, %dma_start3A_88] : memref<5120x64xi32, #tpu.memory_space<hbm>> -> memref<240x64xi32, #tpu.memory_space<hbm>>
        tpu.enqueue_dma source(%dma_start3A_89 : memref<240x64xi32, #tpu.memory_space<hbm>>) target(%dma_start3A_87 : memref<240x64xi32, #tpu.memory_space<vmem>>) target_semaphore(%run_scoped3A_79 : memref<!tpu.dma_semaphore, #tpu.memory_space<semaphore_mem>>)
        %dma_wait3A_90 = arith.constant 0 : i32
        %dma_wait3A_91 = arith.constant 0 : i32
        %dma_wait3A_92 = tpu.memref_slice %arg8[%dma_wait3A_90, %dma_wait3A_91] : memref<240x64xi32, #tpu.memory_space<vmem>> -> memref<240x64xi32, #tpu.memory_space<vmem>>
        %dma_wait3A_93 = arith.constant 0 : i32
        %dma_wait3A_94 = tpu.memref_slice %arg4[%mul3A_46, %dma_wait3A_93] : memref<5120x64xi32, #tpu.memory_space<hbm>> -> memref<240x64xi32, #tpu.memory_space<hbm>>
        %dma_wait3A_95 = arith.constant 0 : i32
        %dma_wait3A_96 = arith.constant 0 : i32
        %dma_wait3A_97 = tpu.memref_slice %arg8[%dma_wait3A_95, %dma_wait3A_96] : memref<240x64xi32, #tpu.memory_space<vmem>> -> memref<240x64xi32, #tpu.memory_space<vmem>>
        %dma_wait3A_98 = arith.constant 0 : i32
        %dma_wait3A_99 = tpu.memref_slice %arg4[%mul3A_46, %dma_wait3A_98] : memref<5120x64xi32, #tpu.memory_space<hbm>> -> memref<240x64xi32, #tpu.memory_space<hbm>>
        tpu.wait_dma2 semaphore(%run_scoped3A_79 : memref<!tpu.dma_semaphore, #tpu.memory_space<semaphore_mem>>) src(%dma_wait3A_99 : memref<240x64xi32, #tpu.memory_space<hbm>>) dst(%dma_wait3A_97 : memref<240x64xi32, #tpu.memory_space<vmem>>)
        tpu.yield
      }) : () -> ()
      %dma_start3A = arith.constant 0 : i32
      %dma_start3A_47 = arith.constant 0 : i32
      %dma_start3A_48 = tpu.memref_slice %arg7[%dma_start3A, %dma_start3A_47] : memref<240x64xi32, #tpu.memory_space<vmem>> -> memref<1x64xi32, #tpu.memory_space<vmem>>
      %dma_start3A_49 = tpu.memref_squeeze %dma_start3A_48 : memref<1x64xi32, #tpu.memory_space<vmem>> -> memref<64xi32, #tpu.memory_space<vmem>>
      %dma_start3A_50 = arith.constant 0 : i32
      %dma_start3A_51 = arith.constant 0 : i32
      %dma_start3A_52 = tpu.memref_slice %arg2[%dma_start3A_50, %dma_start3A_51] : memref<10240x64xf32, #tpu.memory_space<hbm>> -> memref<10240x64xf32, #tpu.memory_space<hbm>>
      tpu.enqueue_indirect_dma source(%dma_start3A_52 : memref<10240x64xf32, #tpu.memory_space<hbm>>) target(%arg9 : memref<64x64xf32, #tpu.memory_space<vmem>>) offsets(%dma_start3A_49 : memref<64xi32, #tpu.memory_space<vmem>>) semaphore(%arg12 : memref<!tpu.dma_semaphore, #tpu.memory_space<semaphore_mem>>)
      %dma_start3A_53 = arith.constant 1 : i32
      %dma_start3A_54 = arith.constant 0 : i32
      %dma_start3A_55 = tpu.memref_slice %arg7[%dma_start3A_53, %dma_start3A_54] : memref<240x64xi32, #tpu.memory_space<vmem>> -> memref<1x64xi32, #tpu.memory_space<vmem>>
      %dma_start3A_56 = tpu.memref_squeeze %dma_start3A_55 : memref<1x64xi32, #tpu.memory_space<vmem>> -> memref<64xi32, #tpu.memory_space<vmem>>
      %dma_start3A_57 = arith.constant 0 : i32
      %dma_start3A_58 = arith.constant 0 : i32
      %dma_start3A_59 = tpu.memref_slice %arg2[%dma_start3A_57, %dma_start3A_58] : memref<10240x64xf32, #tpu.memory_space<hbm>> -> memref<10240x64xf32, #tpu.memory_space<hbm>>
      tpu.enqueue_indirect_dma source(%dma_start3A_59 : memref<10240x64xf32, #tpu.memory_space<hbm>>) target(%arg10 : memref<64x64xf32, #tpu.memory_space<vmem>>) offsets(%dma_start3A_56 : memref<64xi32, #tpu.memory_space<vmem>>) semaphore(%arg13 : memref<!tpu.dma_semaphore, #tpu.memory_space<semaphore_mem>>)
      %scan3A = arith.constant 0 : i32
      %scan3A_60 = arith.constant 0 : i32
      %scan3A_61 = arith.constant 119 : i32
      %scan3A_62 = arith.addi %scan3A_60, %scan3A_61 : i32
      %scan3A_63 = arith.constant 1 : i32
      scf.for %scan3A_79 = %scan3A_60 to %scan3A_62 step %scan3A_63  : i32 {
        %mul3A_80 = arith.constant 2 : i32
        %mul3A_81 = arith.muli %scan3A_79, %mul3A_80 : i32
        %add3A_82 = arith.constant 0 : i32
        %add3A_83 = arith.addi %mul3A_81, %add3A_82 : i32
        %dma_wait3A_84 = arith.constant 0 : i32
        %dma_wait3A_85 = tpu.memref_slice %arg7[%add3A_83, %dma_wait3A_84] : memref<240x64xi32, #tpu.memory_space<vmem>> -> memref<1x64xi32, #tpu.memory_space<vmem>>
        %dma_wait3A_86 = tpu.memref_squeeze %dma_wait3A_85 : memref<1x64xi32, #tpu.memory_space<vmem>> -> memref<64xi32, #tpu.memory_space<vmem>>
        %dma_wait3A_87 = arith.constant 0 : i32
        %dma_wait3A_88 = arith.constant 0 : i32
        %dma_wait3A_89 = tpu.memref_slice %arg2[%dma_wait3A_87, %dma_wait3A_88] : memref<10240x64xf32, #tpu.memory_space<hbm>> -> memref<10240x64xf32, #tpu.memory_space<hbm>>
        tpu.wait_indirect_dma semaphore(%arg12 : memref<!tpu.dma_semaphore, #tpu.memory_space<semaphore_mem>>) src(%dma_wait3A_89 : memref<10240x64xf32, #tpu.memory_space<hbm>>) dst(%arg9 : memref<64x64xf32, #tpu.memory_space<vmem>>)
        "tpu.region"() ({
          %run_scoped3A_116 = tpu.sem_alloc : memref<!tpu.dma_semaphore, #tpu.memory_space<semaphore_mem>>
          %dma_start3A_117 = arith.constant 0 : i32
          %dma_start3A_118 = tpu.memref_slice %arg8[%add3A_83, %dma_start3A_117] : memref<240x64xi32, #tpu.memory_space<vmem>> -> memref<1x64xi32, #tpu.memory_space<vmem>>
          %dma_start3A_119 = tpu.memref_squeeze %dma_start3A_118 : memref<1x64xi32, #tpu.memory_space<vmem>> -> memref<64xi32, #tpu.memory_space<vmem>>
          %dma_start3A_120 = arith.constant 0 : i32
          %dma_start3A_121 = arith.constant 0 : i32
          %dma_start3A_122 = tpu.memref_slice %arg11[%dma_start3A_120, %dma_start3A_121] : memref<10240x64xf32, #tpu.memory_space<vmem_shared>> -> memref<10240x64xf32, #tpu.memory_space<vmem_shared>>
          tpu.enqueue_indirect_dma source(%arg9 : memref<64x64xf32, #tpu.memory_space<vmem>>) target(%dma_start3A_122 : memref<10240x64xf32, #tpu.memory_space<vmem_shared>>) offsets(%dma_start3A_119 : memref<64xi32, #tpu.memory_space<vmem>>) semaphore(%run_scoped3A_116 : memref<!tpu.dma_semaphore, #tpu.memory_space<semaphore_mem>>) {add = true}
          %dma_wait3A_123 = arith.constant 0 : i32
          %dma_wait3A_124 = tpu.memref_slice %arg8[%add3A_83, %dma_wait3A_123] : memref<240x64xi32, #tpu.memory_space<vmem>> -> memref<1x64xi32, #tpu.memory_space<vmem>>
          %dma_wait3A_125 = tpu.memref_squeeze %dma_wait3A_124 : memref<1x64xi32, #tpu.memory_space<vmem>> -> memref<64xi32, #tpu.memory_space<vmem>>
          %dma_wait3A_126 = arith.constant 0 : i32
          %dma_wait3A_127 = arith.constant 0 : i32
          %dma_wait3A_128 = tpu.memref_slice %arg11[%dma_wait3A_126, %dma_wait3A_127] : memref<10240x64xf32, #tpu.memory_space<vmem_shared>> -> memref<10240x64xf32, #tpu.memory_space<vmem_shared>>
          tpu.wait_indirect_dma semaphore(%run_scoped3A_116 : memref<!tpu.dma_semaphore, #tpu.memory_space<semaphore_mem>>) src(%arg9 : memref<64x64xf32, #tpu.memory_space<vmem>>) dst(%dma_wait3A_128 : memref<10240x64xf32, #tpu.memory_space<vmem_shared>>)
          tpu.yield
        }) : () -> ()
        %add3A_90 = arith.constant 2 : i32
        %add3A_91 = arith.addi %add3A_83, %add3A_90 : i32
        %dma_start3A_92 = arith.constant 0 : i32
        %dma_start3A_93 = tpu.memref_slice %arg7[%add3A_91, %dma_start3A_92] : memref<240x64xi32, #tpu.memory_space<vmem>> -> memref<1x64xi32, #tpu.memory_space<vmem>>
        %dma_start3A_94 = tpu.memref_squeeze %dma_start3A_93 : memref<1x64xi32, #tpu.memory_space<vmem>> -> memref<64xi32, #tpu.memory_space<vmem>>
        %dma_start3A_95 = arith.constant 0 : i32
        %dma_start3A_96 = arith.constant 0 : i32
        %dma_start3A_97 = tpu.memref_slice %arg2[%dma_start3A_95, %dma_start3A_96] : memref<10240x64xf32, #tpu.memory_space<hbm>> -> memref<10240x64xf32, #tpu.memory_space<hbm>>
        tpu.enqueue_indirect_dma source(%dma_start3A_97 : memref<10240x64xf32, #tpu.memory_space<hbm>>) target(%arg9 : memref<64x64xf32, #tpu.memory_space<vmem>>) offsets(%dma_start3A_94 : memref<64xi32, #tpu.memory_space<vmem>>) semaphore(%arg12 : memref<!tpu.dma_semaphore, #tpu.memory_space<semaphore_mem>>)
        %mul3A_98 = arith.constant 2 : i32
        %mul3A_99 = arith.muli %scan3A_79, %mul3A_98 : i32
        %add3A_100 = arith.constant 1 : i32
        %add3A_101 = arith.addi %mul3A_99, %add3A_100 : i32
        %dma_wait3A_102 = arith.constant 0 : i32
        %dma_wait3A_103 = tpu.memref_slice %arg7[%add3A_101, %dma_wait3A_102] : memref<240x64xi32, #tpu.memory_space<vmem>> -> memref<1x64xi32, #tpu.memory_space<vmem>>
        %dma_wait3A_104 = tpu.memref_squeeze %dma_wait3A_103 : memref<1x64xi32, #tpu.memory_space<vmem>> -> memref<64xi32, #tpu.memory_space<vmem>>
        %dma_wait3A_105 = arith.constant 0 : i32
        %dma_wait3A_106 = arith.constant 0 : i32
        %dma_wait3A_107 = tpu.memref_slice %arg2[%dma_wait3A_105, %dma_wait3A_106] : memref<10240x64xf32, #tpu.memory_space<hbm>> -> memref<10240x64xf32, #tpu.memory_space<hbm>>
        tpu.wait_indirect_dma semaphore(%arg13 : memref<!tpu.dma_semaphore, #tpu.memory_space<semaphore_mem>>) src(%dma_wait3A_107 : memref<10240x64xf32, #tpu.memory_space<hbm>>) dst(%arg10 : memref<64x64xf32, #tpu.memory_space<vmem>>)
        "tpu.region"() ({
          %run_scoped3A_116 = tpu.sem_alloc : memref<!tpu.dma_semaphore, #tpu.memory_space<semaphore_mem>>
          %dma_start3A_117 = arith.constant 0 : i32
          %dma_start3A_118 = tpu.memref_slice %arg8[%add3A_101, %dma_start3A_117] : memref<240x64xi32, #tpu.memory_space<vmem>> -> memref<1x64xi32, #tpu.memory_space<vmem>>
          %dma_start3A_119 = tpu.memref_squeeze %dma_start3A_118 : memref<1x64xi32, #tpu.memory_space<vmem>> -> memref<64xi32, #tpu.memory_space<vmem>>
          %dma_start3A_120 = arith.constant 0 : i32
          %dma_start3A_121 = arith.constant 0 : i32
          %dma_start3A_122 = tpu.memref_slice %arg11[%dma_start3A_120, %dma_start3A_121] : memref<10240x64xf32, #tpu.memory_space<vmem_shared>> -> memref<10240x64xf32, #tpu.memory_space<vmem_shared>>
          tpu.enqueue_indirect_dma source(%arg10 : memref<64x64xf32, #tpu.memory_space<vmem>>) target(%dma_start3A_122 : memref<10240x64xf32, #tpu.memory_space<vmem_shared>>) offsets(%dma_start3A_119 : memref<64xi32, #tpu.memory_space<vmem>>) semaphore(%run_scoped3A_116 : memref<!tpu.dma_semaphore, #tpu.memory_space<semaphore_mem>>) {add = true}
          %dma_wait3A_123 = arith.constant 0 : i32
          %dma_wait3A_124 = tpu.memref_slice %arg8[%add3A_101, %dma_wait3A_123] : memref<240x64xi32, #tpu.memory_space<vmem>> -> memref<1x64xi32, #tpu.memory_space<vmem>>
          %dma_wait3A_125 = tpu.memref_squeeze %dma_wait3A_124 : memref<1x64xi32, #tpu.memory_space<vmem>> -> memref<64xi32, #tpu.memory_space<vmem>>
          %dma_wait3A_126 = arith.constant 0 : i32
          %dma_wait3A_127 = arith.constant 0 : i32
          %dma_wait3A_128 = tpu.memref_slice %arg11[%dma_wait3A_126, %dma_wait3A_127] : memref<10240x64xf32, #tpu.memory_space<vmem_shared>> -> memref<10240x64xf32, #tpu.memory_space<vmem_shared>>
          tpu.wait_indirect_dma semaphore(%run_scoped3A_116 : memref<!tpu.dma_semaphore, #tpu.memory_space<semaphore_mem>>) src(%arg10 : memref<64x64xf32, #tpu.memory_space<vmem>>) dst(%dma_wait3A_128 : memref<10240x64xf32, #tpu.memory_space<vmem_shared>>)
          tpu.yield
        }) : () -> ()
        %add3A_108 = arith.constant 2 : i32
        %add3A_109 = arith.addi %add3A_101, %add3A_108 : i32
        %dma_start3A_110 = arith.constant 0 : i32
        %dma_start3A_111 = tpu.memref_slice %arg7[%add3A_109, %dma_start3A_110] : memref<240x64xi32, #tpu.memory_space<vmem>> -> memref<1x64xi32, #tpu.memory_space<vmem>>
        %dma_start3A_112 = tpu.memref_squeeze %dma_start3A_111 : memref<1x64xi32, #tpu.memory_space<vmem>> -> memref<64xi32, #tpu.memory_space<vmem>>
        %dma_start3A_113 = arith.constant 0 : i32
        %dma_start3A_114 = arith.constant 0 : i32
        %dma_start3A_115 = tpu.memref_slice %arg2[%dma_start3A_113, %dma_start3A_114] : memref<10240x64xf32, #tpu.memory_space<hbm>> -> memref<10240x64xf32, #tpu.memory_space<hbm>>
        tpu.enqueue_indirect_dma source(%dma_start3A_115 : memref<10240x64xf32, #tpu.memory_space<hbm>>) target(%arg10 : memref<64x64xf32, #tpu.memory_space<vmem>>) offsets(%dma_start3A_112 : memref<64xi32, #tpu.memory_space<vmem>>) semaphore(%arg13 : memref<!tpu.dma_semaphore, #tpu.memory_space<semaphore_mem>>)
      }
      %scan3A_64 = arith.constant 119 : i32
      %dma_wait3A = arith.constant 238 : i32
      %dma_wait3A_65 = arith.constant 0 : i32
      %dma_wait3A_66 = tpu.memref_slice %arg7[%dma_wait3A, %dma_wait3A_65] : memref<240x64xi32, #tpu.memory_space<vmem>> -> memref<1x64xi32, #tpu.memory_space<vmem>>
      %dma_wait3A_67 = tpu.memref_squeeze %dma_wait3A_66 : memref<1x64xi32, #tpu.memory_space<vmem>> -> memref<64xi32, #tpu.memory_space<vmem>>
      %dma_wait3A_68 = arith.constant 0 : i32
      %dma_wait3A_69 = arith.constant 0 : i32
      %dma_wait3A_70 = tpu.memref_slice %arg2[%dma_wait3A_68, %dma_wait3A_69] : memref<10240x64xf32, #tpu.memory_space<hbm>> -> memref<10240x64xf32, #tpu.memory_space<hbm>>
      tpu.wait_indirect_dma semaphore(%arg12 : memref<!tpu.dma_semaphore, #tpu.memory_space<semaphore_mem>>) src(%dma_wait3A_70 : memref<10240x64xf32, #tpu.memory_space<hbm>>) dst(%arg9 : memref<64x64xf32, #tpu.memory_space<vmem>>)
      %run_scoped3A = arith.constant 238 : i32
      "tpu.region"() ({
        %run_scoped3A_79 = tpu.sem_alloc : memref<!tpu.dma_semaphore, #tpu.memory_space<semaphore_mem>>
        %dma_start3A_80 = arith.constant 0 : i32
        %dma_start3A_81 = tpu.memref_slice %arg8[%run_scoped3A, %dma_start3A_80] : memref<240x64xi32, #tpu.memory_space<vmem>> -> memref<1x64xi32, #tpu.memory_space<vmem>>
        %dma_start3A_82 = tpu.memref_squeeze %dma_start3A_81 : memref<1x64xi32, #tpu.memory_space<vmem>> -> memref<64xi32, #tpu.memory_space<vmem>>
        %dma_start3A_83 = arith.constant 0 : i32
        %dma_start3A_84 = arith.constant 0 : i32
        %dma_start3A_85 = tpu.memref_slice %arg11[%dma_start3A_83, %dma_start3A_84] : memref<10240x64xf32, #tpu.memory_space<vmem_shared>> -> memref<10240x64xf32, #tpu.memory_space<vmem_shared>>
        tpu.enqueue_indirect_dma source(%arg9 : memref<64x64xf32, #tpu.memory_space<vmem>>) target(%dma_start3A_85 : memref<10240x64xf32, #tpu.memory_space<vmem_shared>>) offsets(%dma_start3A_82 : memref<64xi32, #tpu.memory_space<vmem>>) semaphore(%run_scoped3A_79 : memref<!tpu.dma_semaphore, #tpu.memory_space<semaphore_mem>>) {add = true}
        %dma_wait3A_86 = arith.constant 0 : i32
        %dma_wait3A_87 = tpu.memref_slice %arg8[%run_scoped3A, %dma_wait3A_86] : memref<240x64xi32, #tpu.memory_space<vmem>> -> memref<1x64xi32, #tpu.memory_space<vmem>>
        %dma_wait3A_88 = tpu.memref_squeeze %dma_wait3A_87 : memref<1x64xi32, #tpu.memory_space<vmem>> -> memref<64xi32, #tpu.memory_space<vmem>>
        %dma_wait3A_89 = arith.constant 0 : i32
        %dma_wait3A_90 = arith.constant 0 : i32
        %dma_wait3A_91 = tpu.memref_slice %arg11[%dma_wait3A_89, %dma_wait3A_90] : memref<10240x64xf32, #tpu.memory_space<vmem_shared>> -> memref<10240x64xf32, #tpu.memory_space<vmem_shared>>
        tpu.wait_indirect_dma semaphore(%run_scoped3A_79 : memref<!tpu.dma_semaphore, #tpu.memory_space<semaphore_mem>>) src(%arg9 : memref<64x64xf32, #tpu.memory_space<vmem>>) dst(%dma_wait3A_91 : memref<10240x64xf32, #tpu.memory_space<vmem_shared>>)
        tpu.yield
      }) : () -> ()
      %dma_wait3A_71 = arith.constant 239 : i32
      %dma_wait3A_72 = arith.constant 0 : i32
      %dma_wait3A_73 = tpu.memref_slice %arg7[%dma_wait3A_71, %dma_wait3A_72] : memref<240x64xi32, #tpu.memory_space<vmem>> -> memref<1x64xi32, #tpu.memory_space<vmem>>
      %dma_wait3A_74 = tpu.memref_squeeze %dma_wait3A_73 : memref<1x64xi32, #tpu.memory_space<vmem>> -> memref<64xi32, #tpu.memory_space<vmem>>
      %dma_wait3A_75 = arith.constant 0 : i32
      %dma_wait3A_76 = arith.constant 0 : i32
      %dma_wait3A_77 = tpu.memref_slice %arg2[%dma_wait3A_75, %dma_wait3A_76] : memref<10240x64xf32, #tpu.memory_space<hbm>> -> memref<10240x64xf32, #tpu.memory_space<hbm>>
      tpu.wait_indirect_dma semaphore(%arg13 : memref<!tpu.dma_semaphore, #tpu.memory_space<semaphore_mem>>) src(%dma_wait3A_77 : memref<10240x64xf32, #tpu.memory_space<hbm>>) dst(%arg10 : memref<64x64xf32, #tpu.memory_space<vmem>>)
      %run_scoped3A_78 = arith.constant 239 : i32
      "tpu.region"() ({
        %run_scoped3A_79 = tpu.sem_alloc : memref<!tpu.dma_semaphore, #tpu.memory_space<semaphore_mem>>
        %dma_start3A_80 = arith.constant 0 : i32
        %dma_start3A_81 = tpu.memref_slice %arg8[%run_scoped3A_78, %dma_start3A_80] : memref<240x64xi32, #tpu.memory_space<vmem>> -> memref<1x64xi32, #tpu.memory_space<vmem>>
        %dma_start3A_82 = tpu.memref_squeeze %dma_start3A_81 : memref<1x64xi32, #tpu.memory_space<vmem>> -> memref<64xi32, #tpu.memory_space<vmem>>
        %dma_start3A_83 = arith.constant 0 : i32
        %dma_start3A_84 = arith.constant 0 : i32
        %dma_start3A_85 = tpu.memref_slice %arg11[%dma_start3A_83, %dma_start3A_84] : memref<10240x64xf32, #tpu.memory_space<vmem_shared>> -> memref<10240x64xf32, #tpu.memory_space<vmem_shared>>
        tpu.enqueue_indirect_dma source(%arg10 : memref<64x64xf32, #tpu.memory_space<vmem>>) target(%dma_start3A_85 : memref<10240x64xf32, #tpu.memory_space<vmem_shared>>) offsets(%dma_start3A_82 : memref<64xi32, #tpu.memory_space<vmem>>) semaphore(%run_scoped3A_79 : memref<!tpu.dma_semaphore, #tpu.memory_space<semaphore_mem>>) {add = true}
        %dma_wait3A_86 = arith.constant 0 : i32
        %dma_wait3A_87 = tpu.memref_slice %arg8[%run_scoped3A_78, %dma_wait3A_86] : memref<240x64xi32, #tpu.memory_space<vmem>> -> memref<1x64xi32, #tpu.memory_space<vmem>>
        %dma_wait3A_88 = tpu.memref_squeeze %dma_wait3A_87 : memref<1x64xi32, #tpu.memory_space<vmem>> -> memref<64xi32, #tpu.memory_space<vmem>>
        %dma_wait3A_89 = arith.constant 0 : i32
        %dma_wait3A_90 = arith.constant 0 : i32
        %dma_wait3A_91 = tpu.memref_slice %arg11[%dma_wait3A_89, %dma_wait3A_90] : memref<10240x64xf32, #tpu.memory_space<vmem_shared>> -> memref<10240x64xf32, #tpu.memory_space<vmem_shared>>
        tpu.wait_indirect_dma semaphore(%run_scoped3A_79 : memref<!tpu.dma_semaphore, #tpu.memory_space<semaphore_mem>>) src(%arg10 : memref<64x64xf32, #tpu.memory_space<vmem>>) dst(%dma_wait3A_91 : memref<10240x64xf32, #tpu.memory_space<vmem_shared>>)
        tpu.yield
      }) : () -> ()
    } else {
    }
    %eq3A_20 = arith.constant 1 : i32
    %eq3A_21 = arith.cmpi eq, %arg0, %eq3A_20 : i32
    %convert_element_type3A_22 = arith.extui %eq3A_21 : i1 to i32
    %cond3A_23 = arith.constant 0 : i32
    %cond3A_24 = arith.cmpi ne, %convert_element_type3A_22, %cond3A_23 : i32
    scf.if %cond3A_24 {
      %mul3A_45 = arith.constant 80 : i32
      %mul3A_46 = arith.muli %arg1, %mul3A_45 : i32
      %add3A_47 = arith.constant 3840 : i32
      %add3A_48 = arith.addi %add3A_47, %mul3A_46 : i32
      "tpu.region"() ({
        %run_scoped3A_81 = tpu.sem_alloc : memref<!tpu.dma_semaphore, #tpu.memory_space<semaphore_mem>>
        %dma_start3A_82 = arith.constant 0 : i32
        %dma_start3A_83 = arith.constant 0 : i32
        %dma_start3A_84 = tpu.memref_slice %arg7[%dma_start3A_82, %dma_start3A_83] : memref<240x64xi32, #tpu.memory_space<vmem>> -> memref<80x64xi32, #tpu.memory_space<vmem>>
        %dma_start3A_85 = arith.constant 0 : i32
        %dma_start3A_86 = tpu.memref_slice %arg3[%add3A_48, %dma_start3A_85] : memref<5120x64xi32, #tpu.memory_space<hbm>> -> memref<80x64xi32, #tpu.memory_space<hbm>>
        %dma_start3A_87 = arith.constant 0 : i32
        %dma_start3A_88 = arith.constant 0 : i32
        %dma_start3A_89 = tpu.memref_slice %arg7[%dma_start3A_87, %dma_start3A_88] : memref<240x64xi32, #tpu.memory_space<vmem>> -> memref<80x64xi32, #tpu.memory_space<vmem>>
        %dma_start3A_90 = arith.constant 0 : i32
        %dma_start3A_91 = tpu.memref_slice %arg3[%add3A_48, %dma_start3A_90] : memref<5120x64xi32, #tpu.memory_space<hbm>> -> memref<80x64xi32, #tpu.memory_space<hbm>>
        tpu.enqueue_dma source(%dma_start3A_91 : memref<80x64xi32, #tpu.memory_space<hbm>>) target(%dma_start3A_89 : memref<80x64xi32, #tpu.memory_space<vmem>>) target_semaphore(%run_scoped3A_81 : memref<!tpu.dma_semaphore, #tpu.memory_space<semaphore_mem>>)
        %dma_wait3A_92 = arith.constant 0 : i32
        %dma_wait3A_93 = arith.constant 0 : i32
        %dma_wait3A_94 = tpu.memref_slice %arg7[%dma_wait3A_92, %dma_wait3A_93] : memref<240x64xi32, #tpu.memory_space<vmem>> -> memref<80x64xi32, #tpu.memory_space<vmem>>
        %dma_wait3A_95 = arith.constant 0 : i32
        %dma_wait3A_96 = tpu.memref_slice %arg3[%add3A_48, %dma_wait3A_95] : memref<5120x64xi32, #tpu.memory_space<hbm>> -> memref<80x64xi32, #tpu.memory_space<hbm>>
        %dma_wait3A_97 = arith.constant 0 : i32
        %dma_wait3A_98 = arith.constant 0 : i32
        %dma_wait3A_99 = tpu.memref_slice %arg7[%dma_wait3A_97, %dma_wait3A_98] : memref<240x64xi32, #tpu.memory_space<vmem>> -> memref<80x64xi32, #tpu.memory_space<vmem>>
        %dma_wait3A_100 = arith.constant 0 : i32
        %dma_wait3A_101 = tpu.memref_slice %arg3[%add3A_48, %dma_wait3A_100] : memref<5120x64xi32, #tpu.memory_space<hbm>> -> memref<80x64xi32, #tpu.memory_space<hbm>>
        tpu.wait_dma2 semaphore(%run_scoped3A_81 : memref<!tpu.dma_semaphore, #tpu.memory_space<semaphore_mem>>) src(%dma_wait3A_101 : memref<80x64xi32, #tpu.memory_space<hbm>>) dst(%dma_wait3A_99 : memref<80x64xi32, #tpu.memory_space<vmem>>)
        tpu.yield
      }) : () -> ()
      "tpu.region"() ({
        %run_scoped3A_81 = tpu.sem_alloc : memref<!tpu.dma_semaphore, #tpu.memory_space<semaphore_mem>>
        %dma_start3A_82 = arith.constant 0 : i32
        %dma_start3A_83 = arith.constant 0 : i32
        %dma_start3A_84 = tpu.memref_slice %arg8[%dma_start3A_82, %dma_start3A_83] : memref<240x64xi32, #tpu.memory_space<vmem>> -> memref<80x64xi32, #tpu.memory_space<vmem>>
        %dma_start3A_85 = arith.constant 0 : i32
        %dma_start3A_86 = tpu.memref_slice %arg4[%add3A_48, %dma_start3A_85] : memref<5120x64xi32, #tpu.memory_space<hbm>> -> memref<80x64xi32, #tpu.memory_space<hbm>>
        %dma_start3A_87 = arith.constant 0 : i32
        %dma_start3A_88 = arith.constant 0 : i32
        %dma_start3A_89 = tpu.memref_slice %arg8[%dma_start3A_87, %dma_start3A_88] : memref<240x64xi32, #tpu.memory_space<vmem>> -> memref<80x64xi32, #tpu.memory_space<vmem>>
        %dma_start3A_90 = arith.constant 0 : i32
        %dma_start3A_91 = tpu.memref_slice %arg4[%add3A_48, %dma_start3A_90] : memref<5120x64xi32, #tpu.memory_space<hbm>> -> memref<80x64xi32, #tpu.memory_space<hbm>>
        tpu.enqueue_dma source(%dma_start3A_91 : memref<80x64xi32, #tpu.memory_space<hbm>>) target(%dma_start3A_89 : memref<80x64xi32, #tpu.memory_space<vmem>>) target_semaphore(%run_scoped3A_81 : memref<!tpu.dma_semaphore, #tpu.memory_space<semaphore_mem>>)
        %dma_wait3A_92 = arith.constant 0 : i32
        %dma_wait3A_93 = arith.constant 0 : i32
        %dma_wait3A_94 = tpu.memref_slice %arg8[%dma_wait3A_92, %dma_wait3A_93] : memref<240x64xi32, #tpu.memory_space<vmem>> -> memref<80x64xi32, #tpu.memory_space<vmem>>
        %dma_wait3A_95 = arith.constant 0 : i32
        %dma_wait3A_96 = tpu.memref_slice %arg4[%add3A_48, %dma_wait3A_95] : memref<5120x64xi32, #tpu.memory_space<hbm>> -> memref<80x64xi32, #tpu.memory_space<hbm>>
        %dma_wait3A_97 = arith.constant 0 : i32
        %dma_wait3A_98 = arith.constant 0 : i32
        %dma_wait3A_99 = tpu.memref_slice %arg8[%dma_wait3A_97, %dma_wait3A_98] : memref<240x64xi32, #tpu.memory_space<vmem>> -> memref<80x64xi32, #tpu.memory_space<vmem>>
        %dma_wait3A_100 = arith.constant 0 : i32
        %dma_wait3A_101 = tpu.memref_slice %arg4[%add3A_48, %dma_wait3A_100] : memref<5120x64xi32, #tpu.memory_space<hbm>> -> memref<80x64xi32, #tpu.memory_space<hbm>>
        tpu.wait_dma2 semaphore(%run_scoped3A_81 : memref<!tpu.dma_semaphore, #tpu.memory_space<semaphore_mem>>) src(%dma_wait3A_101 : memref<80x64xi32, #tpu.memory_space<hbm>>) dst(%dma_wait3A_99 : memref<80x64xi32, #tpu.memory_space<vmem>>)
        tpu.yield
      }) : () -> ()
      %dma_start3A = arith.constant 0 : i32
      %dma_start3A_49 = arith.constant 0 : i32
      %dma_start3A_50 = tpu.memref_slice %arg7[%dma_start3A, %dma_start3A_49] : memref<240x64xi32, #tpu.memory_space<vmem>> -> memref<1x64xi32, #tpu.memory_space<vmem>>
      %dma_start3A_51 = tpu.memref_squeeze %dma_start3A_50 : memref<1x64xi32, #tpu.memory_space<vmem>> -> memref<64xi32, #tpu.memory_space<vmem>>
      %dma_start3A_52 = arith.constant 0 : i32
      %dma_start3A_53 = arith.constant 0 : i32
      %dma_start3A_54 = tpu.memref_slice %arg2[%dma_start3A_52, %dma_start3A_53] : memref<10240x64xf32, #tpu.memory_space<hbm>> -> memref<10240x64xf32, #tpu.memory_space<hbm>>
      tpu.enqueue_indirect_dma source(%dma_start3A_54 : memref<10240x64xf32, #tpu.memory_space<hbm>>) target(%arg9 : memref<64x64xf32, #tpu.memory_space<vmem>>) offsets(%dma_start3A_51 : memref<64xi32, #tpu.memory_space<vmem>>) semaphore(%arg12 : memref<!tpu.dma_semaphore, #tpu.memory_space<semaphore_mem>>)
      %dma_start3A_55 = arith.constant 1 : i32
      %dma_start3A_56 = arith.constant 0 : i32
      %dma_start3A_57 = tpu.memref_slice %arg7[%dma_start3A_55, %dma_start3A_56] : memref<240x64xi32, #tpu.memory_space<vmem>> -> memref<1x64xi32, #tpu.memory_space<vmem>>
      %dma_start3A_58 = tpu.memref_squeeze %dma_start3A_57 : memref<1x64xi32, #tpu.memory_space<vmem>> -> memref<64xi32, #tpu.memory_space<vmem>>
      %dma_start3A_59 = arith.constant 0 : i32
      %dma_start3A_60 = arith.constant 0 : i32
      %dma_start3A_61 = tpu.memref_slice %arg2[%dma_start3A_59, %dma_start3A_60] : memref<10240x64xf32, #tpu.memory_space<hbm>> -> memref<10240x64xf32, #tpu.memory_space<hbm>>
      tpu.enqueue_indirect_dma source(%dma_start3A_61 : memref<10240x64xf32, #tpu.memory_space<hbm>>) target(%arg10 : memref<64x64xf32, #tpu.memory_space<vmem>>) offsets(%dma_start3A_58 : memref<64xi32, #tpu.memory_space<vmem>>) semaphore(%arg13 : memref<!tpu.dma_semaphore, #tpu.memory_space<semaphore_mem>>)
      %scan3A = arith.constant 0 : i32
      %scan3A_62 = arith.constant 0 : i32
      %scan3A_63 = arith.constant 39 : i32
      %scan3A_64 = arith.addi %scan3A_62, %scan3A_63 : i32
      %scan3A_65 = arith.constant 1 : i32
      scf.for %scan3A_81 = %scan3A_62 to %scan3A_64 step %scan3A_65  : i32 {
        %mul3A_82 = arith.constant 2 : i32
        %mul3A_83 = arith.muli %scan3A_81, %mul3A_82 : i32
        %add3A_84 = arith.constant 0 : i32
        %add3A_85 = arith.addi %mul3A_83, %add3A_84 : i32
        %dma_wait3A_86 = arith.constant 0 : i32
        %dma_wait3A_87 = tpu.memref_slice %arg7[%add3A_85, %dma_wait3A_86] : memref<240x64xi32, #tpu.memory_space<vmem>> -> memref<1x64xi32, #tpu.memory_space<vmem>>
        %dma_wait3A_88 = tpu.memref_squeeze %dma_wait3A_87 : memref<1x64xi32, #tpu.memory_space<vmem>> -> memref<64xi32, #tpu.memory_space<vmem>>
        %dma_wait3A_89 = arith.constant 0 : i32
        %dma_wait3A_90 = arith.constant 0 : i32
        %dma_wait3A_91 = tpu.memref_slice %arg2[%dma_wait3A_89, %dma_wait3A_90] : memref<10240x64xf32, #tpu.memory_space<hbm>> -> memref<10240x64xf32, #tpu.memory_space<hbm>>
        tpu.wait_indirect_dma semaphore(%arg12 : memref<!tpu.dma_semaphore, #tpu.memory_space<semaphore_mem>>) src(%dma_wait3A_91 : memref<10240x64xf32, #tpu.memory_space<hbm>>) dst(%arg9 : memref<64x64xf32, #tpu.memory_space<vmem>>)
        "tpu.region"() ({
          %run_scoped3A_118 = tpu.sem_alloc : memref<!tpu.dma_semaphore, #tpu.memory_space<semaphore_mem>>
          %dma_start3A_119 = arith.constant 0 : i32
          %dma_start3A_120 = tpu.memref_slice %arg8[%add3A_85, %dma_start3A_119] : memref<240x64xi32, #tpu.memory_space<vmem>> -> memref<1x64xi32, #tpu.memory_space<vmem>>
          %dma_start3A_121 = tpu.memref_squeeze %dma_start3A_120 : memref<1x64xi32, #tpu.memory_space<vmem>> -> memref<64xi32, #tpu.memory_space<vmem>>
          %dma_start3A_122 = arith.constant 0 : i32
          %dma_start3A_123 = arith.constant 0 : i32
          %dma_start3A_124 = tpu.memref_slice %arg11[%dma_start3A_122, %dma_start3A_123] : memref<10240x64xf32, #tpu.memory_space<vmem_shared>> -> memref<10240x64xf32, #tpu.memory_space<vmem_shared>>
          tpu.enqueue_indirect_dma source(%arg9 : memref<64x64xf32, #tpu.memory_space<vmem>>) target(%dma_start3A_124 : memref<10240x64xf32, #tpu.memory_space<vmem_shared>>) offsets(%dma_start3A_121 : memref<64xi32, #tpu.memory_space<vmem>>) semaphore(%run_scoped3A_118 : memref<!tpu.dma_semaphore, #tpu.memory_space<semaphore_mem>>) {add = true}
          %dma_wait3A_125 = arith.constant 0 : i32
          %dma_wait3A_126 = tpu.memref_slice %arg8[%add3A_85, %dma_wait3A_125] : memref<240x64xi32, #tpu.memory_space<vmem>> -> memref<1x64xi32, #tpu.memory_space<vmem>>
          %dma_wait3A_127 = tpu.memref_squeeze %dma_wait3A_126 : memref<1x64xi32, #tpu.memory_space<vmem>> -> memref<64xi32, #tpu.memory_space<vmem>>
          %dma_wait3A_128 = arith.constant 0 : i32
          %dma_wait3A_129 = arith.constant 0 : i32
          %dma_wait3A_130 = tpu.memref_slice %arg11[%dma_wait3A_128, %dma_wait3A_129] : memref<10240x64xf32, #tpu.memory_space<vmem_shared>> -> memref<10240x64xf32, #tpu.memory_space<vmem_shared>>
          tpu.wait_indirect_dma semaphore(%run_scoped3A_118 : memref<!tpu.dma_semaphore, #tpu.memory_space<semaphore_mem>>) src(%arg9 : memref<64x64xf32, #tpu.memory_space<vmem>>) dst(%dma_wait3A_130 : memref<10240x64xf32, #tpu.memory_space<vmem_shared>>)
          tpu.yield
        }) : () -> ()
        %add3A_92 = arith.constant 2 : i32
        %add3A_93 = arith.addi %add3A_85, %add3A_92 : i32
        %dma_start3A_94 = arith.constant 0 : i32
        %dma_start3A_95 = tpu.memref_slice %arg7[%add3A_93, %dma_start3A_94] : memref<240x64xi32, #tpu.memory_space<vmem>> -> memref<1x64xi32, #tpu.memory_space<vmem>>
        %dma_start3A_96 = tpu.memref_squeeze %dma_start3A_95 : memref<1x64xi32, #tpu.memory_space<vmem>> -> memref<64xi32, #tpu.memory_space<vmem>>
        %dma_start3A_97 = arith.constant 0 : i32
        %dma_start3A_98 = arith.constant 0 : i32
        %dma_start3A_99 = tpu.memref_slice %arg2[%dma_start3A_97, %dma_start3A_98] : memref<10240x64xf32, #tpu.memory_space<hbm>> -> memref<10240x64xf32, #tpu.memory_space<hbm>>
        tpu.enqueue_indirect_dma source(%dma_start3A_99 : memref<10240x64xf32, #tpu.memory_space<hbm>>) target(%arg9 : memref<64x64xf32, #tpu.memory_space<vmem>>) offsets(%dma_start3A_96 : memref<64xi32, #tpu.memory_space<vmem>>) semaphore(%arg12 : memref<!tpu.dma_semaphore, #tpu.memory_space<semaphore_mem>>)
        %mul3A_100 = arith.constant 2 : i32
        %mul3A_101 = arith.muli %scan3A_81, %mul3A_100 : i32
        %add3A_102 = arith.constant 1 : i32
        %add3A_103 = arith.addi %mul3A_101, %add3A_102 : i32
        %dma_wait3A_104 = arith.constant 0 : i32
        %dma_wait3A_105 = tpu.memref_slice %arg7[%add3A_103, %dma_wait3A_104] : memref<240x64xi32, #tpu.memory_space<vmem>> -> memref<1x64xi32, #tpu.memory_space<vmem>>
        %dma_wait3A_106 = tpu.memref_squeeze %dma_wait3A_105 : memref<1x64xi32, #tpu.memory_space<vmem>> -> memref<64xi32, #tpu.memory_space<vmem>>
        %dma_wait3A_107 = arith.constant 0 : i32
        %dma_wait3A_108 = arith.constant 0 : i32
        %dma_wait3A_109 = tpu.memref_slice %arg2[%dma_wait3A_107, %dma_wait3A_108] : memref<10240x64xf32, #tpu.memory_space<hbm>> -> memref<10240x64xf32, #tpu.memory_space<hbm>>
        tpu.wait_indirect_dma semaphore(%arg13 : memref<!tpu.dma_semaphore, #tpu.memory_space<semaphore_mem>>) src(%dma_wait3A_109 : memref<10240x64xf32, #tpu.memory_space<hbm>>) dst(%arg10 : memref<64x64xf32, #tpu.memory_space<vmem>>)
        "tpu.region"() ({
          %run_scoped3A_118 = tpu.sem_alloc : memref<!tpu.dma_semaphore, #tpu.memory_space<semaphore_mem>>
          %dma_start3A_119 = arith.constant 0 : i32
          %dma_start3A_120 = tpu.memref_slice %arg8[%add3A_103, %dma_start3A_119] : memref<240x64xi32, #tpu.memory_space<vmem>> -> memref<1x64xi32, #tpu.memory_space<vmem>>
          %dma_start3A_121 = tpu.memref_squeeze %dma_start3A_120 : memref<1x64xi32, #tpu.memory_space<vmem>> -> memref<64xi32, #tpu.memory_space<vmem>>
          %dma_start3A_122 = arith.constant 0 : i32
          %dma_start3A_123 = arith.constant 0 : i32
          %dma_start3A_124 = tpu.memref_slice %arg11[%dma_start3A_122, %dma_start3A_123] : memref<10240x64xf32, #tpu.memory_space<vmem_shared>> -> memref<10240x64xf32, #tpu.memory_space<vmem_shared>>
          tpu.enqueue_indirect_dma source(%arg10 : memref<64x64xf32, #tpu.memory_space<vmem>>) target(%dma_start3A_124 : memref<10240x64xf32, #tpu.memory_space<vmem_shared>>) offsets(%dma_start3A_121 : memref<64xi32, #tpu.memory_space<vmem>>) semaphore(%run_scoped3A_118 : memref<!tpu.dma_semaphore, #tpu.memory_space<semaphore_mem>>) {add = true}
          %dma_wait3A_125 = arith.constant 0 : i32
          %dma_wait3A_126 = tpu.memref_slice %arg8[%add3A_103, %dma_wait3A_125] : memref<240x64xi32, #tpu.memory_space<vmem>> -> memref<1x64xi32, #tpu.memory_space<vmem>>
          %dma_wait3A_127 = tpu.memref_squeeze %dma_wait3A_126 : memref<1x64xi32, #tpu.memory_space<vmem>> -> memref<64xi32, #tpu.memory_space<vmem>>
          %dma_wait3A_128 = arith.constant 0 : i32
          %dma_wait3A_129 = arith.constant 0 : i32
          %dma_wait3A_130 = tpu.memref_slice %arg11[%dma_wait3A_128, %dma_wait3A_129] : memref<10240x64xf32, #tpu.memory_space<vmem_shared>> -> memref<10240x64xf32, #tpu.memory_space<vmem_shared>>
          tpu.wait_indirect_dma semaphore(%run_scoped3A_118 : memref<!tpu.dma_semaphore, #tpu.memory_space<semaphore_mem>>) src(%arg10 : memref<64x64xf32, #tpu.memory_space<vmem>>) dst(%dma_wait3A_130 : memref<10240x64xf32, #tpu.memory_space<vmem_shared>>)
          tpu.yield
        }) : () -> ()
        %add3A_110 = arith.constant 2 : i32
        %add3A_111 = arith.addi %add3A_103, %add3A_110 : i32
        %dma_start3A_112 = arith.constant 0 : i32
        %dma_start3A_113 = tpu.memref_slice %arg7[%add3A_111, %dma_start3A_112] : memref<240x64xi32, #tpu.memory_space<vmem>> -> memref<1x64xi32, #tpu.memory_space<vmem>>
        %dma_start3A_114 = tpu.memref_squeeze %dma_start3A_113 : memref<1x64xi32, #tpu.memory_space<vmem>> -> memref<64xi32, #tpu.memory_space<vmem>>
        %dma_start3A_115 = arith.constant 0 : i32
        %dma_start3A_116 = arith.constant 0 : i32
        %dma_start3A_117 = tpu.memref_slice %arg2[%dma_start3A_115, %dma_start3A_116] : memref<10240x64xf32, #tpu.memory_space<hbm>> -> memref<10240x64xf32, #tpu.memory_space<hbm>>
        tpu.enqueue_indirect_dma source(%dma_start3A_117 : memref<10240x64xf32, #tpu.memory_space<hbm>>) target(%arg10 : memref<64x64xf32, #tpu.memory_space<vmem>>) offsets(%dma_start3A_114 : memref<64xi32, #tpu.memory_space<vmem>>) semaphore(%arg13 : memref<!tpu.dma_semaphore, #tpu.memory_space<semaphore_mem>>)
      }
      %scan3A_66 = arith.constant 39 : i32
      %dma_wait3A = arith.constant 78 : i32
      %dma_wait3A_67 = arith.constant 0 : i32
      %dma_wait3A_68 = tpu.memref_slice %arg7[%dma_wait3A, %dma_wait3A_67] : memref<240x64xi32, #tpu.memory_space<vmem>> -> memref<1x64xi32, #tpu.memory_space<vmem>>
      %dma_wait3A_69 = tpu.memref_squeeze %dma_wait3A_68 : memref<1x64xi32, #tpu.memory_space<vmem>> -> memref<64xi32, #tpu.memory_space<vmem>>
      %dma_wait3A_70 = arith.constant 0 : i32
      %dma_wait3A_71 = arith.constant 0 : i32
      %dma_wait3A_72 = tpu.memref_slice %arg2[%dma_wait3A_70, %dma_wait3A_71] : memref<10240x64xf32, #tpu.memory_space<hbm>> -> memref<10240x64xf32, #tpu.memory_space<hbm>>
      tpu.wait_indirect_dma semaphore(%arg12 : memref<!tpu.dma_semaphore, #tpu.memory_space<semaphore_mem>>) src(%dma_wait3A_72 : memref<10240x64xf32, #tpu.memory_space<hbm>>) dst(%arg9 : memref<64x64xf32, #tpu.memory_space<vmem>>)
      %run_scoped3A = arith.constant 78 : i32
      "tpu.region"() ({
        %run_scoped3A_81 = tpu.sem_alloc : memref<!tpu.dma_semaphore, #tpu.memory_space<semaphore_mem>>
        %dma_start3A_82 = arith.constant 0 : i32
        %dma_start3A_83 = tpu.memref_slice %arg8[%run_scoped3A, %dma_start3A_82] : memref<240x64xi32, #tpu.memory_space<vmem>> -> memref<1x64xi32, #tpu.memory_space<vmem>>
        %dma_start3A_84 = tpu.memref_squeeze %dma_start3A_83 : memref<1x64xi32, #tpu.memory_space<vmem>> -> memref<64xi32, #tpu.memory_space<vmem>>
        %dma_start3A_85 = arith.constant 0 : i32
        %dma_start3A_86 = arith.constant 0 : i32
        %dma_start3A_87 = tpu.memref_slice %arg11[%dma_start3A_85, %dma_start3A_86] : memref<10240x64xf32, #tpu.memory_space<vmem_shared>> -> memref<10240x64xf32, #tpu.memory_space<vmem_shared>>
        tpu.enqueue_indirect_dma source(%arg9 : memref<64x64xf32, #tpu.memory_space<vmem>>) target(%dma_start3A_87 : memref<10240x64xf32, #tpu.memory_space<vmem_shared>>) offsets(%dma_start3A_84 : memref<64xi32, #tpu.memory_space<vmem>>) semaphore(%run_scoped3A_81 : memref<!tpu.dma_semaphore, #tpu.memory_space<semaphore_mem>>) {add = true}
        %dma_wait3A_88 = arith.constant 0 : i32
        %dma_wait3A_89 = tpu.memref_slice %arg8[%run_scoped3A, %dma_wait3A_88] : memref<240x64xi32, #tpu.memory_space<vmem>> -> memref<1x64xi32, #tpu.memory_space<vmem>>
        %dma_wait3A_90 = tpu.memref_squeeze %dma_wait3A_89 : memref<1x64xi32, #tpu.memory_space<vmem>> -> memref<64xi32, #tpu.memory_space<vmem>>
        %dma_wait3A_91 = arith.constant 0 : i32
        %dma_wait3A_92 = arith.constant 0 : i32
        %dma_wait3A_93 = tpu.memref_slice %arg11[%dma_wait3A_91, %dma_wait3A_92] : memref<10240x64xf32, #tpu.memory_space<vmem_shared>> -> memref<10240x64xf32, #tpu.memory_space<vmem_shared>>
        tpu.wait_indirect_dma semaphore(%run_scoped3A_81 : memref<!tpu.dma_semaphore, #tpu.memory_space<semaphore_mem>>) src(%arg9 : memref<64x64xf32, #tpu.memory_space<vmem>>) dst(%dma_wait3A_93 : memref<10240x64xf32, #tpu.memory_space<vmem_shared>>)
        tpu.yield
      }) : () -> ()
      %dma_wait3A_73 = arith.constant 79 : i32
      %dma_wait3A_74 = arith.constant 0 : i32
      %dma_wait3A_75 = tpu.memref_slice %arg7[%dma_wait3A_73, %dma_wait3A_74] : memref<240x64xi32, #tpu.memory_space<vmem>> -> memref<1x64xi32, #tpu.memory_space<vmem>>
      %dma_wait3A_76 = tpu.memref_squeeze %dma_wait3A_75 : memref<1x64xi32, #tpu.memory_space<vmem>> -> memref<64xi32, #tpu.memory_space<vmem>>
      %dma_wait3A_77 = arith.constant 0 : i32
      %dma_wait3A_78 = arith.constant 0 : i32
      %dma_wait3A_79 = tpu.memref_slice %arg2[%dma_wait3A_77, %dma_wait3A_78] : memref<10240x64xf32, #tpu.memory_space<hbm>> -> memref<10240x64xf32, #tpu.memory_space<hbm>>
      tpu.wait_indirect_dma semaphore(%arg13 : memref<!tpu.dma_semaphore, #tpu.memory_space<semaphore_mem>>) src(%dma_wait3A_79 : memref<10240x64xf32, #tpu.memory_space<hbm>>) dst(%arg10 : memref<64x64xf32, #tpu.memory_space<vmem>>)
      %run_scoped3A_80 = arith.constant 79 : i32
      "tpu.region"() ({
        %run_scoped3A_81 = tpu.sem_alloc : memref<!tpu.dma_semaphore, #tpu.memory_space<semaphore_mem>>
        %dma_start3A_82 = arith.constant 0 : i32
        %dma_start3A_83 = tpu.memref_slice %arg8[%run_scoped3A_80, %dma_start3A_82] : memref<240x64xi32, #tpu.memory_space<vmem>> -> memref<1x64xi32, #tpu.memory_space<vmem>>
        %dma_start3A_84 = tpu.memref_squeeze %dma_start3A_83 : memref<1x64xi32, #tpu.memory_space<vmem>> -> memref<64xi32, #tpu.memory_space<vmem>>
        %dma_start3A_85 = arith.constant 0 : i32
        %dma_start3A_86 = arith.constant 0 : i32
        %dma_start3A_87 = tpu.memref_slice %arg11[%dma_start3A_85, %dma_start3A_86] : memref<10240x64xf32, #tpu.memory_space<vmem_shared>> -> memref<10240x64xf32, #tpu.memory_space<vmem_shared>>
        tpu.enqueue_indirect_dma source(%arg10 : memref<64x64xf32, #tpu.memory_space<vmem>>) target(%dma_start3A_87 : memref<10240x64xf32, #tpu.memory_space<vmem_shared>>) offsets(%dma_start3A_84 : memref<64xi32, #tpu.memory_space<vmem>>) semaphore(%run_scoped3A_81 : memref<!tpu.dma_semaphore, #tpu.memory_space<semaphore_mem>>) {add = true}
        %dma_wait3A_88 = arith.constant 0 : i32
        %dma_wait3A_89 = tpu.memref_slice %arg8[%run_scoped3A_80, %dma_wait3A_88] : memref<240x64xi32, #tpu.memory_space<vmem>> -> memref<1x64xi32, #tpu.memory_space<vmem>>
        %dma_wait3A_90 = tpu.memref_squeeze %dma_wait3A_89 : memref<1x64xi32, #tpu.memory_space<vmem>> -> memref<64xi32, #tpu.memory_space<vmem>>
        %dma_wait3A_91 = arith.constant 0 : i32
        %dma_wait3A_92 = arith.constant 0 : i32
        %dma_wait3A_93 = tpu.memref_slice %arg11[%dma_wait3A_91, %dma_wait3A_92] : memref<10240x64xf32, #tpu.memory_space<vmem_shared>> -> memref<10240x64xf32, #tpu.memory_space<vmem_shared>>
        tpu.wait_indirect_dma semaphore(%run_scoped3A_81 : memref<!tpu.dma_semaphore, #tpu.memory_space<semaphore_mem>>) src(%arg10 : memref<64x64xf32, #tpu.memory_space<vmem>>) dst(%dma_wait3A_93 : memref<10240x64xf32, #tpu.memory_space<vmem_shared>>)
        tpu.yield
      }) : () -> ()
    } else {
    }
    %barrier3A = arith.constant 0 : index
    tpu.barrier barrier_id(%barrier3A)
    %mul3A_25 = arith.constant 640 : i32
    %mul3A_26 = arith.muli %arg1, %mul3A_25 : i32
    %add3A_27 = arith.constant 0 : i32
    %add3A_28 = arith.addi %mul3A_26, %add3A_27 : i32
    "tpu.region"() ({
      %run_scoped3A = tpu.sem_alloc : memref<!tpu.dma_semaphore, #tpu.memory_space<semaphore_mem>>
      %dma_start3A = arith.constant 0 : i32
      %dma_start3A_45 = tpu.memref_slice %arg6[%arg0, %add3A_28, %dma_start3A] : memref<2x10240x64xf32, #tpu.memory_space<hbm>> -> memref<1x128x64xf32, #tpu.memory_space<hbm>>
      %dma_start3A_46 = tpu.memref_squeeze %dma_start3A_45 : memref<1x128x64xf32, #tpu.memory_space<hbm>> -> memref<128x64xf32, #tpu.memory_space<hbm>>
      %dma_start3A_47 = arith.constant 0 : i32
      %dma_start3A_48 = tpu.memref_slice %arg11[%add3A_28, %dma_start3A_47] : memref<10240x64xf32, #tpu.memory_space<vmem_shared>> -> memref<128x64xf32, #tpu.memory_space<vmem_shared>>
      tpu.enqueue_dma source(%dma_start3A_48 : memref<128x64xf32, #tpu.memory_space<vmem_shared>>) target(%dma_start3A_46 : memref<128x64xf32, #tpu.memory_space<hbm>>) target_semaphore(%run_scoped3A : memref<!tpu.dma_semaphore, #tpu.memory_space<semaphore_mem>>)
      %dma_wait3A = arith.constant 0 : i32
      %dma_wait3A_49 = tpu.memref_slice %arg6[%arg0, %add3A_28, %dma_wait3A] : memref<2x10240x64xf32, #tpu.memory_space<hbm>> -> memref<1x128x64xf32, #tpu.memory_space<hbm>>
      %dma_wait3A_50 = tpu.memref_squeeze %dma_wait3A_49 : memref<1x128x64xf32, #tpu.memory_space<hbm>> -> memref<128x64xf32, #tpu.memory_space<hbm>>
      %dma_wait3A_51 = arith.constant 0 : i32
      %dma_wait3A_52 = tpu.memref_slice %arg11[%add3A_28, %dma_wait3A_51] : memref<10240x64xf32, #tpu.memory_space<vmem_shared>> -> memref<128x64xf32, #tpu.memory_space<vmem_shared>>
      tpu.wait_dma2 semaphore(%run_scoped3A : memref<!tpu.dma_semaphore, #tpu.memory_space<semaphore_mem>>) src(%dma_wait3A_52 : memref<128x64xf32, #tpu.memory_space<vmem_shared>>) dst(%dma_wait3A_50 : memref<128x64xf32, #tpu.memory_space<hbm>>)
      tpu.yield
    }) : () -> ()
    %mul3A_29 = arith.constant 640 : i32
    %mul3A_30 = arith.muli %arg1, %mul3A_29 : i32
    %add3A_31 = arith.constant 128 : i32
    %add3A_32 = arith.addi %mul3A_30, %add3A_31 : i32
    "tpu.region"() ({
      %run_scoped3A = tpu.sem_alloc : memref<!tpu.dma_semaphore, #tpu.memory_space<semaphore_mem>>
      %dma_start3A = arith.constant 0 : i32
      %dma_start3A_45 = tpu.memref_slice %arg6[%arg0, %add3A_32, %dma_start3A] : memref<2x10240x64xf32, #tpu.memory_space<hbm>> -> memref<1x128x64xf32, #tpu.memory_space<hbm>>
      %dma_start3A_46 = tpu.memref_squeeze %dma_start3A_45 : memref<1x128x64xf32, #tpu.memory_space<hbm>> -> memref<128x64xf32, #tpu.memory_space<hbm>>
      %dma_start3A_47 = arith.constant 0 : i32
      %dma_start3A_48 = tpu.memref_slice %arg11[%add3A_32, %dma_start3A_47] : memref<10240x64xf32, #tpu.memory_space<vmem_shared>> -> memref<128x64xf32, #tpu.memory_space<vmem_shared>>
      tpu.enqueue_dma source(%dma_start3A_48 : memref<128x64xf32, #tpu.memory_space<vmem_shared>>) target(%dma_start3A_46 : memref<128x64xf32, #tpu.memory_space<hbm>>) target_semaphore(%run_scoped3A : memref<!tpu.dma_semaphore, #tpu.memory_space<semaphore_mem>>)
      %dma_wait3A = arith.constant 0 : i32
      %dma_wait3A_49 = tpu.memref_slice %arg6[%arg0, %add3A_32, %dma_wait3A] : memref<2x10240x64xf32, #tpu.memory_space<hbm>> -> memref<1x128x64xf32, #tpu.memory_space<hbm>>
      %dma_wait3A_50 = tpu.memref_squeeze %dma_wait3A_49 : memref<1x128x64xf32, #tpu.memory_space<hbm>> -> memref<128x64xf32, #tpu.memory_space<hbm>>
      %dma_wait3A_51 = arith.constant 0 : i32
      %dma_wait3A_52 = tpu.memref_slice %arg11[%add3A_32, %dma_wait3A_51] : memref<10240x64xf32, #tpu.memory_space<vmem_shared>> -> memref<128x64xf32, #tpu.memory_space<vmem_shared>>
      tpu.wait_dma2 semaphore(%run_scoped3A : memref<!tpu.dma_semaphore, #tpu.memory_space<semaphore_mem>>) src(%dma_wait3A_52 : memref<128x64xf32, #tpu.memory_space<vmem_shared>>) dst(%dma_wait3A_50 : memref<128x64xf32, #tpu.memory_space<hbm>>)
      tpu.yield
    }) : () -> ()
    %mul3A_33 = arith.constant 640 : i32
    %mul3A_34 = arith.muli %arg1, %mul3A_33 : i32
    %add3A_35 = arith.constant 256 : i32
    %add3A_36 = arith.addi %mul3A_34, %add3A_35 : i32
    "tpu.region"() ({
      %run_scoped3A = tpu.sem_alloc : memref<!tpu.dma_semaphore, #tpu.memory_space<semaphore_mem>>
      %dma_start3A = arith.constant 0 : i32
      %dma_start3A_45 = tpu.memref_slice %arg6[%arg0, %add3A_36, %dma_start3A] : memref<2x10240x64xf32, #tpu.memory_space<hbm>> -> memref<1x128x64xf32, #tpu.memory_space<hbm>>
      %dma_start3A_46 = tpu.memref_squeeze %dma_start3A_45 : memref<1x128x64xf32, #tpu.memory_space<hbm>> -> memref<128x64xf32, #tpu.memory_space<hbm>>
      %dma_start3A_47 = arith.constant 0 : i32
      %dma_start3A_48 = tpu.memref_slice %arg11[%add3A_36, %dma_start3A_47] : memref<10240x64xf32, #tpu.memory_space<vmem_shared>> -> memref<128x64xf32, #tpu.memory_space<vmem_shared>>
      tpu.enqueue_dma source(%dma_start3A_48 : memref<128x64xf32, #tpu.memory_space<vmem_shared>>) target(%dma_start3A_46 : memref<128x64xf32, #tpu.memory_space<hbm>>) target_semaphore(%run_scoped3A : memref<!tpu.dma_semaphore, #tpu.memory_space<semaphore_mem>>)
      %dma_wait3A = arith.constant 0 : i32
      %dma_wait3A_49 = tpu.memref_slice %arg6[%arg0, %add3A_36, %dma_wait3A] : memref<2x10240x64xf32, #tpu.memory_space<hbm>> -> memref<1x128x64xf32, #tpu.memory_space<hbm>>
      %dma_wait3A_50 = tpu.memref_squeeze %dma_wait3A_49 : memref<1x128x64xf32, #tpu.memory_space<hbm>> -> memref<128x64xf32, #tpu.memory_space<hbm>>
      %dma_wait3A_51 = arith.constant 0 : i32
      %dma_wait3A_52 = tpu.memref_slice %arg11[%add3A_36, %dma_wait3A_51] : memref<10240x64xf32, #tpu.memory_space<vmem_shared>> -> memref<128x64xf32, #tpu.memory_space<vmem_shared>>
      tpu.wait_dma2 semaphore(%run_scoped3A : memref<!tpu.dma_semaphore, #tpu.memory_space<semaphore_mem>>) src(%dma_wait3A_52 : memref<128x64xf32, #tpu.memory_space<vmem_shared>>) dst(%dma_wait3A_50 : memref<128x64xf32, #tpu.memory_space<hbm>>)
      tpu.yield
    }) : () -> ()
    %mul3A_37 = arith.constant 640 : i32
    %mul3A_38 = arith.muli %arg1, %mul3A_37 : i32
    %add3A_39 = arith.constant 384 : i32
    %add3A_40 = arith.addi %mul3A_38, %add3A_39 : i32
    "tpu.region"() ({
      %run_scoped3A = tpu.sem_alloc : memref<!tpu.dma_semaphore, #tpu.memory_space<semaphore_mem>>
      %dma_start3A = arith.constant 0 : i32
      %dma_start3A_45 = tpu.memref_slice %arg6[%arg0, %add3A_40, %dma_start3A] : memref<2x10240x64xf32, #tpu.memory_space<hbm>> -> memref<1x128x64xf32, #tpu.memory_space<hbm>>
      %dma_start3A_46 = tpu.memref_squeeze %dma_start3A_45 : memref<1x128x64xf32, #tpu.memory_space<hbm>> -> memref<128x64xf32, #tpu.memory_space<hbm>>
      %dma_start3A_47 = arith.constant 0 : i32
      %dma_start3A_48 = tpu.memref_slice %arg11[%add3A_40, %dma_start3A_47] : memref<10240x64xf32, #tpu.memory_space<vmem_shared>> -> memref<128x64xf32, #tpu.memory_space<vmem_shared>>
      tpu.enqueue_dma source(%dma_start3A_48 : memref<128x64xf32, #tpu.memory_space<vmem_shared>>) target(%dma_start3A_46 : memref<128x64xf32, #tpu.memory_space<hbm>>) target_semaphore(%run_scoped3A : memref<!tpu.dma_semaphore, #tpu.memory_space<semaphore_mem>>)
      %dma_wait3A = arith.constant 0 : i32
      %dma_wait3A_49 = tpu.memref_slice %arg6[%arg0, %add3A_40, %dma_wait3A] : memref<2x10240x64xf32, #tpu.memory_space<hbm>> -> memref<1x128x64xf32, #tpu.memory_space<hbm>>
      %dma_wait3A_50 = tpu.memref_squeeze %dma_wait3A_49 : memref<1x128x64xf32, #tpu.memory_space<hbm>> -> memref<128x64xf32, #tpu.memory_space<hbm>>
      %dma_wait3A_51 = arith.constant 0 : i32
      %dma_wait3A_52 = tpu.memref_slice %arg11[%add3A_40, %dma_wait3A_51] : memref<10240x64xf32, #tpu.memory_space<vmem_shared>> -> memref<128x64xf32, #tpu.memory_space<vmem_shared>>
      tpu.wait_dma2 semaphore(%run_scoped3A : memref<!tpu.dma_semaphore, #tpu.memory_space<semaphore_mem>>) src(%dma_wait3A_52 : memref<128x64xf32, #tpu.memory_space<vmem_shared>>) dst(%dma_wait3A_50 : memref<128x64xf32, #tpu.memory_space<hbm>>)
      tpu.yield
    }) : () -> ()
    %mul3A_41 = arith.constant 640 : i32
    %mul3A_42 = arith.muli %arg1, %mul3A_41 : i32
    %add3A_43 = arith.constant 512 : i32
    %add3A_44 = arith.addi %mul3A_42, %add3A_43 : i32
    "tpu.region"() ({
      %run_scoped3A = tpu.sem_alloc : memref<!tpu.dma_semaphore, #tpu.memory_space<semaphore_mem>>
      %dma_start3A = arith.constant 0 : i32
      %dma_start3A_45 = tpu.memref_slice %arg6[%arg0, %add3A_44, %dma_start3A] : memref<2x10240x64xf32, #tpu.memory_space<hbm>> -> memref<1x128x64xf32, #tpu.memory_space<hbm>>
      %dma_start3A_46 = tpu.memref_squeeze %dma_start3A_45 : memref<1x128x64xf32, #tpu.memory_space<hbm>> -> memref<128x64xf32, #tpu.memory_space<hbm>>
      %dma_start3A_47 = arith.constant 0 : i32
      %dma_start3A_48 = tpu.memref_slice %arg11[%add3A_44, %dma_start3A_47] : memref<10240x64xf32, #tpu.memory_space<vmem_shared>> -> memref<128x64xf32, #tpu.memory_space<vmem_shared>>
      tpu.enqueue_dma source(%dma_start3A_48 : memref<128x64xf32, #tpu.memory_space<vmem_shared>>) target(%dma_start3A_46 : memref<128x64xf32, #tpu.memory_space<hbm>>) target_semaphore(%run_scoped3A : memref<!tpu.dma_semaphore, #tpu.memory_space<semaphore_mem>>)
      %dma_wait3A = arith.constant 0 : i32
      %dma_wait3A_49 = tpu.memref_slice %arg6[%arg0, %add3A_44, %dma_wait3A] : memref<2x10240x64xf32, #tpu.memory_space<hbm>> -> memref<1x128x64xf32, #tpu.memory_space<hbm>>
      %dma_wait3A_50 = tpu.memref_squeeze %dma_wait3A_49 : memref<1x128x64xf32, #tpu.memory_space<hbm>> -> memref<128x64xf32, #tpu.memory_space<hbm>>
      %dma_wait3A_51 = arith.constant 0 : i32
      %dma_wait3A_52 = tpu.memref_slice %arg11[%add3A_44, %dma_wait3A_51] : memref<10240x64xf32, #tpu.memory_space<vmem_shared>> -> memref<128x64xf32, #tpu.memory_space<vmem_shared>>
      tpu.wait_dma2 semaphore(%run_scoped3A : memref<!tpu.dma_semaphore, #tpu.memory_space<semaphore_mem>>) src(%dma_wait3A_52 : memref<128x64xf32, #tpu.memory_space<vmem_shared>>) dst(%dma_wait3A_50 : memref<128x64xf32, #tpu.memory_space<hbm>>)
      tpu.yield
    }) : () -> ()
    return
  }
}

module attributes {stable_mosaic.version = 14 : i64} {
  func.func @_tc_pre(%arg0: memref<10240x128xf32, #tpu.memory_space<vmem>>, %arg1: memref<128x128xf32, #tpu.memory_space<vmem>>, %arg2: memref<2x10240x16xf32, #tpu.memory_space<vmem>>, %arg3: memref<10240x128xf32, #tpu.memory_space<vmem>>) attributes {dimension_semantics = [], scalar_prefetch = 0 : i64, scratch_operands = 0 : i64, tpu.core_type = #tpu.core_type<tc>} {
    %get3A = arith.constant 0 : index
    %get3A_0 = arith.constant 0 : index
    %get3A_1 = arith.constant 0 : index
    %get3A_2 = vector.load %arg2[%get3A, %get3A_0, %get3A_1] : memref<2x10240x16xf32, #tpu.memory_space<vmem>>, vector<2x10240x16xf32>
    %slice3A = vector.extract_strided_slice %get3A_2 {offsets = [0, 0, 0], sizes = [1, 10240, 1], strides = [1, 1, 1]} : vector<2x10240x16xf32> to vector<1x10240x1xf32>
    %squeeze3A = vector.shape_cast %slice3A : vector<1x10240x1xf32> to vector<10240x1xf32>
    %add3A = arith.constant 1.000000e+00 : f32
    %add3A_3 = vector.broadcast %add3A : f32 to vector<10240x1xf32>
    %add3A_4 = arith.addf %add3A_3, %squeeze3A : vector<10240x1xf32>
    %slice3A_5 = vector.extract_strided_slice %get3A_2 {offsets = [1, 0, 0], sizes = [1, 10240, 1], strides = [1, 1, 1]} : vector<2x10240x16xf32> to vector<1x10240x1xf32>
    %squeeze3A_6 = vector.shape_cast %slice3A_5 : vector<1x10240x1xf32> to vector<10240x1xf32>
    %add3A_7 = arith.addf %add3A_4, %squeeze3A_6 : vector<10240x1xf32>
    %rsqrt3A = math.rsqrt %add3A_7 : vector<10240x1xf32>
    %get3A_8 = arith.constant 0 : index
    %get3A_9 = arith.constant 0 : index
    %get3A_10 = vector.load %arg0[%get3A_8, %get3A_9] : memref<10240x128xf32, #tpu.memory_space<vmem>>, vector<10240x128xf32>
    %get3A_11 = arith.constant 0 : index
    %get3A_12 = arith.constant 0 : index
    %get3A_13 = vector.load %arg1[%get3A_11, %get3A_12] : memref<128x128xf32, #tpu.memory_space<vmem>>, vector<128x128xf32>
    %dot_general3A = arith.constant dense<0.000000e+00> : vector<10240x128xf32>
    %dot_general3A_14 = tpu.matmul %get3A_10, %get3A_13, %dot_general3A {dimension_numbers = #tpu.dot_dimension_numbers<[1], [0], [0], [1], [0, 0, 1, 1], [], []>, transpose_lhs_hint = false} : vector<10240x128xf32>, vector<128x128xf32>, vector<10240x128xf32> -> vector<10240x128xf32>
    %mul3A = vector.broadcast %rsqrt3A : vector<10240x1xf32> to vector<10240x128xf32>
    %mul3A_15 = arith.mulf %dot_general3A_14, %mul3A : vector<10240x128xf32>
    %swap3A = arith.constant 0 : index
    %swap3A_16 = arith.constant 0 : index
    %swap3A_17 = vector.load %arg3[%swap3A, %swap3A_16] : memref<10240x128xf32, #tpu.memory_space<vmem>>, vector<10240x128xf32>
    tpu.vector_store %arg3[%swap3A, %swap3A_16], %mul3A_15 {strides = array<i32>} : memref<10240x128xf32, #tpu.memory_space<vmem>>, vector<10240x128xf32>,
    return
  }
}

module attributes {stable_mosaic.version = 14 : i64} {
  func.func @_tc_mid(%arg0: memref<2x10240x128xf32, #tpu.memory_space<vmem>>, %arg1: memref<10240x128xf32, #tpu.memory_space<vmem>>, %arg2: memref<2x10240x16xf32, #tpu.memory_space<vmem>>, %arg3: memref<1x128xf32, #tpu.memory_space<vmem>>, %arg4: memref<128x64xf32, #tpu.memory_space<vmem>>, %arg5: memref<10240x64xf32, #tpu.memory_space<vmem>>) attributes {dimension_semantics = [], scalar_prefetch = 0 : i64, scratch_operands = 0 : i64, tpu.core_type = #tpu.core_type<tc>} {
    %get3A = arith.constant 0 : index
    %get3A_0 = arith.constant 0 : index
    %get3A_1 = arith.constant 0 : index
    %get3A_2 = vector.load %arg2[%get3A, %get3A_0, %get3A_1] : memref<2x10240x16xf32, #tpu.memory_space<vmem>>, vector<2x10240x16xf32>
    %slice3A = vector.extract_strided_slice %get3A_2 {offsets = [0, 0, 0], sizes = [1, 10240, 1], strides = [1, 1, 1]} : vector<2x10240x16xf32> to vector<1x10240x1xf32>
    %squeeze3A = vector.shape_cast %slice3A : vector<1x10240x1xf32> to vector<10240x1xf32>
    %add3A = arith.constant 1.000000e+00 : f32
    %add3A_3 = vector.broadcast %add3A : f32 to vector<10240x1xf32>
    %add3A_4 = arith.addf %add3A_3, %squeeze3A : vector<10240x1xf32>
    %slice3A_5 = vector.extract_strided_slice %get3A_2 {offsets = [1, 0, 0], sizes = [1, 10240, 1], strides = [1, 1, 1]} : vector<2x10240x16xf32> to vector<1x10240x1xf32>
    %squeeze3A_6 = vector.shape_cast %slice3A_5 : vector<1x10240x1xf32> to vector<10240x1xf32>
    %add3A_7 = arith.addf %add3A_4, %squeeze3A_6 : vector<10240x1xf32>
    %rsqrt3A = math.rsqrt %add3A_7 : vector<10240x1xf32>
    %get3A_8 = arith.constant 0 : index
    %get3A_9 = arith.constant 0 : index
    %get3A_10 = arith.constant 0 : index
    %get3A_11 = vector.load %arg0[%get3A_8, %get3A_9, %get3A_10] : memref<2x10240x128xf32, #tpu.memory_space<vmem>>, vector<2x10240x128xf32>
    %slice3A_12 = vector.extract_strided_slice %get3A_11 {offsets = [0, 0, 0], sizes = [1, 10240, 128], strides = [1, 1, 1]} : vector<2x10240x128xf32> to vector<1x10240x128xf32>
    %squeeze3A_13 = vector.shape_cast %slice3A_12 : vector<1x10240x128xf32> to vector<10240x128xf32>
    %slice3A_14 = vector.extract_strided_slice %get3A_11 {offsets = [1, 0, 0], sizes = [1, 10240, 128], strides = [1, 1, 1]} : vector<2x10240x128xf32> to vector<1x10240x128xf32>
    %squeeze3A_15 = vector.shape_cast %slice3A_14 : vector<1x10240x128xf32> to vector<10240x128xf32>
    %add3A_16 = arith.addf %squeeze3A_13, %squeeze3A_15 : vector<10240x128xf32>
    %get3A_17 = arith.constant 0 : index
    %get3A_18 = arith.constant 0 : index
    %get3A_19 = vector.load %arg1[%get3A_17, %get3A_18] : memref<10240x128xf32, #tpu.memory_space<vmem>>, vector<10240x128xf32>
    %add3A_20 = arith.addf %add3A_16, %get3A_19 : vector<10240x128xf32>
    %mul3A = vector.broadcast %rsqrt3A : vector<10240x1xf32> to vector<10240x128xf32>
    %mul3A_21 = arith.mulf %add3A_20, %mul3A : vector<10240x128xf32>
    %get3A_22 = arith.constant 0 : index
    %get3A_23 = arith.constant 0 : index
    %get3A_24 = vector.load %arg3[%get3A_22, %get3A_23] : memref<1x128xf32, #tpu.memory_space<vmem>>, vector<1x128xf32>
    %add3A_25 = vector.broadcast %get3A_24 : vector<1x128xf32> to vector<10240x128xf32>
    %add3A_26 = arith.addf %mul3A_21, %add3A_25 : vector<10240x128xf32>
    %max3A = arith.constant 0.000000e+00 : f32
    %max3A_27 = vector.broadcast %max3A : f32 to vector<10240x128xf32>
    %max3A_28 = arith.maximumf %add3A_26, %max3A_27 : vector<10240x128xf32>
    %get3A_29 = arith.constant 0 : index
    %get3A_30 = arith.constant 0 : index
    %get3A_31 = vector.load %arg4[%get3A_29, %get3A_30] : memref<128x64xf32, #tpu.memory_space<vmem>>, vector<128x64xf32>
    %dot_general3A = arith.constant dense<0.000000e+00> : vector<10240x64xf32>
    %dot_general3A_32 = tpu.matmul %max3A_28, %get3A_31, %dot_general3A {dimension_numbers = #tpu.dot_dimension_numbers<[1], [0], [0], [1], [0, 0, 1, 1], [], []>, transpose_lhs_hint = false} : vector<10240x128xf32>, vector<128x64xf32>, vector<10240x64xf32> -> vector<10240x64xf32>
    %mul3A_33 = vector.broadcast %rsqrt3A : vector<10240x1xf32> to vector<10240x64xf32>
    %mul3A_34 = arith.mulf %dot_general3A_32, %mul3A_33 : vector<10240x64xf32>
    %swap3A = arith.constant 0 : index
    %swap3A_35 = arith.constant 0 : index
    %swap3A_36 = vector.load %arg5[%swap3A, %swap3A_35] : memref<10240x64xf32, #tpu.memory_space<vmem>>, vector<10240x64xf32>
    tpu.vector_store %arg5[%swap3A, %swap3A_35], %mul3A_34 {strides = array<i32>} : memref<10240x64xf32, #tpu.memory_space<vmem>>, vector<10240x64xf32>,
    return
  }
}

module attributes {stable_mosaic.version = 14 : i64} {
  func.func @_tc_post(%arg0: memref<2x10240x64xf32, #tpu.memory_space<vmem>>, %arg1: memref<10240x64xf32, #tpu.memory_space<vmem>>, %arg2: memref<2x10240x16xf32, #tpu.memory_space<vmem>>, %arg3: memref<1x64xf32, #tpu.memory_space<vmem>>, %arg4: memref<10240x64xf32, #tpu.memory_space<vmem>>) attributes {dimension_semantics = [], scalar_prefetch = 0 : i64, scratch_operands = 0 : i64, tpu.core_type = #tpu.core_type<tc>} {
    %get3A = arith.constant 0 : index
    %get3A_0 = arith.constant 0 : index
    %get3A_1 = arith.constant 0 : index
    %get3A_2 = vector.load %arg2[%get3A, %get3A_0, %get3A_1] : memref<2x10240x16xf32, #tpu.memory_space<vmem>>, vector<2x10240x16xf32>
    %slice3A = vector.extract_strided_slice %get3A_2 {offsets = [0, 0, 0], sizes = [1, 10240, 1], strides = [1, 1, 1]} : vector<2x10240x16xf32> to vector<1x10240x1xf32>
    %squeeze3A = vector.shape_cast %slice3A : vector<1x10240x1xf32> to vector<10240x1xf32>
    %add3A = arith.constant 1.000000e+00 : f32
    %add3A_3 = vector.broadcast %add3A : f32 to vector<10240x1xf32>
    %add3A_4 = arith.addf %add3A_3, %squeeze3A : vector<10240x1xf32>
    %slice3A_5 = vector.extract_strided_slice %get3A_2 {offsets = [1, 0, 0], sizes = [1, 10240, 1], strides = [1, 1, 1]} : vector<2x10240x16xf32> to vector<1x10240x1xf32>
    %squeeze3A_6 = vector.shape_cast %slice3A_5 : vector<1x10240x1xf32> to vector<10240x1xf32>
    %add3A_7 = arith.addf %add3A_4, %squeeze3A_6 : vector<10240x1xf32>
    %rsqrt3A = math.rsqrt %add3A_7 : vector<10240x1xf32>
    %get3A_8 = arith.constant 0 : index
    %get3A_9 = arith.constant 0 : index
    %get3A_10 = arith.constant 0 : index
    %get3A_11 = vector.load %arg0[%get3A_8, %get3A_9, %get3A_10] : memref<2x10240x64xf32, #tpu.memory_space<vmem>>, vector<2x10240x64xf32>
    %slice3A_12 = vector.extract_strided_slice %get3A_11 {offsets = [0, 0, 0], sizes = [1, 10240, 64], strides = [1, 1, 1]} : vector<2x10240x64xf32> to vector<1x10240x64xf32>
    %squeeze3A_13 = vector.shape_cast %slice3A_12 : vector<1x10240x64xf32> to vector<10240x64xf32>
    %slice3A_14 = vector.extract_strided_slice %get3A_11 {offsets = [1, 0, 0], sizes = [1, 10240, 64], strides = [1, 1, 1]} : vector<2x10240x64xf32> to vector<1x10240x64xf32>
    %squeeze3A_15 = vector.shape_cast %slice3A_14 : vector<1x10240x64xf32> to vector<10240x64xf32>
    %add3A_16 = arith.addf %squeeze3A_13, %squeeze3A_15 : vector<10240x64xf32>
    %get3A_17 = arith.constant 0 : index
    %get3A_18 = arith.constant 0 : index
    %get3A_19 = vector.load %arg1[%get3A_17, %get3A_18] : memref<10240x64xf32, #tpu.memory_space<vmem>>, vector<10240x64xf32>
    %add3A_20 = arith.addf %add3A_16, %get3A_19 : vector<10240x64xf32>
    %mul3A = vector.broadcast %rsqrt3A : vector<10240x1xf32> to vector<10240x64xf32>
    %mul3A_21 = arith.mulf %add3A_20, %mul3A : vector<10240x64xf32>
    %get3A_22 = arith.constant 0 : index
    %get3A_23 = arith.constant 0 : index
    %get3A_24 = vector.load %arg3[%get3A_22, %get3A_23] : memref<1x64xf32, #tpu.memory_space<vmem>>, vector<1x64xf32>
    %add3A_25 = vector.broadcast %get3A_24 : vector<1x64xf32> to vector<10240x64xf32>
    %add3A_26 = arith.addf %mul3A_21, %add3A_25 : vector<10240x64xf32>
    %swap3A = arith.constant 0 : index
    %swap3A_27 = arith.constant 0 : index
    %swap3A_28 = vector.load %arg4[%swap3A, %swap3A_27] : memref<10240x64xf32, #tpu.memory_space<vmem>>, vector<10240x64xf32>
    tpu.vector_store %arg4[%swap3A, %swap3A_27], %add3A_26 {strides = array<i32>} : memref<10240x64xf32, #tpu.memory_space<vmem>>, vector<10240x64xf32>,
    return
  }
}

</mosaic_0001>

<sc_bundles>
// kernel: kernel.11.cloned.1.call-start
scs
__scs_entry_jumppad:
0x0: {  	(pc) =	sbr.rel $0x88, $3  }
0x1: {  	(tag) =	ssettag $0x0;
	lr =	simm.s32 $0x1  }
0x2: {  	[smem:$0x3F9B] =	sst lr;
	_ =	strace $0xD0000000  }
0x3: {  	_ = 	snop  }
0x4: {  	_ = 	snop  }
0x5: {  	_ = 	snop  }
0x6: {  	_ = 	snop  }
0x7: {  	_ = 	snop  }
__scs_overlays_trampoline_lowered:
0x8: {  	[smem:$0x3FAA] =	sst s0  }
0x9: {  	[smem:$0x3FAB] =	sst s1  }
0xa: {  	[smem:$0x3FAC] =	sst s2  }
0xb: {  	[smem:$0x3FAD] =	sst s3  }
0xc: {  	[smem:$0x3FAE] =	sst s4  }
0xd: {  	[smem:$0x3FAF] =	sst s5  }
0xe: {  	[smem:$0x3FB0] =	sst s6  }
0xf: {  	[smem:$0x3FB1] =	sst s7  }
0x10: {  	[smem:$0x3FB2] =	sst s8  }
0x11: {  	[smem:$0x3FB3] =	sst s9;
	s0 =	simm.s32 @!p0 $0x0  }
0x12: {  	s1 =	sld [smem:$0x3F99];
	s0 =	simm.s32 @p0 $0x1  }
0x13: {  	[smem:$0x3FB4] =	sst s0;
	s0 =	simm.s32 @!p1 $0x0  }
0x14: {  	s2 =	sld [smem:$0x3F98];
	s0 =	simm.s32 @p1 $0x1  }
0x15: {  	[smem:$0x3FB5] =	sst s0;
	s0 =	simm.s32 @!p2 $0x0  }
0x16: {  	s3 =	sld [smem:$0x3FDB];
	s0 =	simm.s32 @p2 $0x1  }
0x17: {  	s4 =	simm.s32 $0x1BF5;
	[smem:$0x3FB7] =	sst s0  }
0x18: {  	s0 =	sld [smem:$0x3F9A];
	_ =	swait.ge [sflag:s4], $0x0  }
0x19: {  	s7 =	sld [smem:$0x3F9B]  }
0x1a: {  	s8 =	sadd.s32 $0xFFFFE003, lr  }
0x1b: {  	s9 =	sadd.s32 $0xFFFFFEF7, lr;
	s5 =	simm.s32 $0xFFFFFFFF;
	p2 =	slt.u32 s8, $0xFFFFF086  }
0x1c: {  	p1 =	slt.u32 s9, $0xF7A;
	s5 =	simm.s32 @!p2 $0x0  }
0x1d: {  	s5 =	simm.s32 @p1 $0x1;
	p0 =	seq.s32 s7, s2  }
0x1e: {  	s7 =	smul.u32 @!p0 $0xF7A, s2;
	p2 =	seq.s32 @!p0 s5, $0x0  }
0x1f: {  	s9 =	smul.u32 $0xF7A, s1;
	s8 =	simm.s32 @!p0 $0x1BF5;
	p2 =	por !p2, p0  }
0x20: {  	[sflag:s8] =	ssyncset.s32 @!p0 $0xFFFFF086;
	s6 =	sadd.s32 @!p0 s3, s7;
	s7 =	simm.s32 @!p0 $0x108  }
0x21: {  	s3 =	sadd.s32 s3, s9;
	s6 =	sadd.s32 @!p0 $0x88, s6;
	s7 =	simm.s32 @p2 $0x1082  }
0x22: {  	[simem:s7], [sflag:s8] =	dma.local @!p0 [hbm:s6], $0xF7A  }
0x23: {  	s9 =	sor.u32 $0xD0000000, s2;
	s6 =	simm.s32 $0x108;
	_ =	swait.ge @!p0 [sflag:s8], $0x0  }
0x24: {  	s3 =	sadd.s32 $0x88, s3;
	s6 =	simm.s32 @!p1 $0x1082;
	[sflag:s4] =	ssyncset.s32 $0xFFFFF086  }
0x25: {  	[simem:s6], [sflag:s4] =	dma.local [hbm:s3], $0xF7A  }
0x26: {  	[smem:$0x3F9B] =	sst s1;
	(tag) =	ssettag s2;
	_ =	strace s9  }
0x27: {  	s1 =	sld [smem:$0x3FAB]  }
0x28: {  	s2 =	sld [smem:$0x3FAC]  }
0x29: {  	s4 =	sld [smem:$0x3FAE]  }
0x2a: {  	p0 =	seq.s32 s5, $0x0;
	s5 =	sld [smem:$0x3FAF]  }
0x2b: {  	s6 =	sld [smem:$0x3FB0]  }
0x2c: {  	s7 =	sld [smem:$0x3FB1]  }
0x2d: {  	s3 =	simm.s32 $0x108;
	s8 =	sld [smem:$0x3FB2]  }
0x2e: {  	s3 =	simm.s32 @!p0 $0x1082;
	s9 =	sld [smem:$0x3FB3]  }
0x2f: {  	lr =	sadd.s32 s0, s3;
	s0 =	sld [smem:$0x3FAA]  }
0x30: {  	s3 =	sld [smem:$0x3FAD]  }
0x31: {  	[smem:$0x3FB6] =	sst s10  }
0x32: {  	s10 =	sld [smem:$0x3FB4];
	_ =	sdelay $0x3  }
0x33: {  	p0 =	seq.s32 s10, $0x1;
	s10 =	sld [smem:$0x3FB6];
	_ =	sdelay $0x3  }
0x34: {  	[smem:$0x3FB6] =	sst s10  }
0x35: {  	s10 =	sld [smem:$0x3FB5];
	_ =	sdelay $0x3  }
0x36: {  	p1 =	seq.s32 s10, $0x1;
	s10 =	sld [smem:$0x3FB6];
	_ =	sdelay $0x3  }
0x37: {  	[smem:$0x3FB6] =	sst s10  }
0x38: {  	s10 =	sld [smem:$0x3FB7]  }
0x39: {  	_ = 	snop;
	(pc) =	sbr.ind lr, $3  }
0x3a: {  	_ = 	snop  }
0x3b: {  	_ = 	snop  }
0x3c: {  	p2 =	seq.s32 s10, $0x1;
	s10 =	sld [smem:$0x3FB6]  }
0x3d: {  	_ =	shalt  }
0x3e: {  	_ =	shalt  }
0x3f: {  	_ =	shalt  }
0x40: {  	_ =	shalt  }
0x41: {  	_ =	shalt  }
0x42: {  	_ =	shalt  }
0x43: {  	_ =	shalt  }
0x44: {  	_ =	shalt  }
0x45: {  	_ =	shalt  }
0x46: {  	_ =	shalt  }
0x47: {  	_ =	shalt  }
0x48: {  	_ =	shalt  }
0x49: {  	_ =	shalt  }
0x4a: {  	_ =	shalt  }
0x4b: {  	_ =	shalt  }
0x4c: {  	_ =	shalt  }
0x4d: {  	_ =	shalt  }
0x4e: {  	_ =	shalt  }
0x4f: {  	_ =	shalt  }
0x50: {  	_ =	shalt  }
0x51: {  	_ =	shalt  }
0x52: {  	_ =	shalt  }
0x53: {  	_ =	shalt  }
0x54: {  	_ =	shalt  }
0x55: {  	_ =	shalt  }
0x56: {  	_ =	shalt  }
0x57: {  	_ =	shalt  }
0x58: {  	_ =	shalt  }
0x59: {  	_ =	shalt  }
0x5a: {  	_ =	shalt  }
0x5b: {  	_ =	shalt  }
0x5c: {  	_ =	shalt  }
0x5d: {  	_ =	shalt  }
0x5e: {  	_ =	shalt  }
0x5f: {  	_ =	shalt  }
0x60: {  	_ =	shalt  }
0x61: {  	_ =	shalt  }
0x62: {  	_ =	shalt  }
0x63: {  	_ =	shalt  }
0x64: {  	_ =	shalt  }
0x65: {  	_ =	shalt  }
0x66: {  	_ =	shalt  }
0x67: {  	_ =	shalt  }
0x68: {  	_ =	shalt  }
0x69: {  	_ =	shalt  }
0x6a: {  	_ =	shalt  }
0x6b: {  	_ =	shalt  }
0x6c: {  	_ =	shalt  }
0x6d: {  	_ =	shalt  }
0x6e: {  	_ =	shalt  }
0x6f: {  	_ =	shalt  }
0x70: {  	_ =	shalt  }
0x71: {  	_ =	shalt  }
0x72: {  	_ =	shalt  }
0x73: {  	_ =	shalt  }
0x74: {  	_ =	shalt  }
0x75: {  	_ =	shalt  }
0x76: {  	_ =	shalt  }
0x77: {  	_ =	shalt  }
0x78: {  	_ =	shalt  }
0x79: {  	_ =	shalt  }
0x7a: {  	_ =	shalt  }
0x7b: {  	_ =	shalt  }
0x7c: {  	_ =	shalt  }
0x7d: {  	_ =	shalt  }
0x7e: {  	_ =	shalt  }
0x7f: {  	_ =	shalt  }
0x80: {  	_ =	shalt  }
0x81: {  	_ =	shalt  }
0x82: {  	_ =	shalt  }
0x83: {  	_ =	shalt  }
0x84: {  	_ =	shalt  }
0x85: {  	_ =	shalt  }
0x86: {  	_ =	shalt  }
0x87: {  	_ =	shalt  }
.Lfunc_end0:
.L_simem_size_0:
called_computation.1_lowered:
.L_overlay_start_0:
0x88: {  	s2 =	sld [smem:$0x3FD9]  }
0x89: {  	s3 =	sld [smem:$0x3FFE];
	_ =	sdelay $0x1  }
0x8a: {  	s1 =	srdreg.scid  }
0x8b: {  	s0 =	sand.u32 $0x1, s1  }
0x8c: {  	s17 =	sshll.u32 s0, $0xA;
	s2 =	sadd.s32 s3, s2  }
0x8d: {  	s2 =	sadd.s32 s2, s17  }
0x8e: {  	[smem:$0x3FC2] =	sst s2  }
0x8f: {  	_ = 	snop  }
0x90: {  	s2 =	sld [smem:$0x3FD0];
	(tm) =	ssettm $0x1  }
0x91: {  	s18 =	sld [smem:$0x3FFB];
	_ =	sdelay $0x3  }
0x92: {  	_ =	strace s18  }
0x93: {  	s3 =	sld [smem:$0x3FFC];
	_ =	sdelay $0x3  }
0x94: {  	_ =	strace s3  }
0x95: {  	s3 =	sld [smem:$0x3FFD];
	_ =	sdelay $0x3  }
0x96: {  	_ =	strace s3  }
0x97: {  	_ =	strace $0x8FFFFFFF  }
0x98: {  	s19 =	sld [smem:$0x3FDB];
	_ =	sdelay $0x1  }
0x99: {  	s4 =	simm.s32 $_scs_section_size  }
0x9a: {  	s5 =	simm.s32 $_size__tile_overlayer_lowered;
	s6 =	simm.s32 $_tile_overlayer_lowered  }
0x9b: {  	s22 =	simm.s32 $0x1BFF;
	s21 =	sshll.u32 s6, $0x1;
	s3 =	sadd.s32 s4, s19  }
0x9c: {  	s7 =	simm.s32 $0x0;
	s20 =	sshll.u32 s5, $0x1;
	s5 =	sadd.s32 s21, s3  }
0x9d: {  	[timem:s7], [sflag:s22] =	dma.local [hbm:s5], s20  }
0x9e: {  	_ =	swait.ge [sflag:s22], s20  }
0x9f: {  	s4 =	ssub.s32 $0x0, s20;
	[sflag:s22] =	ssyncset.done $0x0  }
0xa0: {  	[sflag:s22] =	ssyncadd.s32 s4;
	_ =	sdelay $0x1  }
0xa1: {  	s23 =	simm.s32 $0x1B8B  }
0xa2: {  	_ =	swait.ge [sflag:s23], $0x1  }
0xa3: {  	[sflag:s23] =	ssyncset.done $0x0  }
0xa4: {  	s25 =	simm.s32 $0x1B8E;
	s24 =	sld [smem:$0x3FFE];
	[sflag:s23] =	ssyncadd.s32 $0xFFFFFFFF  }
0xa5: {  	s26 =	simm.s32 $execute0_lowered;
	[smem:$0x3FD2] =	sst s25  }
0xa6: {  	s5 =	sshll.u32 s26, $0x1;
	_ =	strace $0x80000049;
	[dreg:$0x1] =	wrdreg $0xFFFFFFFF  }
0xa7: {  	s28 =	simm.s32 $_size_execute0_lowered;
	s3 =	sadd.s32 s3, s5;
	[dreg:$0x0] =	wrdreg $0x0  }
0xa8: {  	s5 =	sshll.u32 s28, $0x1;
	[dreg:$0x2] =	wrdreg s3  }
0xa9: {  	[dreg:$0x3] =	wrdreg s5  }
0xaa: {  	[dreg:$0x4] =	wrdreg $0xC0  }
0xab: {  	_ =	task [dreg:s7], $0x5FFFF  }
0xac: {  	[dreg:$0x1] =	wrdreg $0xFFFFFFFF  }
0xad: {  	[dreg:$0x0] =	wrdreg $0x60  }
0xae: {  	[dreg:$0x2] =	wrdreg s24  }
0xaf: {  	[dreg:$0x3] =	wrdreg s2  }
0xb0: {  	[dreg:$0x4] =	wrdreg $0xB8000  }
0xb1: {  	[dreg:$0x5] =	wrdreg $0x9  }
0xb2: {  	_ =	task.clear_ibuf [dreg:s7], $0x6FFFF;
	_ =	strace $0x90000049  }
0xb3: {  	s29 =	simm.s32 $0x9;
	_ =	strace $0x8000004B  }
0xb4: {  	_ =	swait.ge [sflag:s29], $0x1  }
0xb5: {  	[sflag:s29] =	ssyncadd.s32 $0xFFFFFFFF  }
0xb6: {  	_ =	strace $0x9000004B  }
0xb7: {  	_ =	sfence  }
0xb8: {  	s30 =	sld [smem:$0x0];
	_ =	sdelay $0x2  }
0xb9: {  	s31 =	sshll.u32 s1, $0xD;
	s1 =	sshrl.u32 s1, $0x2  }
0xba: {  	s3 =	sand.u32 $0x4000, s31;
	s1 =	sadd.s32 s1, s30  }
0xbb: {  	s0 =	sor.u32 s3, s0;
	s1 =	sshll.u32 s1, $0x11  }
0xbc: {  	s0 =	sor.u32 s1, s0  }
0xbd: {  	s0 =	sadd.s32 $0x8F2B, s0  }
0xbe: {  	[sflag:s0] =	ssyncadd.remote.s32 $0x1  }
0xbf: {  	_ =	sfence.sel $0xFFFF  }
0xc0: {  	[dreg:$0x0] =	wrdreg $0xFFFFFFFF;
	(pc) =	sbr.abs _section_cstart, $3  }
0xc1: {  	[dreg:$0x1] =	wrdreg $0xFFFFFFFF  }
0xc2: {  	_ =	task.clear_ibuf [dreg:s7], $0x2FFFF;
	_ =	strace $0x9FFFFFFF  }
0xc3: {  	(tm) =	ssettm $0x7FFFFFFF  }
tec
execute0_lowered:
.L_overlay_start_1:
0x0: {  	(tag) =	ssettag $0x1  }
0x1: {  	s0 =	rddreg [dreg:$0x0]  }
0x2: {  	s3 =	rddreg [dreg:$0x1]  }
0x3: {  	s1 =	rddreg [dreg:$0x2]  }
0x4: {  	s2 =	simm.s32 $0x0;
	s5 =	srdreg.scid;
	s10 =	stileid.u32  }
0x5: {  	s28 =	simm.s32 $0x1;
	s29 =	simm.s32 $0x2;
	[smem:$0x7FF] =	sst s2  }
0x6: {  	s4 =	sadd.s32 $0x66600, s0;
	s12 =	sand.u32 $0x1, s5;
	s14 =	smul.u32 $0x14000, s10  }
0x7: {  	s13 =	sadd.s32 $0xC600, s0;
	s5 =	sadd.s32 $0x2200, s0;
	s16 =	smul.u32 $0x780, s10  }
0x8: {  	s0 =	sadd.s32 $0x8E600, s0;
	s26 =	sshll.u32 s10, $0x6;
	s17 =	smul.u32 $0x1400, s10  }
0x9: {  	_ =	strace $0x8000004A;
	s6 =	ssub.s32 $0x2, s12;
	s22 =	smul.u32 $0x140000, s12  }
0xa: {  	p0 =	seq.s32 s12, $0x1;
	s7 =	sshrl.u32 s6, $0x1;
	s15 =	sadd.s32 $0x4000, s14  }
0xb: {  	s18 =	sadd.s32 $0x8000, s14;
	s19 =	sadd.s32 $0xC000, s14;
	s20 =	sadd.s32 $0x10000, s14  }
0xc: {  	s30 =	sadd.s32 s13, s16;
	s31 =	sshrl.u32 s17, $0x3;
	s16 =	sadd.s32 s3, s16  }
0xd: {  	s21 =	ssub.s32 s6, s7;
	s6 =	sadd.s32 s14, s1;
	s7 =	sor.u32 $0x1C03, s26  }
0xe: {  	s8 =	sadd.s32 s15, s1;
	s9 =	sadd.s32 s18, s1;
	[dreg:$0x4] =	wrdreg s30  }
0xf: {  	s10 =	sadd.s32 s19, s1;
	s11 =	sadd.s32 s20, s1;
	[dreg:$0x5] =	wrdreg s16  }
0x10: {  	s12 =	sadd.s32 $0x7800, s31;
	s14 =	sadd.s32 s14, s22;
	s23 =	sadd.s32 s22, s15  }
0x11: {  	s25 =	sadd.s32 s22, s18;
	s26 =	sadd.s32 s22, s19;
	s30 =	sadd.s32 s22, s20  }
0x12: {  	s22 =	simm.s32 $0x3;
	s13 =	sadd.s32 s13, s12;
	s17 =	sshrl.u32 s14, $0x3  }
0x13: {  	s3 =	sadd.s32 s3, s12;
	s24 =	sshrl.u32 s23, $0x3;
	s12 =	sshrl.u32 s26, $0x3  }
.Ltmp0:
0x14: {  	s31 =	sshrl.u32 s30, $0x3;
	s21 =	smax.u32 s21, $0x1;
	(pc) =	sbr.rel .LBB2_1-.Ltmp0, $4  }
0x15: {  	s23 =	simm.s32 $0x3C00;
	s26 =	simm.s32 $0x9800;
	[dreg:$0x6] =	wrdreg s13  }
0x16: {  	[dreg:$0x7] =	wrdreg s3;
	s16 =	sadd.s32 s0, s17;
	s17 =	sadd.s32 s0, s24  }
0x17: {  	s3 =	sshrl.u32 s25, $0x3;
	s19 =	sadd.s32 s0, s12;
	s20 =	sadd.s32 s0, s31  }
0x18: {  	s24 =	simm.s32 $0x40;
	s25 =	simm.s32 $0x7800;
	s18 =	sadd.s32 s0, s3  }
.LBB2_4:
0x19: {  	[tilespmem:s26], [sflag:$0x2] =	stream.indirect.gather [hbm4b:s4+s24], $0x80, s14, s24, $0xb8;
	[tilespmem:$0x1F800] =	vst v63  }
0x1a: {  	s13 =	simm.s32 $0x77C0;
	s14 =	simm.s32 $0x7780  }
.LBB2_8:
0x1b: {  	_ =	swait.ge [sflag:s28], $0x2000  }
0x1c: {  	[sflag:s28] =	ssyncset.done $0x0  }
0x1d: {  	[sflag:s28] =	ssyncadd.s32 $0xFFFFE000  }
0x1e: {  	[spmem:s1] =	stream.indirect.scatter.add.f32 [tilespmem:s25], [sflag:$0x3], $0x80, s14, s24, $0xb8;
	[tilespmem:$0x1F800] =	vst v63  }
0x1f: {  	_ =	swait.ge [sflag:s22], $0x2000  }
0x20: {  	[sflag:s22] =	ssyncset.done $0x0  }
0x21: {  	[sflag:s22] =	ssyncadd.s32 $0xFFFFE000  }
0x22: {  	_ =	swait.ge [sflag:s29], $0x2000  }
0x23: {  	[sflag:s29] =	ssyncset.done $0x0  }
0x24: {  	[sflag:s29] =	ssyncadd.s32 $0xFFFFE000  }
0x25: {  	[spmem:s1] =	stream.indirect.scatter.add.f32 [tilespmem:s26], [sflag:$0x3], $0x80, s13, s24, $0xb8;
	[tilespmem:$0x1F800] =	vst v63  }
0x26: {  	_ =	swait.ge [sflag:s22], $0x2000  }
0x27: {  	[sflag:s22] =	ssyncset.done $0x0  }
0x28: {  	[sflag:s22] =	ssyncadd.s32 $0xFFFFE000  }
0x29: {  	[bflag:$0x0] =	sbarrier.arrive $0xFFFF  }
0x2a: {  	[hbm:s16], [sflag:s7] =	dma.local [spmem:s30], $0x800  }
0x2b: {  	_ =	swait.ge [sflag:s22], $0x800  }
0x2c: {  	[sflag:s22] =	ssyncset.done $0x0  }
0x2d: {  	[sflag:s22] =	ssyncadd.s32 $0xFFFFF800  }
0x2e: {  	[hbm:s17], [sflag:s7] =	dma.local [spmem:s31], $0x800  }
0x2f: {  	_ =	swait.ge [sflag:s22], $0x800  }
0x30: {  	[sflag:s22] =	ssyncset.done $0x0  }
0x31: {  	[sflag:s22] =	ssyncadd.s32 $0xFFFFF800  }
0x32: {  	[hbm:s18], [sflag:s7] =	dma.local [spmem:s0], $0x800  }
0x33: {  	_ =	swait.ge [sflag:s22], $0x800  }
0x34: {  	[sflag:s22] =	ssyncset.done $0x0  }
0x35: {  	[sflag:s22] =	ssyncadd.s32 $0xFFFFF800  }
0x36: {  	[hbm:s19], [sflag:s7] =	dma.local [spmem:s3], $0x800  }
0x37: {  	s2 =	sadd.s32 $0x1, s2;
	_ =	swait.ge [sflag:s22], $0x800  }
0x38: {  	p1 =	sne.s32 s2, s21;
	[sflag:s22] =	ssyncset.done $0x0  }
.Ltmp1:
0x39: {  	[sflag:s22] =	ssyncadd.s32 $0xFFFFF800;
	(pc) =	sbr.rel @!p1 .LBB2_9-.Ltmp1, $4  }
0x3a: {  	[hbm:s20], [sflag:s7] =	dma.local [spmem:s12], $0x800  }
0x3b: {  	_ =	swait.ge [sflag:s22], $0x800  }
0x3c: {  	[sflag:s22] =	ssyncset.done $0x0  }
0x3d: {  	[sflag:s22] =	ssyncadd.s32 $0xFFFFF800  }
.LBB2_1:
0x3e: {  	s30 =	sshrl.u32 s6, $0x3  }
0x3f: {  	[spmem:s30], [sflag:s7] =	dma.local [hbm:s5], $0x800  }
0x40: {  	_ =	swait.ge [sflag:s22], $0x800  }
0x41: {  	[sflag:s22] =	ssyncset.done $0x0  }
0x42: {  	s31 =	sshrl.u32 s8, $0x3;
	[sflag:s22] =	ssyncadd.s32 $0xFFFFF800  }
0x43: {  	[spmem:s31], [sflag:s7] =	dma.local [hbm:s5], $0x800  }
0x44: {  	_ =	swait.ge [sflag:s22], $0x800  }
0x45: {  	[sflag:s22] =	ssyncset.done $0x0  }
0x46: {  	s0 =	sshrl.u32 s9, $0x3;
	[sflag:s22] =	ssyncadd.s32 $0xFFFFF800  }
0x47: {  	[spmem:s0], [sflag:s7] =	dma.local [hbm:s5], $0x800  }
0x48: {  	_ =	swait.ge [sflag:s22], $0x800  }
0x49: {  	[sflag:s22] =	ssyncset.done $0x0  }
0x4a: {  	s3 =	sshrl.u32 s10, $0x3;
	[sflag:s22] =	ssyncadd.s32 $0xFFFFF800  }
0x4b: {  	[spmem:s3], [sflag:s7] =	dma.local [hbm:s5], $0x800  }
0x4c: {  	_ =	swait.ge [sflag:s22], $0x800  }
0x4d: {  	[sflag:s22] =	ssyncset.done $0x0  }
.Ltmp2:
0x4e: {  	s12 =	sshrl.u32 s11, $0x3;
	[sflag:s22] =	ssyncadd.s32 $0xFFFFF800;
	(pc) =	sbr.rel @!p0 .LBB2_2-.Ltmp2, $4  }
0x4f: {  	[spmem:s12], [sflag:s7] =	dma.local [hbm:s5], $0x800  }
0x50: {  	_ =	swait.ge [sflag:s22], $0x800  }
0x51: {  	[sflag:s22] =	ssyncset.done $0x0  }
0x52: {  	s13 =	simm.s32 $0x0;
	[sflag:s22] =	ssyncadd.s32 $0xFFFFF800  }
0x53: {  	s14 =	rddreg [dreg:$0x6]  }
0x54: {  	[tilespmem:s13], [sflag:$0x3] =	stream.linear.gather [hbm4b:s14+s13], $0x1400, $0x38;
	[tilespmem:$0x1F800] =	vst v63  }
0x55: {  	_ =	swait.ge [sflag:s22], $0x1400  }
0x56: {  	[sflag:s22] =	ssyncset.done $0x0  }
0x57: {  	s15 =	rddreg [dreg:$0x7];
	[sflag:s22] =	ssyncadd.s32 $0xFFFFEC00  }
0x58: {  	[tilespmem:s23], [sflag:$0x3] =	stream.linear.gather [hbm4b:s15+s13], $0x1400, $0x38;
	[tilespmem:$0x1F800] =	vst v63  }
0x59: {  	_ =	swait.ge [sflag:s22], $0x1400  }
0x5a: {  	[sflag:s22] =	ssyncset.done $0x0  }
0x5b: {  	[sflag:s22] =	ssyncadd.s32 $0xFFFFEC00  }
0x5c: {  	[tilespmem:s25], [sflag:$0x1] =	stream.indirect.gather [hbm4b:s4+s24], $0x80, s13, s24, $0xb8;
	[tilespmem:$0x1F800] =	vst v63  }
0x5d: {  	_ = 	snop  }
0x5e: {  	[tilespmem:s26], [sflag:$0x2] =	stream.indirect.gather [hbm4b:s4+s24], $0x80, s24, s24, $0xb8;
	[tilespmem:$0x1F800] =	vst v63  }
0x5f: {  	_ =	swait.ge [sflag:s28], $0x2000  }
0x60: {  	[sflag:s28] =	ssyncset.done $0x0  }
0x61: {  	s15 =	simm.s32 $0x3C00;
	[sflag:s28] =	ssyncadd.s32 $0xFFFFE000  }
0x62: {  	[spmem:s1] =	stream.indirect.scatter.add.f32 [tilespmem:s25], [sflag:$0x3], $0x80, s15, s24, $0xb8;
	[tilespmem:$0x1F800] =	vst v63  }
0x63: {  	_ =	swait.ge [sflag:s22], $0x2000  }
0x64: {  	[sflag:s22] =	ssyncset.done $0x0  }
0x65: {  	s14 =	simm.s32 $0x80;
	[sflag:s22] =	ssyncadd.s32 $0xFFFFE000  }
0x66: {  	[tilespmem:s25], [sflag:$0x1] =	stream.indirect.gather [hbm4b:s4+s24], $0x80, s14, s24, $0xb8;
	[tilespmem:$0x1F800] =	vst v63  }
0x67: {  	_ =	swait.ge [sflag:s29], $0x2000  }
0x68: {  	[sflag:s29] =	ssyncset.done $0x0  }
0x69: {  	s15 =	simm.s32 $0x3C40;
	[sflag:s29] =	ssyncadd.s32 $0xFFFFE000  }
0x6a: {  	[spmem:s1] =	stream.indirect.scatter.add.f32 [tilespmem:s26], [sflag:$0x3], $0x80, s15, s24, $0xb8;
	[tilespmem:$0x1F800] =	vst v63  }
0x6b: {  	_ =	swait.ge [sflag:s22], $0x2000  }
0x6c: {  	[sflag:s22] =	ssyncset.done $0x0  }
0x6d: {  	s13 =	simm.s32 $0x200;
	s14 =	simm.s32 $0xC0;
	[sflag:s22] =	ssyncadd.s32 $0xFFFFE000  }
.LBB2_6:
0x6e: {  	[tilespmem:s26], [sflag:$0x2] =	stream.indirect.gather [hbm4b:s4+s24], $0x80, s14, s24, $0xb8;
	[tilespmem:$0x1F800] =	vst v63  }
0x6f: {  	s14 =	smov.u32 s13  }
0x70: {  	p1 =	sne.s32 s13, $0x4C00;
	s13 =	sadd.s32 $0x200, s13;
	_ =	swait.ge [sflag:s28], $0x2000  }
0x71: {  	s14 =	sshra.s32 s14, $0x2;
	[sflag:s28] =	ssyncset.done $0x0  }
0x72: {  	s15 =	sadd.s32 $0x3C00, s14;
	[sflag:s28] =	ssyncadd.s32 $0xFFFFE000  }
0x73: {  	[spmem:s1] =	stream.indirect.scatter.add.f32 [tilespmem:s25], [sflag:$0x3], $0x80, s15, s24, $0xb8;
	[tilespmem:$0x1F800] =	vst v63  }
0x74: {  	_ =	swait.ge [sflag:s22], $0x2000  }
0x75: {  	[sflag:s22] =	ssyncset.done $0x0  }
0x76: {  	s15 =	sadd.s32 $0x80, s14;
	[sflag:s22] =	ssyncadd.s32 $0xFFFFE000  }
0x77: {  	[tilespmem:s25], [sflag:$0x1] =	stream.indirect.gather [hbm4b:s4+s24], $0x80, s15, s24, $0xb8;
	[tilespmem:$0x1F800] =	vst v63  }
0x78: {  	_ =	swait.ge [sflag:s29], $0x2000  }
0x79: {  	[sflag:s29] =	ssyncset.done $0x0  }
.Ltmp3:
0x7a: {  	s15 =	sadd.s32 $0x3C40, s14;
	[sflag:s29] =	ssyncadd.s32 $0xFFFFE000;
	(pc) =	sbr.rel @p1 .LBB2_6-.Ltmp3, $4  }
0x7b: {  	[spmem:s1] =	stream.indirect.scatter.add.f32 [tilespmem:s26], [sflag:$0x3], $0x80, s15, s24, $0xb8;
	[tilespmem:$0x1F800] =	vst v63  }
0x7c: {  	_ =	swait.ge [sflag:s22], $0x2000  }
0x7d: {  	[sflag:s22] =	ssyncset.done $0x0  }
0x7e: {  	s14 =	sadd.s32 $0xC0, s14;
	[sflag:s22] =	ssyncadd.s32 $0xFFFFE000  }
.Ltmp4:
0x7f: {  	(pc) =	sbr.rel .LBB2_8-.Ltmp4, $3  }
0x80: {  	_ =	sdelay $0x1  }
0x81: {  	[tilespmem:s26], [sflag:$0x2] =	stream.indirect.gather [hbm4b:s4+s24], $0x80, s14, s24, $0xb8;
	[tilespmem:$0x1F800] =	vst v63  }
0x82: {  	s13 =	simm.s32 $0x4FC0;
	s14 =	simm.s32 $0x4F80  }
.LBB2_2:
0x83: {  	s14 =	rddreg [dreg:$0x4]  }
0x84: {  	[tilespmem:s13], [sflag:$0x3] =	stream.linear.gather [hbm4b:s14+s13], $0x3C00, $0x38;
	[tilespmem:$0x1F800] =	vst v63  }
0x85: {  	_ =	swait.ge [sflag:s22], $0x3C00  }
0x86: {  	[sflag:s22] =	ssyncset.done $0x0  }
0x87: {  	s15 =	rddreg [dreg:$0x5];
	[sflag:s22] =	ssyncadd.s32 $0xFFFFC400  }
0x88: {  	[tilespmem:s23], [sflag:$0x3] =	stream.linear.gather [hbm4b:s15+s13], $0x3C00, $0x38;
	[tilespmem:$0x1F800] =	vst v63  }
0x89: {  	_ =	swait.ge [sflag:s22], $0x3C00  }
0x8a: {  	[sflag:s22] =	ssyncset.done $0x0  }
0x8b: {  	[sflag:s22] =	ssyncadd.s32 $0xFFFFC400  }
0x8c: {  	[tilespmem:s25], [sflag:$0x1] =	stream.indirect.gather [hbm4b:s4+s24], $0x80, s13, s24, $0xb8;
	[tilespmem:$0x1F800] =	vst v63  }
0x8d: {  	_ = 	snop  }
0x8e: {  	[tilespmem:s26], [sflag:$0x2] =	stream.indirect.gather [hbm4b:s4+s24], $0x80, s24, s24, $0xb8;
	[tilespmem:$0x1F800] =	vst v63  }
0x8f: {  	_ =	swait.ge [sflag:s28], $0x2000  }
0x90: {  	[sflag:s28] =	ssyncset.done $0x0  }
0x91: {  	s15 =	simm.s32 $0x3C00;
	[sflag:s28] =	ssyncadd.s32 $0xFFFFE000  }
0x92: {  	[spmem:s1] =	stream.indirect.scatter.add.f32 [tilespmem:s25], [sflag:$0x3], $0x80, s15, s24, $0xb8;
	[tilespmem:$0x1F800] =	vst v63  }
0x93: {  	_ =	swait.ge [sflag:s22], $0x2000  }
0x94: {  	[sflag:s22] =	ssyncset.done $0x0  }
0x95: {  	s14 =	simm.s32 $0x80;
	[sflag:s22] =	ssyncadd.s32 $0xFFFFE000  }
0x96: {  	[tilespmem:s25], [sflag:$0x1] =	stream.indirect.gather [hbm4b:s4+s24], $0x80, s14, s24, $0xb8;
	[tilespmem:$0x1F800] =	vst v63  }
0x97: {  	_ =	swait.ge [sflag:s29], $0x2000  }
0x98: {  	p1 =	por $0x0, $0x0;
	[sflag:s29] =	ssyncset.done $0x0  }
.Ltmp5:
0x99: {  	s15 =	simm.s32 $0x3C40;
	[sflag:s29] =	ssyncadd.s32 $0xFFFFE000;
	(pc) =	sbr.rel @p1 .LBB2_4-.Ltmp5, $4  }
0x9a: {  	[spmem:s1] =	stream.indirect.scatter.add.f32 [tilespmem:s26], [sflag:$0x3], $0x80, s15, s24, $0xb8;
	[tilespmem:$0x1F800] =	vst v63  }
0x9b: {  	_ =	swait.ge [sflag:s22], $0x2000  }
0x9c: {  	[sflag:s22] =	ssyncset.done $0x0  }
0x9d: {  	s13 =	simm.s32 $0x200;
	s14 =	simm.s32 $0xC0;
	[sflag:s22] =	ssyncadd.s32 $0xFFFFE000  }
.LBB2_3:
0x9e: {  	[tilespmem:s26], [sflag:$0x2] =	stream.indirect.gather [hbm4b:s4+s24], $0x80, s14, s24, $0xb8;
	[tilespmem:$0x1F800] =	vst v63  }
0x9f: {  	s14 =	smov.u32 s13  }
0xa0: {  	p1 =	seq.s32 s13, $0xEC00;
	s13 =	sadd.s32 $0x200, s13;
	_ =	swait.ge [sflag:s28], $0x2000  }
0xa1: {  	s14 =	sshra.s32 s14, $0x2;
	[sflag:s28] =	ssyncset.done $0x0  }
0xa2: {  	s15 =	sadd.s32 $0x3C00, s14;
	[sflag:s28] =	ssyncadd.s32 $0xFFFFE000  }
0xa3: {  	[spmem:s1] =	stream.indirect.scatter.add.f32 [tilespmem:s25], [sflag:$0x3], $0x80, s15, s24, $0xb8;
	[tilespmem:$0x1F800] =	vst v63  }
0xa4: {  	_ =	swait.ge [sflag:s22], $0x2000  }
0xa5: {  	[sflag:s22] =	ssyncset.done $0x0  }
0xa6: {  	s15 =	sadd.s32 $0x80, s14;
	[sflag:s22] =	ssyncadd.s32 $0xFFFFE000  }
0xa7: {  	[tilespmem:s25], [sflag:$0x1] =	stream.indirect.gather [hbm4b:s4+s24], $0x80, s15, s24, $0xb8;
	[tilespmem:$0x1F800] =	vst v63  }
0xa8: {  	_ =	swait.ge [sflag:s29], $0x2000  }
0xa9: {  	[sflag:s29] =	ssyncset.done $0x0  }
.Ltmp6:
0xaa: {  	s15 =	sadd.s32 $0x3C40, s14;
	[sflag:s29] =	ssyncadd.s32 $0xFFFFE000;
	(pc) =	sbr.rel @!p1 .LBB2_3-.Ltmp6, $4  }
0xab: {  	[spmem:s1] =	stream.indirect.scatter.add.f32 [tilespmem:s26], [sflag:$0x3], $0x80, s15, s24, $0xb8;
	[tilespmem:$0x1F800] =	vst v63  }
0xac: {  	_ =	swait.ge [sflag:s22], $0x2000  }
0xad: {  	[sflag:s22] =	ssyncset.done $0x0  }
0xae: {  	s14 =	sadd.s32 $0xC0, s14;
	[sflag:s22] =	ssyncadd.s32 $0xFFFFE000  }
.Ltmp7:
0xaf: {  	_ = 	snop;
	(pc) =	sbr.rel .LBB2_4-.Ltmp7, $1  }
0xb0: {  	_ =	sdelay $0x3  }
.LBB2_9:
0xb1: {  	_ =	sfence.sel $0x180000  }
0xb2: {  	[bflag:$0x0] =	sbarrier.arrive $0xFFFF  }
0xb3: {  	_ =	strace $0x9000004A  }
0xb4: {  	s0 =	stileid.u32;
	[bflag:$0x2] =	sbarrier.arrive $0xFFFF  }
0xb5: {  	p0 =	sne.s32 s0, $0x0;
	s0 =	rddreg [dreg:$0x3]  }
0xb6: {  	s0 =	sadd.s32 @!p0 $0x100000, s0  }
0xb7: {  	[sflag:s0] =	ssyncadd.tile.s32 @!p0 $0x1;
	_ =	shalt  }
.Lfunc_end2:
_tile_overlayer_lowered:
.L_overlay_start_2:
0xb8: {  	(tag) =	ssettag $0x2  }
0xb9: {  	s0 =	rddreg [dreg:$0x0];
	s2 =	stileid.u32  }
0xba: {  	s1 =	rddreg [dreg:$0x1];
	p0 =	sne.s32 s2, $0x0  }
0xbb: {  	s3 =	rddreg [dreg:$0x2];
	[bflag:$0x3] =	sbarrier.arrive $0xFFFF;
	s2 =	simm.s32 @!p0 $0x1C03  }
0xbc: {  	[timem:s3], [sflag:s2] =	dma.local @!p0 [hbm:s0], s1  }
0xbd: {  	s0 =	simm.s32 @!p0 $0x3  }
0xbe: {  	_ =	swait.ge @!p0 [sflag:s0], s1  }
0xbf: {  	s1 =	ssub.s32 @!p0 $0x0, s1;
	[sflag:s0] =	ssyncset.done @!p0 $0x0  }
0xc0: {  	[sflag:s0] =	ssyncadd.s32 @!p0 s1  }
0xc1: {  	[bflag:$0x3] =	sbarrier.arrive $0xFFFF  }
0xc2: {  	_ =	shalt  }

// kernel: kernel.14.cloned.1.call-start
scs
__scs_entry_jumppad:
0x0: {  	(pc) =	sbr.rel $0x88, $3  }
0x1: {  	(tag) =	ssettag $0x0;
	lr =	simm.s32 $0x1  }
0x2: {  	[smem:$0x3F9B] =	sst lr;
	_ =	strace $0xD0000000  }
0x3: {  	_ = 	snop  }
0x4: {  	_ = 	snop  }
0x5: {  	_ = 	snop  }
0x6: {  	_ = 	snop  }
0x7: {  	_ = 	snop  }
__scs_overlays_trampoline_lowered:
0x8: {  	[smem:$0x3FAA] =	sst s0  }
0x9: {  	[smem:$0x3FAB] =	sst s1  }
0xa: {  	[smem:$0x3FAC] =	sst s2  }
0xb: {  	[smem:$0x3FAD] =	sst s3  }
0xc: {  	[smem:$0x3FAE] =	sst s4  }
0xd: {  	[smem:$0x3FAF] =	sst s5  }
0xe: {  	[smem:$0x3FB0] =	sst s6  }
0xf: {  	[smem:$0x3FB1] =	sst s7  }
0x10: {  	[smem:$0x3FB2] =	sst s8  }
0x11: {  	[smem:$0x3FB3] =	sst s9;
	s0 =	simm.s32 @!p0 $0x0  }
0x12: {  	s1 =	sld [smem:$0x3F99];
	s0 =	simm.s32 @p0 $0x1  }
0x13: {  	[smem:$0x3FB4] =	sst s0;
	s0 =	simm.s32 @!p1 $0x0  }
0x14: {  	s2 =	sld [smem:$0x3F98];
	s0 =	simm.s32 @p1 $0x1  }
0x15: {  	[smem:$0x3FB5] =	sst s0;
	s0 =	simm.s32 @!p2 $0x0  }
0x16: {  	s3 =	sld [smem:$0x3FDB];
	s0 =	simm.s32 @p2 $0x1  }
0x17: {  	s4 =	simm.s32 $0x1BF5;
	[smem:$0x3FB7] =	sst s0  }
0x18: {  	s0 =	sld [smem:$0x3F9A];
	_ =	swait.ge [sflag:s4], $0x0  }
0x19: {  	s7 =	sld [smem:$0x3F9B]  }
0x1a: {  	s8 =	sadd.s32 $0xFFFFE003, lr  }
0x1b: {  	s9 =	sadd.s32 $0xFFFFFEF7, lr;
	s5 =	simm.s32 $0xFFFFFFFF;
	p2 =	slt.u32 s8, $0xFFFFF086  }
0x1c: {  	p1 =	slt.u32 s9, $0xF7A;
	s5 =	simm.s32 @!p2 $0x0  }
0x1d: {  	s5 =	simm.s32 @p1 $0x1;
	p0 =	seq.s32 s7, s2  }
0x1e: {  	s7 =	smul.u32 @!p0 $0xF7A, s2;
	p2 =	seq.s32 @!p0 s5, $0x0  }
0x1f: {  	s9 =	smul.u32 $0xF7A, s1;
	s8 =	simm.s32 @!p0 $0x1BF5;
	p2 =	por !p2, p0  }
0x20: {  	[sflag:s8] =	ssyncset.s32 @!p0 $0xFFFFF086;
	s6 =	sadd.s32 @!p0 s3, s7;
	s7 =	simm.s32 @!p0 $0x108  }
0x21: {  	s3 =	sadd.s32 s3, s9;
	s6 =	sadd.s32 @!p0 $0x88, s6;
	s7 =	simm.s32 @p2 $0x1082  }
0x22: {  	[simem:s7], [sflag:s8] =	dma.local @!p0 [hbm:s6], $0xF7A  }
0x23: {  	s9 =	sor.u32 $0xD0000000, s2;
	s6 =	simm.s32 $0x108;
	_ =	swait.ge @!p0 [sflag:s8], $0x0  }
0x24: {  	s3 =	sadd.s32 $0x88, s3;
	s6 =	simm.s32 @!p1 $0x1082;
	[sflag:s4] =	ssyncset.s32 $0xFFFFF086  }
0x25: {  	[simem:s6], [sflag:s4] =	dma.local [hbm:s3], $0xF7A  }
0x26: {  	[smem:$0x3F9B] =	sst s1;
	(tag) =	ssettag s2;
	_ =	strace s9  }
0x27: {  	s1 =	sld [smem:$0x3FAB]  }
0x28: {  	s2 =	sld [smem:$0x3FAC]  }
0x29: {  	s4 =	sld [smem:$0x3FAE]  }
0x2a: {  	p0 =	seq.s32 s5, $0x0;
	s5 =	sld [smem:$0x3FAF]  }
0x2b: {  	s6 =	sld [smem:$0x3FB0]  }
0x2c: {  	s7 =	sld [smem:$0x3FB1]  }
0x2d: {  	s3 =	simm.s32 $0x108;
	s8 =	sld [smem:$0x3FB2]  }
0x2e: {  	s3 =	simm.s32 @!p0 $0x1082;
	s9 =	sld [smem:$0x3FB3]  }
0x2f: {  	lr =	sadd.s32 s0, s3;
	s0 =	sld [smem:$0x3FAA]  }
0x30: {  	s3 =	sld [smem:$0x3FAD]  }
0x31: {  	[smem:$0x3FB6] =	sst s10  }
0x32: {  	s10 =	sld [smem:$0x3FB4];
	_ =	sdelay $0x3  }
0x33: {  	p0 =	seq.s32 s10, $0x1;
	s10 =	sld [smem:$0x3FB6];
	_ =	sdelay $0x3  }
0x34: {  	[smem:$0x3FB6] =	sst s10  }
0x35: {  	s10 =	sld [smem:$0x3FB5];
	_ =	sdelay $0x3  }
0x36: {  	p1 =	seq.s32 s10, $0x1;
	s10 =	sld [smem:$0x3FB6];
	_ =	sdelay $0x3  }
0x37: {  	[smem:$0x3FB6] =	sst s10  }
0x38: {  	s10 =	sld [smem:$0x3FB7]  }
0x39: {  	_ = 	snop;
	(pc) =	sbr.ind lr, $3  }
0x3a: {  	_ = 	snop  }
0x3b: {  	_ = 	snop  }
0x3c: {  	p2 =	seq.s32 s10, $0x1;
	s10 =	sld [smem:$0x3FB6]  }
0x3d: {  	_ =	shalt  }
0x3e: {  	_ =	shalt  }
0x3f: {  	_ =	shalt  }
0x40: {  	_ =	shalt  }
0x41: {  	_ =	shalt  }
0x42: {  	_ =	shalt  }
0x43: {  	_ =	shalt  }
0x44: {  	_ =	shalt  }
0x45: {  	_ =	shalt  }
0x46: {  	_ =	shalt  }
0x47: {  	_ =	shalt  }
0x48: {  	_ =	shalt  }
0x49: {  	_ =	shalt  }
0x4a: {  	_ =	shalt  }
0x4b: {  	_ =	shalt  }
0x4c: {  	_ =	shalt  }
0x4d: {  	_ =	shalt  }
0x4e: {  	_ =	shalt  }
0x4f: {  	_ =	shalt  }
0x50: {  	_ =	shalt  }
0x51: {  	_ =	shalt  }
0x52: {  	_ =	shalt  }
0x53: {  	_ =	shalt  }
0x54: {  	_ =	shalt  }
0x55: {  	_ =	shalt  }
0x56: {  	_ =	shalt  }
0x57: {  	_ =	shalt  }
0x58: {  	_ =	shalt  }
0x59: {  	_ =	shalt  }
0x5a: {  	_ =	shalt  }
0x5b: {  	_ =	shalt  }
0x5c: {  	_ =	shalt  }
0x5d: {  	_ =	shalt  }
0x5e: {  	_ =	shalt  }
0x5f: {  	_ =	shalt  }
0x60: {  	_ =	shalt  }
0x61: {  	_ =	shalt  }
0x62: {  	_ =	shalt  }
0x63: {  	_ =	shalt  }
0x64: {  	_ =	shalt  }
0x65: {  	_ =	shalt  }
0x66: {  	_ =	shalt  }
0x67: {  	_ =	shalt  }
0x68: {  	_ =	shalt  }
0x69: {  	_ =	shalt  }
0x6a: {  	_ =	shalt  }
0x6b: {  	_ =	shalt  }
0x6c: {  	_ =	shalt  }
0x6d: {  	_ =	shalt  }
0x6e: {  	_ =	shalt  }
0x6f: {  	_ =	shalt  }
0x70: {  	_ =	shalt  }
0x71: {  	_ =	shalt  }
0x72: {  	_ =	shalt  }
0x73: {  	_ =	shalt  }
0x74: {  	_ =	shalt  }
0x75: {  	_ =	shalt  }
0x76: {  	_ =	shalt  }
0x77: {  	_ =	shalt  }
0x78: {  	_ =	shalt  }
0x79: {  	_ =	shalt  }
0x7a: {  	_ =	shalt  }
0x7b: {  	_ =	shalt  }
0x7c: {  	_ =	shalt  }
0x7d: {  	_ =	shalt  }
0x7e: {  	_ =	shalt  }
0x7f: {  	_ =	shalt  }
0x80: {  	_ =	shalt  }
0x81: {  	_ =	shalt  }
0x82: {  	_ =	shalt  }
0x83: {  	_ =	shalt  }
0x84: {  	_ =	shalt  }
0x85: {  	_ =	shalt  }
0x86: {  	_ =	shalt  }
0x87: {  	_ =	shalt  }
.Lfunc_end0:
.L_simem_size_0:
called_computation.2_lowered:
.L_overlay_start_0:
0x88: {  	s2 =	sld [smem:$0x3FD9]  }
0x89: {  	s3 =	sld [smem:$0x3FFE];
	_ =	sdelay $0x1  }
0x8a: {  	s1 =	srdreg.scid  }
0x8b: {  	s0 =	sand.u32 $0x1, s1  }
0x8c: {  	s17 =	sshll.u32 s0, $0xA;
	s2 =	sadd.s32 s3, s2  }
0x8d: {  	s2 =	sadd.s32 s2, s17  }
0x8e: {  	[smem:$0x3FC2] =	sst s2  }
0x8f: {  	_ = 	snop  }
0x90: {  	s2 =	sld [smem:$0x3FD0];
	(tm) =	ssettm $0x1  }
0x91: {  	s18 =	sld [smem:$0x3FFB];
	_ =	sdelay $0x3  }
0x92: {  	_ =	strace s18  }
0x93: {  	s3 =	sld [smem:$0x3FFC];
	_ =	sdelay $0x3  }
0x94: {  	_ =	strace s3  }
0x95: {  	s3 =	sld [smem:$0x3FFD];
	_ =	sdelay $0x3  }
0x96: {  	_ =	strace s3  }
0x97: {  	_ =	strace $0x8FFFFFFF  }
0x98: {  	s19 =	sld [smem:$0x3FDB];
	_ =	sdelay $0x1  }
0x99: {  	s4 =	simm.s32 $_scs_section_size  }
0x9a: {  	s5 =	simm.s32 $_size__tile_overlayer_lowered;
	s6 =	simm.s32 $_tile_overlayer_lowered  }
0x9b: {  	s22 =	simm.s32 $0x1BFF;
	s21 =	sshll.u32 s6, $0x1;
	s3 =	sadd.s32 s4, s19  }
0x9c: {  	s7 =	simm.s32 $0x0;
	s20 =	sshll.u32 s5, $0x1;
	s5 =	sadd.s32 s21, s3  }
0x9d: {  	[timem:s7], [sflag:s22] =	dma.local [hbm:s5], s20  }
0x9e: {  	_ =	swait.ge [sflag:s22], s20  }
0x9f: {  	s4 =	ssub.s32 $0x0, s20;
	[sflag:s22] =	ssyncset.done $0x0  }
0xa0: {  	[sflag:s22] =	ssyncadd.s32 s4;
	_ =	sdelay $0x1  }
0xa1: {  	s23 =	simm.s32 $0x1B8B  }
0xa2: {  	_ =	swait.ge [sflag:s23], $0x1  }
0xa3: {  	[sflag:s23] =	ssyncset.done $0x0  }
0xa4: {  	s25 =	simm.s32 $0x1B8E;
	s24 =	sld [smem:$0x3FFE];
	[sflag:s23] =	ssyncadd.s32 $0xFFFFFFFF  }
0xa5: {  	s26 =	simm.s32 $execute0_lowered;
	[smem:$0x3FD2] =	sst s25  }
0xa6: {  	s5 =	sshll.u32 s26, $0x1;
	_ =	strace $0x8000004C;
	[dreg:$0x1] =	wrdreg $0xFFFFFFFF  }
0xa7: {  	s28 =	simm.s32 $_size_execute0_lowered;
	s3 =	sadd.s32 s3, s5;
	[dreg:$0x0] =	wrdreg $0x0  }
0xa8: {  	s5 =	sshll.u32 s28, $0x1;
	[dreg:$0x2] =	wrdreg s3  }
0xa9: {  	[dreg:$0x3] =	wrdreg s5  }
0xaa: {  	[dreg:$0x4] =	wrdreg $0xC0  }
0xab: {  	_ =	task [dreg:s7], $0x5FFFF  }
0xac: {  	[dreg:$0x1] =	wrdreg $0xFFFFFFFF  }
0xad: {  	[dreg:$0x0] =	wrdreg $0x60  }
0xae: {  	[dreg:$0x2] =	wrdreg s24  }
0xaf: {  	[dreg:$0x3] =	wrdreg s2  }
0xb0: {  	[dreg:$0x4] =	wrdreg $0x98000  }
0xb1: {  	[dreg:$0x5] =	wrdreg $0x9  }
0xb2: {  	_ =	task.clear_ibuf [dreg:s7], $0x6FFFF;
	_ =	strace $0x9000004C  }
0xb3: {  	s29 =	simm.s32 $0x9;
	_ =	strace $0x8000004E  }
0xb4: {  	_ =	swait.ge [sflag:s29], $0x1  }
0xb5: {  	[sflag:s29] =	ssyncadd.s32 $0xFFFFFFFF  }
0xb6: {  	_ =	strace $0x9000004E  }
0xb7: {  	_ =	sfence  }
0xb8: {  	s30 =	sld [smem:$0x0];
	_ =	sdelay $0x2  }
0xb9: {  	s31 =	sshll.u32 s1, $0xD;
	s1 =	sshrl.u32 s1, $0x2  }
0xba: {  	s3 =	sand.u32 $0x4000, s31;
	s1 =	sadd.s32 s1, s30  }
0xbb: {  	s0 =	sor.u32 s3, s0;
	s1 =	sshll.u32 s1, $0x11  }
0xbc: {  	s0 =	sor.u32 s1, s0  }
0xbd: {  	s0 =	sadd.s32 $0x8F2B, s0  }
0xbe: {  	[sflag:s0] =	ssyncadd.remote.s32 $0x1  }
0xbf: {  	_ =	sfence.sel $0xFFFF  }
0xc0: {  	[dreg:$0x0] =	wrdreg $0xFFFFFFFF;
	(pc) =	sbr.abs _section_cstart, $3  }
0xc1: {  	[dreg:$0x1] =	wrdreg $0xFFFFFFFF  }
0xc2: {  	_ =	task.clear_ibuf [dreg:s7], $0x2FFFF;
	_ =	strace $0x9FFFFFFF  }
0xc3: {  	(tm) =	ssettm $0x7FFFFFFF  }
tec
execute0_lowered:
.L_overlay_start_1:
0x0: {  	(tag) =	ssettag $0x1  }
0x1: {  	s0 =	rddreg [dreg:$0x0]  }
0x2: {  	s3 =	rddreg [dreg:$0x1]  }
0x3: {  	s1 =	rddreg [dreg:$0x2]  }
0x4: {  	s2 =	simm.s32 $0x0;
	s5 =	srdreg.scid;
	s10 =	stileid.u32  }
0x5: {  	s28 =	simm.s32 $0x1;
	s29 =	simm.s32 $0x2;
	[smem:$0x7FF] =	sst s2  }
0x6: {  	s4 =	sadd.s32 $0x66600, s0;
	s12 =	sand.u32 $0x1, s5;
	s14 =	smul.u32 $0xA000, s10  }
0x7: {  	s13 =	sadd.s32 $0xC600, s0;
	s5 =	sadd.s32 $0x2200, s0;
	s16 =	smul.u32 $0x780, s10  }
0x8: {  	s0 =	sadd.s32 $0x7A600, s0;
	s26 =	sshll.u32 s10, $0x6;
	s17 =	smul.u32 $0x1400, s10  }
0x9: {  	_ =	strace $0x8000004D;
	s6 =	ssub.s32 $0x2, s12;
	s22 =	smul.u32 $0xA0000, s12  }
0xa: {  	p0 =	seq.s32 s12, $0x1;
	s7 =	sshrl.u32 s6, $0x1;
	s15 =	sadd.s32 $0x2000, s14  }
0xb: {  	s18 =	sadd.s32 $0x4000, s14;
	s19 =	sadd.s32 $0x6000, s14;
	s20 =	sadd.s32 $0x8000, s14  }
0xc: {  	s30 =	sadd.s32 s13, s16;
	s31 =	sshrl.u32 s17, $0x3;
	s16 =	sadd.s32 s3, s16  }
0xd: {  	s21 =	ssub.s32 s6, s7;
	s6 =	sadd.s32 s14, s1;
	s7 =	sor.u32 $0x1C03, s26  }
0xe: {  	s8 =	sadd.s32 s15, s1;
	s9 =	sadd.s32 s18, s1;
	[dreg:$0x4] =	wrdreg s30  }
0xf: {  	s10 =	sadd.s32 s19, s1;
	s11 =	sadd.s32 s20, s1;
	[dreg:$0x5] =	wrdreg s16  }
0x10: {  	s12 =	sadd.s32 $0x7800, s31;
	s14 =	sadd.s32 s14, s22;
	s23 =	sadd.s32 s22, s15  }
0x11: {  	s25 =	sadd.s32 s22, s18;
	s26 =	sadd.s32 s22, s19;
	s30 =	sadd.s32 s22, s20  }
0x12: {  	s22 =	simm.s32 $0x3;
	s13 =	sadd.s32 s13, s12;
	s17 =	sshrl.u32 s14, $0x3  }
0x13: {  	s3 =	sadd.s32 s3, s12;
	s24 =	sshrl.u32 s23, $0x3;
	s12 =	sshrl.u32 s26, $0x3  }
.Ltmp0:
0x14: {  	s31 =	sshrl.u32 s30, $0x3;
	s21 =	smax.u32 s21, $0x1;
	(pc) =	sbr.rel .LBB2_1-.Ltmp0, $4  }
0x15: {  	s23 =	simm.s32 $0x3C00;
	s26 =	simm.s32 $0x8800;
	[dreg:$0x6] =	wrdreg s13  }
0x16: {  	[dreg:$0x7] =	wrdreg s3;
	s16 =	sadd.s32 s0, s17;
	s17 =	sadd.s32 s0, s24  }
0x17: {  	s3 =	sshrl.u32 s25, $0x3;
	s19 =	sadd.s32 s0, s12;
	s20 =	sadd.s32 s0, s31  }
0x18: {  	s24 =	simm.s32 $0x40;
	s25 =	simm.s32 $0x7800;
	s18 =	sadd.s32 s0, s3  }
.LBB2_4:
0x19: {  	[tilespmem:s26], [sflag:$0x2] =	stream.indirect.gather [hbm4b:s4+s24], $0x40, s14, s24, $0xb8;
	[tilespmem:$0x13800] =	vst v63  }
0x1a: {  	s13 =	simm.s32 $0x77C0;
	s14 =	simm.s32 $0x7780  }
.LBB2_8:
0x1b: {  	_ =	swait.ge [sflag:s28], $0x1000  }
0x1c: {  	[sflag:s28] =	ssyncset.done $0x0  }
0x1d: {  	[sflag:s28] =	ssyncadd.s32 $0xFFFFF000  }
0x1e: {  	[spmem:s1] =	stream.indirect.scatter.add.f32 [tilespmem:s25], [sflag:$0x3], $0x40, s14, s24, $0xb8;
	[tilespmem:$0x13800] =	vst v63  }
0x1f: {  	_ =	swait.ge [sflag:s22], $0x1000  }
0x20: {  	[sflag:s22] =	ssyncset.done $0x0  }
0x21: {  	[sflag:s22] =	ssyncadd.s32 $0xFFFFF000  }
0x22: {  	_ =	swait.ge [sflag:s29], $0x1000  }
0x23: {  	[sflag:s29] =	ssyncset.done $0x0  }
0x24: {  	[sflag:s29] =	ssyncadd.s32 $0xFFFFF000  }
0x25: {  	[spmem:s1] =	stream.indirect.scatter.add.f32 [tilespmem:s26], [sflag:$0x3], $0x40, s13, s24, $0xb8;
	[tilespmem:$0x13800] =	vst v63  }
0x26: {  	_ =	swait.ge [sflag:s22], $0x1000  }
0x27: {  	[sflag:s22] =	ssyncset.done $0x0  }
0x28: {  	[sflag:s22] =	ssyncadd.s32 $0xFFFFF000  }
0x29: {  	[bflag:$0x0] =	sbarrier.arrive $0xFFFF  }
0x2a: {  	[hbm:s16], [sflag:s7] =	dma.local [spmem:s30], $0x400  }
0x2b: {  	_ =	swait.ge [sflag:s22], $0x400  }
0x2c: {  	[sflag:s22] =	ssyncset.done $0x0  }
0x2d: {  	[sflag:s22] =	ssyncadd.s32 $0xFFFFFC00  }
0x2e: {  	[hbm:s17], [sflag:s7] =	dma.local [spmem:s31], $0x400  }
0x2f: {  	_ =	swait.ge [sflag:s22], $0x400  }
0x30: {  	[sflag:s22] =	ssyncset.done $0x0  }
0x31: {  	[sflag:s22] =	ssyncadd.s32 $0xFFFFFC00  }
0x32: {  	[hbm:s18], [sflag:s7] =	dma.local [spmem:s0], $0x400  }
0x33: {  	_ =	swait.ge [sflag:s22], $0x400  }
0x34: {  	[sflag:s22] =	ssyncset.done $0x0  }
0x35: {  	[sflag:s22] =	ssyncadd.s32 $0xFFFFFC00  }
0x36: {  	[hbm:s19], [sflag:s7] =	dma.local [spmem:s3], $0x400  }
0x37: {  	s2 =	sadd.s32 $0x1, s2;
	_ =	swait.ge [sflag:s22], $0x400  }
0x38: {  	p1 =	sne.s32 s2, s21;
	[sflag:s22] =	ssyncset.done $0x0  }
.Ltmp1:
0x39: {  	[sflag:s22] =	ssyncadd.s32 $0xFFFFFC00;
	(pc) =	sbr.rel @!p1 .LBB2_9-.Ltmp1, $4  }
0x3a: {  	[hbm:s20], [sflag:s7] =	dma.local [spmem:s12], $0x400  }
0x3b: {  	_ =	swait.ge [sflag:s22], $0x400  }
0x3c: {  	[sflag:s22] =	ssyncset.done $0x0  }
0x3d: {  	[sflag:s22] =	ssyncadd.s32 $0xFFFFFC00  }
.LBB2_1:
0x3e: {  	s30 =	sshrl.u32 s6, $0x3  }
0x3f: {  	[spmem:s30], [sflag:s7] =	dma.local [hbm:s5], $0x400  }
0x40: {  	_ =	swait.ge [sflag:s22], $0x400  }
0x41: {  	[sflag:s22] =	ssyncset.done $0x0  }
0x42: {  	s31 =	sshrl.u32 s8, $0x3;
	[sflag:s22] =	ssyncadd.s32 $0xFFFFFC00  }
0x43: {  	[spmem:s31], [sflag:s7] =	dma.local [hbm:s5], $0x400  }
0x44: {  	_ =	swait.ge [sflag:s22], $0x400  }
0x45: {  	[sflag:s22] =	ssyncset.done $0x0  }
0x46: {  	s0 =	sshrl.u32 s9, $0x3;
	[sflag:s22] =	ssyncadd.s32 $0xFFFFFC00  }
0x47: {  	[spmem:s0], [sflag:s7] =	dma.local [hbm:s5], $0x400  }
0x48: {  	_ =	swait.ge [sflag:s22], $0x400  }
0x49: {  	[sflag:s22] =	ssyncset.done $0x0  }
0x4a: {  	s3 =	sshrl.u32 s10, $0x3;
	[sflag:s22] =	ssyncadd.s32 $0xFFFFFC00  }
0x4b: {  	[spmem:s3], [sflag:s7] =	dma.local [hbm:s5], $0x400  }
0x4c: {  	_ =	swait.ge [sflag:s22], $0x400  }
0x4d: {  	[sflag:s22] =	ssyncset.done $0x0  }
.Ltmp2:
0x4e: {  	s12 =	sshrl.u32 s11, $0x3;
	[sflag:s22] =	ssyncadd.s32 $0xFFFFFC00;
	(pc) =	sbr.rel @!p0 .LBB2_2-.Ltmp2, $4  }
0x4f: {  	[spmem:s12], [sflag:s7] =	dma.local [hbm:s5], $0x400  }
0x50: {  	_ =	swait.ge [sflag:s22], $0x400  }
0x51: {  	[sflag:s22] =	ssyncset.done $0x0  }
0x52: {  	s13 =	simm.s32 $0x0;
	[sflag:s22] =	ssyncadd.s32 $0xFFFFFC00  }
0x53: {  	s14 =	rddreg [dreg:$0x6]  }
0x54: {  	[tilespmem:s13], [sflag:$0x3] =	stream.linear.gather [hbm4b:s14+s13], $0x1400, $0x38;
	[tilespmem:$0x13800] =	vst v63  }
0x55: {  	_ =	swait.ge [sflag:s22], $0x1400  }
0x56: {  	[sflag:s22] =	ssyncset.done $0x0  }
0x57: {  	s15 =	rddreg [dreg:$0x7];
	[sflag:s22] =	ssyncadd.s32 $0xFFFFEC00  }
0x58: {  	[tilespmem:s23], [sflag:$0x3] =	stream.linear.gather [hbm4b:s15+s13], $0x1400, $0x38;
	[tilespmem:$0x13800] =	vst v63  }
0x59: {  	_ =	swait.ge [sflag:s22], $0x1400  }
0x5a: {  	[sflag:s22] =	ssyncset.done $0x0  }
0x5b: {  	[sflag:s22] =	ssyncadd.s32 $0xFFFFEC00  }
0x5c: {  	[tilespmem:s25], [sflag:$0x1] =	stream.indirect.gather [hbm4b:s4+s24], $0x40, s13, s24, $0xb8;
	[tilespmem:$0x13800] =	vst v63  }
0x5d: {  	_ = 	snop  }
0x5e: {  	[tilespmem:s26], [sflag:$0x2] =	stream.indirect.gather [hbm4b:s4+s24], $0x40, s24, s24, $0xb8;
	[tilespmem:$0x13800] =	vst v63  }
0x5f: {  	_ =	swait.ge [sflag:s28], $0x1000  }
0x60: {  	[sflag:s28] =	ssyncset.done $0x0  }
0x61: {  	s15 =	simm.s32 $0x3C00;
	[sflag:s28] =	ssyncadd.s32 $0xFFFFF000  }
0x62: {  	[spmem:s1] =	stream.indirect.scatter.add.f32 [tilespmem:s25], [sflag:$0x3], $0x40, s15, s24, $0xb8;
	[tilespmem:$0x13800] =	vst v63  }
0x63: {  	_ =	swait.ge [sflag:s22], $0x1000  }
0x64: {  	[sflag:s22] =	ssyncset.done $0x0  }
0x65: {  	s14 =	simm.s32 $0x80;
	[sflag:s22] =	ssyncadd.s32 $0xFFFFF000  }
0x66: {  	[tilespmem:s25], [sflag:$0x1] =	stream.indirect.gather [hbm4b:s4+s24], $0x40, s14, s24, $0xb8;
	[tilespmem:$0x13800] =	vst v63  }
0x67: {  	_ =	swait.ge [sflag:s29], $0x1000  }
0x68: {  	[sflag:s29] =	ssyncset.done $0x0  }
0x69: {  	s15 =	simm.s32 $0x3C40;
	[sflag:s29] =	ssyncadd.s32 $0xFFFFF000  }
0x6a: {  	[spmem:s1] =	stream.indirect.scatter.add.f32 [tilespmem:s26], [sflag:$0x3], $0x40, s15, s24, $0xb8;
	[tilespmem:$0x13800] =	vst v63  }
0x6b: {  	_ =	swait.ge [sflag:s22], $0x1000  }
0x6c: {  	[sflag:s22] =	ssyncset.done $0x0  }
0x6d: {  	s13 =	simm.s32 $0x200;
	s14 =	simm.s32 $0xC0;
	[sflag:s22] =	ssyncadd.s32 $0xFFFFF000  }
.LBB2_6:
0x6e: {  	[tilespmem:s26], [sflag:$0x2] =	stream.indirect.gather [hbm4b:s4+s24], $0x40, s14, s24, $0xb8;
	[tilespmem:$0x13800] =	vst v63  }
0x6f: {  	s14 =	smov.u32 s13  }
0x70: {  	p1 =	sne.s32 s13, $0x4C00;
	s13 =	sadd.s32 $0x200, s13;
	_ =	swait.ge [sflag:s28], $0x1000  }
0x71: {  	s14 =	sshra.s32 s14, $0x2;
	[sflag:s28] =	ssyncset.done $0x0  }
0x72: {  	s15 =	sadd.s32 $0x3C00, s14;
	[sflag:s28] =	ssyncadd.s32 $0xFFFFF000  }
0x73: {  	[spmem:s1] =	stream.indirect.scatter.add.f32 [tilespmem:s25], [sflag:$0x3], $0x40, s15, s24, $0xb8;
	[tilespmem:$0x13800] =	vst v63  }
0x74: {  	_ =	swait.ge [sflag:s22], $0x1000  }
0x75: {  	[sflag:s22] =	ssyncset.done $0x0  }
0x76: {  	s15 =	sadd.s32 $0x80, s14;
	[sflag:s22] =	ssyncadd.s32 $0xFFFFF000  }
0x77: {  	[tilespmem:s25], [sflag:$0x1] =	stream.indirect.gather [hbm4b:s4+s24], $0x40, s15, s24, $0xb8;
	[tilespmem:$0x13800] =	vst v63  }
0x78: {  	_ =	swait.ge [sflag:s29], $0x1000  }
0x79: {  	[sflag:s29] =	ssyncset.done $0x0  }
.Ltmp3:
0x7a: {  	s15 =	sadd.s32 $0x3C40, s14;
	[sflag:s29] =	ssyncadd.s32 $0xFFFFF000;
	(pc) =	sbr.rel @p1 .LBB2_6-.Ltmp3, $4  }
0x7b: {  	[spmem:s1] =	stream.indirect.scatter.add.f32 [tilespmem:s26], [sflag:$0x3], $0x40, s15, s24, $0xb8;
	[tilespmem:$0x13800] =	vst v63  }
0x7c: {  	_ =	swait.ge [sflag:s22], $0x1000  }
0x7d: {  	[sflag:s22] =	ssyncset.done $0x0  }
0x7e: {  	s14 =	sadd.s32 $0xC0, s14;
	[sflag:s22] =	ssyncadd.s32 $0xFFFFF000  }
.Ltmp4:
0x7f: {  	(pc) =	sbr.rel .LBB2_8-.Ltmp4, $3  }
0x80: {  	_ =	sdelay $0x1  }
0x81: {  	[tilespmem:s26], [sflag:$0x2] =	stream.indirect.gather [hbm4b:s4+s24], $0x40, s14, s24, $0xb8;
	[tilespmem:$0x13800] =	vst v63  }
0x82: {  	s13 =	simm.s32 $0x4FC0;
	s14 =	simm.s32 $0x4F80  }
.LBB2_2:
0x83: {  	s14 =	rddreg [dreg:$0x4]  }
0x84: {  	[tilespmem:s13], [sflag:$0x3] =	stream.linear.gather [hbm4b:s14+s13], $0x3C00, $0x38;
	[tilespmem:$0x13800] =	vst v63  }
0x85: {  	_ =	swait.ge [sflag:s22], $0x3C00  }
0x86: {  	[sflag:s22] =	ssyncset.done $0x0  }
0x87: {  	s15 =	rddreg [dreg:$0x5];
	[sflag:s22] =	ssyncadd.s32 $0xFFFFC400  }
0x88: {  	[tilespmem:s23], [sflag:$0x3] =	stream.linear.gather [hbm4b:s15+s13], $0x3C00, $0x38;
	[tilespmem:$0x13800] =	vst v63  }
0x89: {  	_ =	swait.ge [sflag:s22], $0x3C00  }
0x8a: {  	[sflag:s22] =	ssyncset.done $0x0  }
0x8b: {  	[sflag:s22] =	ssyncadd.s32 $0xFFFFC400  }
0x8c: {  	[tilespmem:s25], [sflag:$0x1] =	stream.indirect.gather [hbm4b:s4+s24], $0x40, s13, s24, $0xb8;
	[tilespmem:$0x13800] =	vst v63  }
0x8d: {  	_ = 	snop  }
0x8e: {  	[tilespmem:s26], [sflag:$0x2] =	stream.indirect.gather [hbm4b:s4+s24], $0x40, s24, s24, $0xb8;
	[tilespmem:$0x13800] =	vst v63  }
0x8f: {  	_ =	swait.ge [sflag:s28], $0x1000  }
0x90: {  	[sflag:s28] =	ssyncset.done $0x0  }
0x91: {  	s15 =	simm.s32 $0x3C00;
	[sflag:s28] =	ssyncadd.s32 $0xFFFFF000  }
0x92: {  	[spmem:s1] =	stream.indirect.scatter.add.f32 [tilespmem:s25], [sflag:$0x3], $0x40, s15, s24, $0xb8;
	[tilespmem:$0x13800] =	vst v63  }
0x93: {  	_ =	swait.ge [sflag:s22], $0x1000  }
0x94: {  	[sflag:s22] =	ssyncset.done $0x0  }
0x95: {  	s14 =	simm.s32 $0x80;
	[sflag:s22] =	ssyncadd.s32 $0xFFFFF000  }
0x96: {  	[tilespmem:s25], [sflag:$0x1] =	stream.indirect.gather [hbm4b:s4+s24], $0x40, s14, s24, $0xb8;
	[tilespmem:$0x13800] =	vst v63  }
0x97: {  	_ =	swait.ge [sflag:s29], $0x1000  }
0x98: {  	p1 =	por $0x0, $0x0;
	[sflag:s29] =	ssyncset.done $0x0  }
.Ltmp5:
0x99: {  	s15 =	simm.s32 $0x3C40;
	[sflag:s29] =	ssyncadd.s32 $0xFFFFF000;
	(pc) =	sbr.rel @p1 .LBB2_4-.Ltmp5, $4  }
0x9a: {  	[spmem:s1] =	stream.indirect.scatter.add.f32 [tilespmem:s26], [sflag:$0x3], $0x40, s15, s24, $0xb8;
	[tilespmem:$0x13800] =	vst v63  }
0x9b: {  	_ =	swait.ge [sflag:s22], $0x1000  }
0x9c: {  	[sflag:s22] =	ssyncset.done $0x0  }
0x9d: {  	s13 =	simm.s32 $0x200;
	s14 =	simm.s32 $0xC0;
	[sflag:s22] =	ssyncadd.s32 $0xFFFFF000  }
.LBB2_3:
0x9e: {  	[tilespmem:s26], [sflag:$0x2] =	stream.indirect.gather [hbm4b:s4+s24], $0x40, s14, s24, $0xb8;
	[tilespmem:$0x13800] =	vst v63  }
0x9f: {  	s14 =	smov.u32 s13  }
0xa0: {  	p1 =	seq.s32 s13, $0xEC00;
	s13 =	sadd.s32 $0x200, s13;
	_ =	swait.ge [sflag:s28], $0x1000  }
0xa1: {  	s14 =	sshra.s32 s14, $0x2;
	[sflag:s28] =	ssyncset.done $0x0  }
0xa2: {  	s15 =	sadd.s32 $0x3C00, s14;
	[sflag:s28] =	ssyncadd.s32 $0xFFFFF000  }
0xa3: {  	[spmem:s1] =	stream.indirect.scatter.add.f32 [tilespmem:s25], [sflag:$0x3], $0x40, s15, s24, $0xb8;
	[tilespmem:$0x13800] =	vst v63  }
0xa4: {  	_ =	swait.ge [sflag:s22], $0x1000  }
0xa5: {  	[sflag:s22] =	ssyncset.done $0x0  }
0xa6: {  	s15 =	sadd.s32 $0x80, s14;
	[sflag:s22] =	ssyncadd.s32 $0xFFFFF000  }
0xa7: {  	[tilespmem:s25], [sflag:$0x1] =	stream.indirect.gather [hbm4b:s4+s24], $0x40, s15, s24, $0xb8;
	[tilespmem:$0x13800] =	vst v63  }
0xa8: {  	_ =	swait.ge [sflag:s29], $0x1000  }
0xa9: {  	[sflag:s29] =	ssyncset.done $0x0  }
.Ltmp6:
0xaa: {  	s15 =	sadd.s32 $0x3C40, s14;
	[sflag:s29] =	ssyncadd.s32 $0xFFFFF000;
	(pc) =	sbr.rel @!p1 .LBB2_3-.Ltmp6, $4  }
0xab: {  	[spmem:s1] =	stream.indirect.scatter.add.f32 [tilespmem:s26], [sflag:$0x3], $0x40, s15, s24, $0xb8;
	[tilespmem:$0x13800] =	vst v63  }
0xac: {  	_ =	swait.ge [sflag:s22], $0x1000  }
0xad: {  	[sflag:s22] =	ssyncset.done $0x0  }
0xae: {  	s14 =	sadd.s32 $0xC0, s14;
	[sflag:s22] =	ssyncadd.s32 $0xFFFFF000  }
.Ltmp7:
0xaf: {  	_ = 	snop;
	(pc) =	sbr.rel .LBB2_4-.Ltmp7, $1  }
0xb0: {  	_ =	sdelay $0x3  }
.LBB2_9:
0xb1: {  	_ =	sfence.sel $0x180000  }
0xb2: {  	[bflag:$0x0] =	sbarrier.arrive $0xFFFF  }
0xb3: {  	_ =	strace $0x9000004D  }
0xb4: {  	s0 =	stileid.u32;
	[bflag:$0x2] =	sbarrier.arrive $0xFFFF  }
0xb5: {  	p0 =	sne.s32 s0, $0x0;
	s0 =	rddreg [dreg:$0x3]  }
0xb6: {  	s0 =	sadd.s32 @!p0 $0x100000, s0  }
0xb7: {  	[sflag:s0] =	ssyncadd.tile.s32 @!p0 $0x1;
	_ =	shalt  }
.Lfunc_end2:
_tile_overlayer_lowered:
.L_overlay_start_2:
0xb8: {  	(tag) =	ssettag $0x2  }
0xb9: {  	s0 =	rddreg [dreg:$0x0];
	s2 =	stileid.u32  }
0xba: {  	s1 =	rddreg [dreg:$0x1];
	p0 =	sne.s32 s2, $0x0  }
0xbb: {  	s3 =	rddreg [dreg:$0x2];
	[bflag:$0x3] =	sbarrier.arrive $0xFFFF;
	s2 =	simm.s32 @!p0 $0x1C03  }
0xbc: {  	[timem:s3], [sflag:s2] =	dma.local @!p0 [hbm:s0], s1  }
0xbd: {  	s0 =	simm.s32 @!p0 $0x3  }
0xbe: {  	_ =	swait.ge @!p0 [sflag:s0], s1  }
0xbf: {  	s1 =	ssub.s32 @!p0 $0x0, s1;
	[sflag:s0] =	ssyncset.done @!p0 $0x0  }
0xc0: {  	[sflag:s0] =	ssyncadd.s32 @!p0 s1  }
0xc1: {  	[bflag:$0x3] =	sbarrier.arrive $0xFFFF  }
0xc2: {  	_ =	shalt  }

// kernel: kernel.8.cloned.1.call-start
scs
__scs_entry_jumppad:
0x0: {  	(pc) =	sbr.rel $0x88, $3  }
0x1: {  	(tag) =	ssettag $0x0;
	lr =	simm.s32 $0x1  }
0x2: {  	[smem:$0x3F9B] =	sst lr;
	_ =	strace $0xD0000000  }
0x3: {  	_ = 	snop  }
0x4: {  	_ = 	snop  }
0x5: {  	_ = 	snop  }
0x6: {  	_ = 	snop  }
0x7: {  	_ = 	snop  }
__scs_overlays_trampoline_lowered:
0x8: {  	[smem:$0x3FAA] =	sst s0  }
0x9: {  	[smem:$0x3FAB] =	sst s1  }
0xa: {  	[smem:$0x3FAC] =	sst s2  }
0xb: {  	[smem:$0x3FAD] =	sst s3  }
0xc: {  	[smem:$0x3FAE] =	sst s4  }
0xd: {  	[smem:$0x3FAF] =	sst s5  }
0xe: {  	[smem:$0x3FB0] =	sst s6  }
0xf: {  	[smem:$0x3FB1] =	sst s7  }
0x10: {  	[smem:$0x3FB2] =	sst s8  }
0x11: {  	[smem:$0x3FB3] =	sst s9;
	s0 =	simm.s32 @!p0 $0x0  }
0x12: {  	s1 =	sld [smem:$0x3F99];
	s0 =	simm.s32 @p0 $0x1  }
0x13: {  	[smem:$0x3FB4] =	sst s0;
	s0 =	simm.s32 @!p1 $0x0  }
0x14: {  	s2 =	sld [smem:$0x3F98];
	s0 =	simm.s32 @p1 $0x1  }
0x15: {  	[smem:$0x3FB5] =	sst s0;
	s0 =	simm.s32 @!p2 $0x0  }
0x16: {  	s3 =	sld [smem:$0x3FDB];
	s0 =	simm.s32 @p2 $0x1  }
0x17: {  	s4 =	simm.s32 $0x1BF5;
	[smem:$0x3FB7] =	sst s0  }
0x18: {  	s0 =	sld [smem:$0x3F9A];
	_ =	swait.ge [sflag:s4], $0x0  }
0x19: {  	s7 =	sld [smem:$0x3F9B]  }
0x1a: {  	s8 =	sadd.s32 $0xFFFFE003, lr  }
0x1b: {  	s9 =	sadd.s32 $0xFFFFFEF7, lr;
	s5 =	simm.s32 $0xFFFFFFFF;
	p2 =	slt.u32 s8, $0xFFFFF086  }
0x1c: {  	p1 =	slt.u32 s9, $0xF7A;
	s5 =	simm.s32 @!p2 $0x0  }
0x1d: {  	s5 =	simm.s32 @p1 $0x1;
	p0 =	seq.s32 s7, s2  }
0x1e: {  	s7 =	smul.u32 @!p0 $0xF7A, s2;
	p2 =	seq.s32 @!p0 s5, $0x0  }
0x1f: {  	s9 =	smul.u32 $0xF7A, s1;
	s8 =	simm.s32 @!p0 $0x1BF5;
	p2 =	por !p2, p0  }
0x20: {  	[sflag:s8] =	ssyncset.s32 @!p0 $0xFFFFF086;
	s6 =	sadd.s32 @!p0 s3, s7;
	s7 =	simm.s32 @!p0 $0x108  }
0x21: {  	s3 =	sadd.s32 s3, s9;
	s6 =	sadd.s32 @!p0 $0x88, s6;
	s7 =	simm.s32 @p2 $0x1082  }
0x22: {  	[simem:s7], [sflag:s8] =	dma.local @!p0 [hbm:s6], $0xF7A  }
0x23: {  	s9 =	sor.u32 $0xD0000000, s2;
	s6 =	simm.s32 $0x108;
	_ =	swait.ge @!p0 [sflag:s8], $0x0  }
0x24: {  	s3 =	sadd.s32 $0x88, s3;
	s6 =	simm.s32 @!p1 $0x1082;
	[sflag:s4] =	ssyncset.s32 $0xFFFFF086  }
0x25: {  	[simem:s6], [sflag:s4] =	dma.local [hbm:s3], $0xF7A  }
0x26: {  	[smem:$0x3F9B] =	sst s1;
	(tag) =	ssettag s2;
	_ =	strace s9  }
0x27: {  	s1 =	sld [smem:$0x3FAB]  }
0x28: {  	s2 =	sld [smem:$0x3FAC]  }
0x29: {  	s4 =	sld [smem:$0x3FAE]  }
0x2a: {  	p0 =	seq.s32 s5, $0x0;
	s5 =	sld [smem:$0x3FAF]  }
0x2b: {  	s6 =	sld [smem:$0x3FB0]  }
0x2c: {  	s7 =	sld [smem:$0x3FB1]  }
0x2d: {  	s3 =	simm.s32 $0x108;
	s8 =	sld [smem:$0x3FB2]  }
0x2e: {  	s3 =	simm.s32 @!p0 $0x1082;
	s9 =	sld [smem:$0x3FB3]  }
0x2f: {  	lr =	sadd.s32 s0, s3;
	s0 =	sld [smem:$0x3FAA]  }
0x30: {  	s3 =	sld [smem:$0x3FAD]  }
0x31: {  	[smem:$0x3FB6] =	sst s10  }
0x32: {  	s10 =	sld [smem:$0x3FB4];
	_ =	sdelay $0x3  }
0x33: {  	p0 =	seq.s32 s10, $0x1;
	s10 =	sld [smem:$0x3FB6];
	_ =	sdelay $0x3  }
0x34: {  	[smem:$0x3FB6] =	sst s10  }
0x35: {  	s10 =	sld [smem:$0x3FB5];
	_ =	sdelay $0x3  }
0x36: {  	p1 =	seq.s32 s10, $0x1;
	s10 =	sld [smem:$0x3FB6];
	_ =	sdelay $0x3  }
0x37: {  	[smem:$0x3FB6] =	sst s10  }
0x38: {  	s10 =	sld [smem:$0x3FB7]  }
0x39: {  	_ = 	snop;
	(pc) =	sbr.ind lr, $3  }
0x3a: {  	_ = 	snop  }
0x3b: {  	_ = 	snop  }
0x3c: {  	p2 =	seq.s32 s10, $0x1;
	s10 =	sld [smem:$0x3FB6]  }
0x3d: {  	_ =	shalt  }
0x3e: {  	_ =	shalt  }
0x3f: {  	_ =	shalt  }
0x40: {  	_ =	shalt  }
0x41: {  	_ =	shalt  }
0x42: {  	_ =	shalt  }
0x43: {  	_ =	shalt  }
0x44: {  	_ =	shalt  }
0x45: {  	_ =	shalt  }
0x46: {  	_ =	shalt  }
0x47: {  	_ =	shalt  }
0x48: {  	_ =	shalt  }
0x49: {  	_ =	shalt  }
0x4a: {  	_ =	shalt  }
0x4b: {  	_ =	shalt  }
0x4c: {  	_ =	shalt  }
0x4d: {  	_ =	shalt  }
0x4e: {  	_ =	shalt  }
0x4f: {  	_ =	shalt  }
0x50: {  	_ =	shalt  }
0x51: {  	_ =	shalt  }
0x52: {  	_ =	shalt  }
0x53: {  	_ =	shalt  }
0x54: {  	_ =	shalt  }
0x55: {  	_ =	shalt  }
0x56: {  	_ =	shalt  }
0x57: {  	_ =	shalt  }
0x58: {  	_ =	shalt  }
0x59: {  	_ =	shalt  }
0x5a: {  	_ =	shalt  }
0x5b: {  	_ =	shalt  }
0x5c: {  	_ =	shalt  }
0x5d: {  	_ =	shalt  }
0x5e: {  	_ =	shalt  }
0x5f: {  	_ =	shalt  }
0x60: {  	_ =	shalt  }
0x61: {  	_ =	shalt  }
0x62: {  	_ =	shalt  }
0x63: {  	_ =	shalt  }
0x64: {  	_ =	shalt  }
0x65: {  	_ =	shalt  }
0x66: {  	_ =	shalt  }
0x67: {  	_ =	shalt  }
0x68: {  	_ =	shalt  }
0x69: {  	_ =	shalt  }
0x6a: {  	_ =	shalt  }
0x6b: {  	_ =	shalt  }
0x6c: {  	_ =	shalt  }
0x6d: {  	_ =	shalt  }
0x6e: {  	_ =	shalt  }
0x6f: {  	_ =	shalt  }
0x70: {  	_ =	shalt  }
0x71: {  	_ =	shalt  }
0x72: {  	_ =	shalt  }
0x73: {  	_ =	shalt  }
0x74: {  	_ =	shalt  }
0x75: {  	_ =	shalt  }
0x76: {  	_ =	shalt  }
0x77: {  	_ =	shalt  }
0x78: {  	_ =	shalt  }
0x79: {  	_ =	shalt  }
0x7a: {  	_ =	shalt  }
0x7b: {  	_ =	shalt  }
0x7c: {  	_ =	shalt  }
0x7d: {  	_ =	shalt  }
0x7e: {  	_ =	shalt  }
0x7f: {  	_ =	shalt  }
0x80: {  	_ =	shalt  }
0x81: {  	_ =	shalt  }
0x82: {  	_ =	shalt  }
0x83: {  	_ =	shalt  }
0x84: {  	_ =	shalt  }
0x85: {  	_ =	shalt  }
0x86: {  	_ =	shalt  }
0x87: {  	_ =	shalt  }
.Lfunc_end0:
.L_simem_size_0:
called_computation_lowered:
.L_overlay_start_0:
0x88: {  	s2 =	sld [smem:$0x3FD9]  }
0x89: {  	s3 =	sld [smem:$0x3FFE];
	_ =	sdelay $0x1  }
0x8a: {  	s1 =	srdreg.scid  }
0x8b: {  	s0 =	sand.u32 $0x1, s1  }
0x8c: {  	s17 =	sshll.u32 s0, $0xA;
	s2 =	sadd.s32 s3, s2  }
0x8d: {  	s2 =	sadd.s32 s2, s17  }
0x8e: {  	[smem:$0x3FC2] =	sst s2  }
0x8f: {  	_ = 	snop  }
0x90: {  	s2 =	sld [smem:$0x3FD0];
	(tm) =	ssettm $0x1  }
0x91: {  	s18 =	sld [smem:$0x3FFB];
	_ =	sdelay $0x3  }
0x92: {  	_ =	strace s18  }
0x93: {  	s3 =	sld [smem:$0x3FFC];
	_ =	sdelay $0x3  }
0x94: {  	_ =	strace s3  }
0x95: {  	s3 =	sld [smem:$0x3FFD];
	_ =	sdelay $0x3  }
0x96: {  	_ =	strace s3  }
0x97: {  	_ =	strace $0x8FFFFFFF  }
0x98: {  	s19 =	sld [smem:$0x3FDB];
	_ =	sdelay $0x1  }
0x99: {  	s4 =	simm.s32 $_scs_section_size  }
0x9a: {  	s5 =	simm.s32 $_size__tile_overlayer_lowered;
	s6 =	simm.s32 $_tile_overlayer_lowered  }
0x9b: {  	s22 =	simm.s32 $0x1BFF;
	s21 =	sshll.u32 s6, $0x1;
	s3 =	sadd.s32 s4, s19  }
0x9c: {  	s7 =	simm.s32 $0x0;
	s20 =	sshll.u32 s5, $0x1;
	s5 =	sadd.s32 s21, s3  }
0x9d: {  	[timem:s7], [sflag:s22] =	dma.local [hbm:s5], s20  }
0x9e: {  	_ =	swait.ge [sflag:s22], s20  }
0x9f: {  	s4 =	ssub.s32 $0x0, s20;
	[sflag:s22] =	ssyncset.done $0x0  }
0xa0: {  	[sflag:s22] =	ssyncadd.s32 s4;
	_ =	sdelay $0x1  }
0xa1: {  	s23 =	simm.s32 $0x1B8B  }
0xa2: {  	_ =	swait.ge [sflag:s23], $0x1  }
0xa3: {  	[sflag:s23] =	ssyncset.done $0x0  }
0xa4: {  	s25 =	simm.s32 $0x1B8E;
	s24 =	sld [smem:$0x3FFE];
	[sflag:s23] =	ssyncadd.s32 $0xFFFFFFFF  }
0xa5: {  	s26 =	simm.s32 $execute0_lowered;
	[smem:$0x3FD2] =	sst s25  }
0xa6: {  	s5 =	sshll.u32 s26, $0x1;
	_ =	strace $0x80000046;
	[dreg:$0x1] =	wrdreg $0xFFFFFFFF  }
0xa7: {  	s28 =	simm.s32 $_size_execute0_lowered;
	s3 =	sadd.s32 s3, s5;
	[dreg:$0x0] =	wrdreg $0x0  }
0xa8: {  	s5 =	sshll.u32 s28, $0x1;
	[dreg:$0x2] =	wrdreg s3  }
0xa9: {  	[dreg:$0x3] =	wrdreg s5  }
0xaa: {  	[dreg:$0x4] =	wrdreg $0xC0  }
0xab: {  	_ =	task [dreg:s7], $0x5FFFF  }
0xac: {  	[dreg:$0x1] =	wrdreg $0xFFFFFFFF  }
0xad: {  	[dreg:$0x0] =	wrdreg $0x60  }
0xae: {  	[dreg:$0x2] =	wrdreg s2  }
0xaf: {  	[dreg:$0x3] =	wrdreg s24  }
0xb0: {  	[dreg:$0x4] =	wrdreg $0x2C000  }
0xb1: {  	[dreg:$0x5] =	wrdreg $0x9  }
0xb2: {  	_ =	task.clear_ibuf [dreg:s7], $0x6FFFF;
	_ =	strace $0x90000046  }
0xb3: {  	s29 =	simm.s32 $0x9;
	_ =	strace $0x80000048  }
0xb4: {  	_ =	swait.ge [sflag:s29], $0x1  }
0xb5: {  	[sflag:s29] =	ssyncadd.s32 $0xFFFFFFFF  }
0xb6: {  	_ =	strace $0x90000048  }
0xb7: {  	_ =	sfence  }
0xb8: {  	s30 =	sld [smem:$0x0];
	_ =	sdelay $0x2  }
0xb9: {  	s31 =	sshll.u32 s1, $0xD;
	s1 =	sshrl.u32 s1, $0x2  }
0xba: {  	s3 =	sand.u32 $0x4000, s31;
	s1 =	sadd.s32 s1, s30  }
0xbb: {  	s0 =	sor.u32 s3, s0;
	s1 =	sshll.u32 s1, $0x11  }
0xbc: {  	s0 =	sor.u32 s1, s0  }
0xbd: {  	s0 =	sadd.s32 $0x8F2B, s0  }
0xbe: {  	[sflag:s0] =	ssyncadd.remote.s32 $0x1  }
0xbf: {  	_ =	sfence.sel $0xFFFF  }
0xc0: {  	[dreg:$0x0] =	wrdreg $0xFFFFFFFF;
	(pc) =	sbr.abs _section_cstart, $3  }
0xc1: {  	[dreg:$0x1] =	wrdreg $0xFFFFFFFF  }
0xc2: {  	_ =	task.clear_ibuf [dreg:s7], $0x2FFFF;
	_ =	strace $0x9FFFFFFF  }
0xc3: {  	(tm) =	ssettm $0x7FFFFFFF  }
tec
execute0_lowered:
.L_overlay_start_1:
0x0: {  	(tag) =	ssettag $0x1  }
0x1: {  	s6 =	rddreg [dreg:$0x0]  }
0x2: {  	s7 =	rddreg [dreg:$0x1]  }
0x3: {  	s1 =	rddreg [dreg:$0x2]  }
0x4: {  	s2 =	srdreg.scid;
	s0 =	rddreg [dreg:$0x3]  }
0x5: {  	s3 =	simm.s32 $0x0;
	s21 =	simm.s32 $0x40;
	s22 =	simm.s32 $0x0  }
0x6: {  	s8 =	sand.u32 $0x1, s2;
	s2 =	stileid.u32;
	[smem:$0x7FF] =	sst s3  }
0x7: {  	s5 =	sadd.s32 $0x2200, s7;
	s16 =	sadd.s32 $0x2600, s7;
	s4 =	sshll.u32 s8, $0x4  }
0x8: {  	_ =	strace $0x80000047;
	s9 =	ssub.s32 $0x2, s8;
	s12 =	smul.u32 $0x2800, s2  }
0x9: {  	s18 =	smul.u32 $0x28000, s8;
	s20 =	sshll.u32 s2, $0x6;
	s4 =	sor.u32 s2, s4  }
0xa: {  	s11 =	sshrl.u32 s9, $0x1;
	s20 =	sor.u32 $0x1C01, s20;
	s10 =	smul.u32 $0x500, s4  }
0xb: {  	s4 =	sadd.s32 $0x2400, s7;
	s17 =	ssub.s32 s9, s11;
	s7 =	sadd.s32 s12, s1  }
0xc: {  	s31 =	sadd.s32 $0x800, s12;
	s14 =	sadd.s32 $0x1000, s12;
	s15 =	sadd.s32 $0x1800, s12  }
0xd: {  	s19 =	sadd.s32 $0x2000, s12;
	s12 =	sadd.s32 s12, s18;
	s8 =	sadd.s32 s31, s1  }
0xe: {  	s9 =	sadd.s32 s14, s1;
	s13 =	sadd.s32 s18, s31;
	s11 =	sadd.s32 s19, s1  }
0xf: {  	s12 =	sshrl.u32 s12, $0x3;
	s14 =	sadd.s32 s18, s14;
	s17 =	smax.u32 s17, $0x1  }
0x10: {  	s6 =	sadd.s32 s6, s10;
	s10 =	sadd.s32 s15, s1;
	s13 =	sshrl.u32 s13, $0x3  }
0x11: {  	s12 =	sadd.s32 s16, s12;
	s14 =	sshrl.u32 s14, $0x3;
	s15 =	sadd.s32 s18, s15  }
0x12: {  	s18 =	sadd.s32 s18, s19;
	s19 =	simm.s32 $0x2800;
	s13 =	sadd.s32 s16, s13  }
0x13: {  	s14 =	sadd.s32 s16, s14;
	s15 =	sshrl.u32 s15, $0x3;
	s18 =	sshrl.u32 s18, $0x3  }
0x14: {  	s15 =	sadd.s32 s16, s15;
	s16 =	sadd.s32 s16, s18;
	s18 =	simm.s32 $0x1  }
.LBB2_1:
0x15: {  	[tilespmem:s3], [sflag:$0x1] =	stream.linear.gather [hbm4b:s6+s3], $0x2800, $0x38;
	[tilespmem:$0x5400] =	vst v63  }
0x16: {  	_ =	swait.ge [sflag:s18], $0x2800  }
0x17: {  	[sflag:s18] =	ssyncset.done $0x0  }
0x18: {  	[sflag:s18] =	ssyncadd.s32 $0xFFFFD800  }
0x19: {  	[tilespmem:s19], [sflag:$0x1] =	stream.linear.gather [hbm4b:s4+s3], $0x400, $0x38;
	[tilespmem:$0x5400] =	vst v63  }
0x1a: {  	_ =	swait.ge [sflag:s18], $0x400  }
0x1b: {  	[sflag:s18] =	ssyncset.done $0x0  }
0x1c: {  	s23 =	sshrl.u32 s7, $0x3;
	[sflag:s18] =	ssyncadd.s32 $0xFFFFFC00  }
0x1d: {  	[spmem:s23], [sflag:s20] =	dma.local [hbm:s5], $0x100  }
0x1e: {  	_ =	swait.ge [sflag:s18], $0x100  }
0x1f: {  	[sflag:s18] =	ssyncset.done $0x0  }
0x20: {  	s24 =	sshrl.u32 s8, $0x3;
	[sflag:s18] =	ssyncadd.s32 $0xFFFFFF00  }
0x21: {  	[spmem:s24], [sflag:s20] =	dma.local [hbm:s5], $0x100  }
0x22: {  	_ =	swait.ge [sflag:s18], $0x100  }
0x23: {  	[sflag:s18] =	ssyncset.done $0x0  }
0x24: {  	s25 =	sshrl.u32 s9, $0x3;
	[sflag:s18] =	ssyncadd.s32 $0xFFFFFF00  }
0x25: {  	[spmem:s25], [sflag:s20] =	dma.local [hbm:s5], $0x100  }
0x26: {  	_ =	swait.ge [sflag:s18], $0x100  }
0x27: {  	[sflag:s18] =	ssyncset.done $0x0  }
0x28: {  	s26 =	sshrl.u32 s10, $0x3;
	[sflag:s18] =	ssyncadd.s32 $0xFFFFFF00  }
0x29: {  	[spmem:s26], [sflag:s20] =	dma.local [hbm:s5], $0x100  }
0x2a: {  	_ =	swait.ge [sflag:s18], $0x100  }
0x2b: {  	[sflag:s18] =	ssyncset.done $0x0  }
0x2c: {  	s28 =	sshrl.u32 s11, $0x3;
	[sflag:s18] =	ssyncadd.s32 $0xFFFFFF00  }
0x2d: {  	[spmem:s28], [sflag:s20] =	dma.local [hbm:s5], $0x100  }
0x2e: {  	_ =	swait.ge [sflag:s18], $0x100  }
0x2f: {  	[sflag:s18] =	ssyncset.done $0x0  }
0x30: {  	[sflag:s18] =	ssyncadd.s32 $0xFFFFFF00  }
0x31: {  	s29 =	simm.s32 $0x0;
	[bflag:$0x0] =	sbarrier.arrive $0xFFFF  }
0x32: {  	[spmem:s1] =	stream.indirect.scatter.add.f32 [tilespmem:s19], [sflag:$0x1], $0x10, s29, s21, $0xb8;
	[tilespmem:$0x5400] =	vst v63  }
0x33: {  	_ =	swait.ge [sflag:s18], $0x400  }
0x34: {  	s29 =	simm.s32 $0x100;
	[sflag:s18] =	ssyncset.done $0x0  }
.LBB2_2:
0x35: {  	s30 =	sshra.s32 s29, $0x2;
	[sflag:s18] =	ssyncadd.s32 $0xFFFFFC00;
	p0 =	sne.s32 s29, $0x9F00  }
0x36: {  	[spmem:s1] =	stream.indirect.scatter.add.f32 [tilespmem:s19], [sflag:$0x1], $0x10, s30, s21, $0xb8;
	[tilespmem:$0x5400] =	vst v63  }
.Ltmp0:
0x37: {  	_ = 	snop;
	(pc) =	sbr.rel @p0 .LBB2_2-.Ltmp0, $4  }
0x38: {  	_ = 	snop  }
0x39: {  	s29 =	sadd.s32 $0x100, s29  }
0x3a: {  	_ =	swait.ge [sflag:s18], $0x400  }
0x3b: {  	[sflag:s18] =	ssyncset.done $0x0  }
0x3c: {  	[sflag:s18] =	ssyncadd.s32 $0xFFFFFC00  }
0x3d: {  	[bflag:$0x0] =	sbarrier.arrive $0xFFFF  }
0x3e: {  	[hbm:s12], [sflag:s20] =	dma.local [spmem:s23], $0x100  }
0x3f: {  	_ =	swait.ge [sflag:s18], $0x100  }
0x40: {  	[sflag:s18] =	ssyncset.done $0x0  }
0x41: {  	[sflag:s18] =	ssyncadd.s32 $0xFFFFFF00  }
0x42: {  	[hbm:s13], [sflag:s20] =	dma.local [spmem:s24], $0x100  }
0x43: {  	_ =	swait.ge [sflag:s18], $0x100  }
0x44: {  	[sflag:s18] =	ssyncset.done $0x0  }
0x45: {  	[sflag:s18] =	ssyncadd.s32 $0xFFFFFF00  }
0x46: {  	[hbm:s14], [sflag:s20] =	dma.local [spmem:s25], $0x100  }
0x47: {  	_ =	swait.ge [sflag:s18], $0x100  }
0x48: {  	[sflag:s18] =	ssyncset.done $0x0  }
0x49: {  	[sflag:s18] =	ssyncadd.s32 $0xFFFFFF00  }
0x4a: {  	[hbm:s15], [sflag:s20] =	dma.local [spmem:s26], $0x100  }
0x4b: {  	s22 =	sadd.s32 $0x1, s22;
	_ =	swait.ge [sflag:s18], $0x100  }
0x4c: {  	p0 =	sne.s32 s22, s17;
	[sflag:s18] =	ssyncset.done $0x0  }
.Ltmp1:
0x4d: {  	[sflag:s18] =	ssyncadd.s32 $0xFFFFFF00;
	(pc) =	sbr.rel @p0 .LBB2_1-.Ltmp1, $4  }
0x4e: {  	[hbm:s16], [sflag:s20] =	dma.local [spmem:s28], $0x100  }
0x4f: {  	_ =	swait.ge [sflag:s18], $0x100  }
0x50: {  	[sflag:s18] =	ssyncset.done $0x0  }
0x51: {  	[sflag:s18] =	ssyncadd.s32 $0xFFFFFF00  }
0x52: {  	_ =	sfence.sel $0x180000  }
0x53: {  	[bflag:$0x0] =	sbarrier.arrive $0xFFFF  }
0x54: {  	p0 =	sne.s32 s2, $0x0;
	_ =	strace $0x90000047  }
0x55: {  	s0 =	sadd.s32 @!p0 $0x100000, s0;
	[bflag:$0x2] =	sbarrier.arrive $0xFFFF  }
0x56: {  	[sflag:s0] =	ssyncadd.tile.s32 @!p0 $0x1;
	_ =	shalt  }
.Lfunc_end2:
_tile_overlayer_lowered:
.L_overlay_start_2:
0x57: {  	(tag) =	ssettag $0x2  }
0x58: {  	s0 =	rddreg [dreg:$0x0];
	s2 =	stileid.u32  }
0x59: {  	s1 =	rddreg [dreg:$0x1];
	p0 =	sne.s32 s2, $0x0  }
0x5a: {  	s3 =	rddreg [dreg:$0x2];
	[bflag:$0x3] =	sbarrier.arrive $0xFFFF;
	s2 =	simm.s32 @!p0 $0x1C01  }
0x5b: {  	[timem:s3], [sflag:s2] =	dma.local @!p0 [hbm:s0], s1  }
0x5c: {  	s0 =	simm.s32 @!p0 $0x1  }
0x5d: {  	_ =	swait.ge @!p0 [sflag:s0], s1  }
0x5e: {  	s1 =	ssub.s32 @!p0 $0x0, s1;
	[sflag:s0] =	ssyncset.done @!p0 $0x0  }
0x5f: {  	[sflag:s0] =	ssyncadd.s32 @!p0 s1  }
0x60: {  	[bflag:$0x3] =	sbarrier.arrive $0xFFFF  }
0x61: {  	_ =	shalt  }

</sc_bundles>
